<compile_context>
chip_gen: v7x
topology: tpu7x:2x2x1
jax: 0.10.2.dev20260603
libtpu: 0.0.44.dev20260713+nightly
codegen_flags: <defaults>
</compile_context>

<pallas_src>
import functools

import jax
import jax.numpy as jnp
from jax import lax
from jax.experimental import pallas as pl
from jax.experimental.pallas import tpu as pltpu
from jax.experimental.pallas import tpu_sc as plsc

_EPS = 1e-5
_NC = 2
_NS = 16
_CHUNK = 128
_BM = 2048
_NBUF = 2
_NPH = 2
_IBLK = 8


def _round_up(a: int, b: int) -> int:
    return (a + b - 1) // b * b


def _make_deg_kernel(nchunks: int, np_rows: int):
    mesh = plsc.VectorSubcoreMesh(core_axis_name="c", subcore_axis_name="s")
    nt = nchunks // _NS
    rows_sub = np_rows // _NS

    @functools.partial(
        pl.kernel,
        out_type=jax.ShapeDtypeStruct((_NC * np_rows,), jnp.float32),
        mesh=mesh,
        scratch_types=[
            pltpu.VMEM((nt, _CHUNK), jnp.int32),
            pltpu.VMEM((_CHUNK,), jnp.float32),
            pltpu.VMEM((rows_sub,), jnp.float32),
            [pltpu.SemaphoreType.DMA for _ in range(4)],
            pltpu.VMEM_SHARED((np_rows,), jnp.float32),
        ],
    )
    def deg_kernel(dst_hbm, out_hbm, idx_v, ones_v, zero_v, sems, acc_sh):
        cid = lax.axis_index("c")
        sid = lax.axis_index("s")
        z16 = jnp.zeros((16,), jnp.float32)
        o16 = jnp.ones((16,), jnp.float32)

        def zloop(i, _):
            zero_v[pl.ds(i * 16, 16)] = z16
            return 0

        lax.fori_loop(0, rows_sub // 16, zloop, 0)

        def oloop(i, _):
            ones_v[pl.ds(i * 16, 16)] = o16
            return 0

        lax.fori_loop(0, _CHUNK // 16, oloop, 0)
        pltpu.sync_copy(zero_v, acc_sh.at[pl.ds(sid * rows_sub, rows_sub)])
        plsc.subcore_barrier()
        pltpu.sync_copy(dst_hbm.at[pl.ds(sid * nt, nt)], idx_v)

        def chunk(g, _):
            j0 = g * 4
            for b in range(4):
                pltpu.async_copy(ones_v, acc_sh.at[idx_v.at[j0 + b]],
                                 sems[b], add=True)
            for b in range(4):
                pltpu.make_async_copy(ones_v, acc_sh.at[idx_v.at[0]],
                                      sems[b]).wait()
            return 0

        lax.fori_loop(0, nt // 4, chunk, 0)
        plsc.subcore_barrier()
        pltpu.sync_copy(
            acc_sh.at[pl.ds(sid * rows_sub, rows_sub)],
            out_hbm.at[pl.ds(cid * np_rows + sid * rows_sub, rows_sub)],
        )

    return deg_kernel


def _make_scatter_kernel(hdim: int, nchunks: int, np_rows: int):
    mesh = plsc.VectorSubcoreMesh(core_axis_name="c", subcore_axis_name="s")
    nt = nchunks // (_NS * _NC)
    nblk = nt // _IBLK
    rows_sub = np_rows // _NS
    bq, br = divmod(nblk, _NPH)
    phases = [bq + (i < br) for i in range(_NPH)]
    nblk_max = max(phases)

    @functools.partial(
        pl.kernel,
        out_type=jax.ShapeDtypeStruct((_NC, np_rows, hdim), jnp.float32),
        mesh=mesh,
        scratch_types=[
            pltpu.VMEM((nblk_max, _IBLK, _CHUNK), jnp.int32),
            pltpu.VMEM((nblk_max, _IBLK, _CHUNK), jnp.int32),
            [pltpu.VMEM((_CHUNK, hdim), jnp.float32) for _ in range(_NBUF)],
            [pltpu.SemaphoreType.DMA for _ in range(_NBUF)],
            [pltpu.SemaphoreType.DMA for _ in range(_NBUF)],
            pltpu.VMEM_SHARED((np_rows, hdim), jnp.float32),
        ],
    )
    def scat_kernel(tab_hbm, src_hbm, dst_hbm, out_hbm,
                    sidx, didx, bufs, gsems, ssems, acc_sh):
        cid = lax.axis_index("c")
        sid = lax.axis_index("s")
        gid = sid * _NC + cid
        z16 = jnp.zeros((16,), jnp.float32)
        buf0 = bufs[0]

        blk00 = gid * nblk
        pltpu.async_copy(src_hbm.at[pl.ds(blk00, phases[0])],
                         sidx.at[pl.ds(0, phases[0])], gsems[0])
        pltpu.async_copy(dst_hbm.at[pl.ds(blk00, phases[0])],
                         didx.at[pl.ds(0, phases[0])], gsems[1])

        def zrow(r, _):
            for k in range(hdim // 16):
                buf0[r, pl.ds(k * 16, 16)] = z16
            return 0

        lax.fori_loop(0, _CHUNK, zrow, 0)
        base = sid * rows_sub
        off = 0
        while off < rows_sub:
            step = min(_CHUNK, rows_sub - off)
            pltpu.sync_copy(buf0.at[pl.ds(0, step)],
                            acc_sh.at[pl.ds(base + off, step)])
            off += step
        pltpu.make_async_copy(src_hbm.at[pl.ds(blk00, phases[0])],
                              sidx.at[pl.ds(0, phases[0])], gsems[0]).wait()
        pltpu.make_async_copy(dst_hbm.at[pl.ds(blk00, phases[0])],
                              didx.at[pl.ds(0, phases[0])], gsems[1]).wait()
        plsc.subcore_barrier()

        def gfire(j, b):
            pltpu.async_copy(tab_hbm.at[sidx.at[j // _IBLK, j % _IBLK]],
                             bufs[b], gsems[b])

        def gwait(b):
            pltpu.make_async_copy(tab_hbm.at[sidx.at[0, 0]],
                                  bufs[b], gsems[b]).wait()

        def sfire(j, b):
            pltpu.async_copy(bufs[b], acc_sh.at[didx.at[j // _IBLK, j % _IBLK]],
                             ssems[b], add=True)

        def swait(b):
            pltpu.make_async_copy(bufs[b], acc_sh.at[didx.at[0, 0]],
                                  ssems[b]).wait()

        blk_done = 0
        for ph in range(_NPH):
            nblk_ph = phases[ph]
            ngroups = nblk_ph * _IBLK // _NBUF
            blk0 = gid * nblk + blk_done
            blk_done += nblk_ph
            if ph > 0:
                pltpu.sync_copy(src_hbm.at[pl.ds(blk0, nblk_ph)],
                                sidx.at[pl.ds(0, nblk_ph)])
                pltpu.sync_copy(dst_hbm.at[pl.ds(blk0, nblk_ph)],
                                didx.at[pl.ds(0, nblk_ph)])

            for b in range(_NBUF):
                gfire(b, b)

            def group(g, _):
                j0 = g * _NBUF
                for b in range(_NBUF):
                    gwait(b)
                    sfire(j0 + b, b)

                @pl.when(g < ngroups - 1)
                def _():
                    for b in range(_NBUF):
                        swait(b)
                        gfire(j0 + _NBUF + b, b)
                return 0

            lax.fori_loop(0, ngroups, group, 0)
            for b in range(_NBUF):
                swait(b)

        plsc.subcore_barrier()
        pltpu.sync_copy(
            acc_sh.at[pl.ds(base, rows_sub)],
            out_hbm.at[cid, pl.ds(base, rows_sub)],
        )

    return scat_kernel


def _tc1_body(x_ref, w_ref, degp_ref, o_ref):
    dinv = lax.rsqrt((degp_ref[0] + degp_ref[1]) * 0.5)
    xs = x_ref[...] * dinv
    o_ref[...] = jnp.dot(xs, w_ref[...], preferred_element_type=jnp.float32)


def _tc2_body(p_ref, degp_ref, w_ref, b_ref, o_ref):
    dinv = lax.rsqrt((degp_ref[0] + degp_ref[1]) * 0.5)
    m = p_ref[0] + p_ref[1]
    z = jnp.maximum(m * dinv + b_ref[...], 0.0) * dinv
    o_ref[...] = jnp.dot(z, w_ref[...], preferred_element_type=jnp.float32)


def _tc3_body(p_ref, degp_ref, b_ref, wfc_ref, bfc_ref, o_ref):
    dinv = lax.rsqrt((degp_ref[0] + degp_ref[1]) * 0.5)
    m = p_ref[0] + p_ref[1]
    z = jnp.maximum(m * dinv + b_ref[...], 0.0)
    o_ref[...] = jnp.dot(z, wfc_ref[...], preferred_element_type=jnp.float32) + bfc_ref[...]


def _tc1_call(x, w1f, d3, n, d, hdim, interpret=False):
    grid = (pl.cdiv(n, _BM),)
    return pl.pallas_call(
        _tc1_body,
        grid=grid,
        in_specs=[
            pl.BlockSpec((_BM, d), lambda i: (i, 0)),
            pl.BlockSpec((d, hdim), lambda i: (0, 0)),
            pl.BlockSpec((_NC, _BM, 1), lambda i: (0, i, 0)),
        ],
        out_specs=pl.BlockSpec((_BM, hdim), lambda i: (i, 0)),
        out_shape=jax.ShapeDtypeStruct((n, hdim), jnp.float32),
        interpret=interpret,
    )(x, w1f, d3)


def _tc2_call(p1, d3, w2, b1f, n, hdim, interpret=False):
    grid = (pl.cdiv(n, _BM),)
    return pl.pallas_call(
        _tc2_body,
        grid=grid,
        in_specs=[
            pl.BlockSpec((_NC, _BM, hdim), lambda i: (0, i, 0)),
            pl.BlockSpec((_NC, _BM, 1), lambda i: (0, i, 0)),
            pl.BlockSpec((hdim, hdim), lambda i: (0, 0)),
            pl.BlockSpec((1, hdim), lambda i: (0, 0)),
        ],
        out_specs=pl.BlockSpec((_BM, hdim), lambda i: (i, 0)),
        out_shape=jax.ShapeDtypeStruct((n, hdim), jnp.float32),
        interpret=interpret,
    )(p1, d3, w2, b1f)


def _tc3_call(p2, d3, b2, wfc, bfc, n, hdim, interpret=False):
    grid = (pl.cdiv(n, _BM),)
    return pl.pallas_call(
        _tc3_body,
        grid=grid,
        in_specs=[
            pl.BlockSpec((_NC, _BM, hdim), lambda i: (0, i, 0)),
            pl.BlockSpec((_NC, _BM, 1), lambda i: (0, i, 0)),
            pl.BlockSpec((1, hdim), lambda i: (0, 0)),
            pl.BlockSpec((hdim, 1), lambda i: (0, 0)),
            pl.BlockSpec((1, 1), lambda i: (0, 0)),
        ],
        out_specs=pl.BlockSpec((_BM, 1), lambda i: (i, 0)),
        out_shape=jax.ShapeDtypeStruct((n, 1), jnp.float32),
        interpret=interpret,
    )(p2, d3, b2, wfc, bfc)


def kernel(x, edge_index, W1, b1, gamma, beta, run_mean, run_var, W2, b2, Wfc, bfc):
    n, d = x.shape
    hdim = W1.shape[1]
    e = edge_index.shape[1]

    ep = _round_up(e + n, _NS * _NC * _CHUNK * _IBLK)
    nchunks = ep // _CHUNK
    np_rows = _round_up(n + 1, _NS * _CHUNK)
    pad = ep - e - n
    loop = jnp.arange(n, dtype=jnp.int32)
    pad_src = jnp.arange(pad, dtype=jnp.int32) % n
    pad_dst = n + jnp.arange(pad, dtype=jnp.int32) % (np_rows - n)
    src = jnp.concatenate([edge_index[0], loop, pad_src])
    dst = jnp.concatenate([edge_index[1], loop, pad_dst])
    srcp = src.reshape(nchunks // _IBLK, _IBLK, _CHUNK)
    dstp3 = dst.reshape(nchunks // _IBLK, _IBLK, _CHUNK)
    dstp = dst.reshape(nchunks, _CHUNK)

    s = gamma * lax.rsqrt(run_var + _EPS)
    w1f = W1 * s[None, :]
    b1f = (b1 * s + (beta - run_mean * s)).reshape(1, hdim)
    b2r = b2.reshape(1, hdim)
    bfcr = bfc.reshape(1, 1)

    deg_fn = _make_deg_kernel(nchunks, np_rows)
    scat_fn = _make_scatter_kernel(hdim, nchunks, np_rows)

    degp = deg_fn(dstp)
    d3 = degp.reshape(_NC, np_rows, 1)

    h1 = _tc1_call(x, w1f, d3, n, d, hdim)
    p1 = scat_fn(h1, srcp, dstp3)
    h2 = _tc2_call(p1, d3, W2, b1f, n, hdim)
    p2 = scat_fn(h2, srcp, dstp3)
    preds = _tc3_call(p2, d3, b2r, Wfc, bfcr, n, hdim)
    return preds[:, 0]

# --- scband reference (transcript-rebuilt; emitter-appended) ---
"""Pipeline reference for scband-gcn-47837345743091 (READ-ONLY COPY).

The authoritative reference and input builder live on the scoring server;
editing this copy changes nothing except your own understanding.
"""

import jax, jax.numpy as jnp
import numpy as np

N = 10000
E = 320000
D = 128
H = 128
EPS = 1e-5


def gcn_conv(x, edge_index, W, b):
    num_nodes = x.shape[0]
    loop = jnp.arange(num_nodes, dtype=edge_index.dtype)
    src = jnp.concatenate([edge_index[0], loop])
    dst = jnp.concatenate([edge_index[1], loop])
    deg = jnp.zeros((num_nodes,), jnp.float32).at[dst].add(1.0)
    dinv = jnp.where(deg > 0, 1.0 / jnp.sqrt(deg), 0.0)
    norm = dinv[src] * dinv[dst]
    h = x @ W
    msg = h[src] * norm[:, None]
    out = jnp.zeros((num_nodes, W.shape[1]), jnp.float32).at[dst].add(msg)
    return out + b


def setup_inputs(seed: int = 0) -> dict:
    key = jax.random.key(seed)
    ks = jax.random.split(key, 10)
    x = jax.random.normal(ks[0], (N, D), dtype=jnp.float32)
    edge_index = jax.random.randint(ks[1], (2, E), 0, N, dtype=jnp.int32)
    s1 = float(np.sqrt(6.0 / (D + H)))
    W1 = jax.random.uniform(ks[2], (D, H), jnp.float32, -s1, s1)
    b1 = jnp.zeros((H,), jnp.float32)
    gamma = jnp.ones((H,), jnp.float32)
    beta = jnp.zeros((H,), jnp.float32)
    run_mean = jnp.zeros((H,), jnp.float32)
    run_var = jnp.ones((H,), jnp.float32)
    s2 = float(np.sqrt(6.0 / (H + H)))
    W2 = jax.random.uniform(ks[3], (H, H), jnp.float32, -s2, s2)
    b2 = jnp.zeros((H,), jnp.float32)
    s3 = float(np.sqrt(6.0 / (H + 1)))
    Wfc = jax.random.uniform(ks[4], (H, 1), jnp.float32, -s3, s3)
    bfc = jnp.zeros((1,), jnp.float32)
    return {"x": x, "edge_index": edge_index, "W1": W1, "b1": b1, "gamma": gamma,
            "beta": beta, "run_mean": run_mean, "run_var": run_var,
            "W2": W2, "b2": b2, "Wfc": Wfc, "bfc": bfc}


def reference(x, edge_index, W1, b1, gamma, beta, run_mean, run_var, W2, b2, Wfc, bfc):
    # eval mode: dropout is identity, BatchNorm1d uses running stats
    h = gcn_conv(x, edge_index, W1, b1)
    h = (h - run_mean) / jnp.sqrt(run_var + EPS) * gamma + beta
    h = jax.nn.relu(h)
    h = jax.nn.relu(gcn_conv(h, edge_index, W2, b2))
    preds = h @ Wfc + bfc
    return preds.squeeze()

if __name__ == "__main__":
    import jax
    _d = setup_inputs()
    print(jax.jit(kernel)(*tuple(_d.values())))

</pallas_src>

<mosaic_0001>
#map = affine_map<(d0, d1) -> (0, 0)>
#map1 = affine_map<(d0, d1) -> (0)>
module attributes {stable_mosaic.version = 14 : i64} {
  func.func @deg_kernel(%arg0: i32, %arg1: i32, %arg2: memref<2816x128xi32, #tpu.memory_space<hbm>>, %arg3: memref<20480xf32, #tpu.memory_space<hbm>>, %arg4: memref<176x128xi32, #tpu.memory_space<vmem>>, %arg5: memref<128xf32, #tpu.memory_space<vmem>>, %arg6: memref<640xf32, #tpu.memory_space<vmem>>, %arg7: memref<!tpu.dma_semaphore, #tpu.memory_space<semaphore_mem>>, %arg8: memref<!tpu.dma_semaphore, #tpu.memory_space<semaphore_mem>>, %arg9: memref<!tpu.dma_semaphore, #tpu.memory_space<semaphore_mem>>, %arg10: memref<!tpu.dma_semaphore, #tpu.memory_space<semaphore_mem>>, %arg11: memref<10240xf32, #tpu.memory_space<vmem_shared>>) attributes {dimension_semantics = [#tpu.dimension_semantics<core_parallel>, #tpu.dimension_semantics<subcore_parallel>], iteration_bounds = array<i64: 2, 16>, scalar_prefetch = 0 : i64, scratch_operands = 8 : i64, tpu.core_type = #tpu.core_type<sc_vector_subcore>, window_params = [{transform_indices = #map}, {transform_indices = #map1}]} {
    %broadcast_in_dim3A = arith.constant 0.000000e+00 : f32
    %broadcast_in_dim3A_0 = vector.broadcast %broadcast_in_dim3A : f32 to vector<16xf32>
    %broadcast_in_dim3A_1 = arith.constant 1.000000e+00 : f32
    %broadcast_in_dim3A_2 = vector.broadcast %broadcast_in_dim3A_1 : f32 to vector<16xf32>
    %scan3A = arith.constant 0 : i32
    %scan3A_3 = arith.constant 0 : i32
    %scan3A_4 = arith.constant 40 : i32
    %scan3A_5 = arith.addi %scan3A_3, %scan3A_4 : i32
    %scan3A_6 = arith.constant 1 : i32
    %scan3A_7 = scf.for %scan3A_33 = %scan3A_3 to %scan3A_5 step %scan3A_6 iter_args(%scan3A_34 = %scan3A) -> (i32)  : i32 {
      %mul3A_35 = arith.constant 16 : i32
      %mul3A_36 = arith.muli %scan3A_33, %mul3A_35 : i32
      %swap3A = arith.index_cast %mul3A_36 : i32 to index
      %swap3A_37 = tpu.vector_load %arg6[%swap3A] {strides = array<i32>} : memref<640xf32, #tpu.memory_space<vmem>>, vector<16xf32>,
      %swap3A_38 = vector.shape_cast %swap3A_37 : vector<16xf32> to vector<16xf32>
      %swap3A_39 = vector.shape_cast %broadcast_in_dim3A_0 : vector<16xf32> to vector<16xf32>
      tpu.vector_store %arg6[%swap3A], %swap3A_39 {strides = array<i32>} : memref<640xf32, #tpu.memory_space<vmem>>, vector<16xf32>,
      %scan3A_40 = arith.constant 0 : i32
      scf.yield %scan3A_40 : i32
    }
    %scan3A_8 = arith.constant 40 : i32
    %scan3A_9 = arith.constant 0 : i32
    %scan3A_10 = arith.constant 0 : i32
    %scan3A_11 = arith.constant 8 : i32
    %scan3A_12 = arith.addi %scan3A_10, %scan3A_11 : i32
    %scan3A_13 = arith.constant 1 : i32
    %scan3A_14 = scf.for %scan3A_33 = %scan3A_10 to %scan3A_12 step %scan3A_13 iter_args(%scan3A_34 = %scan3A_9) -> (i32)  : i32 {
      %mul3A_35 = arith.constant 16 : i32
      %mul3A_36 = arith.muli %scan3A_33, %mul3A_35 : i32
      %swap3A = arith.index_cast %mul3A_36 : i32 to index
      %swap3A_37 = tpu.vector_load %arg5[%swap3A] {strides = array<i32>} : memref<128xf32, #tpu.memory_space<vmem>>, vector<16xf32>,
      %swap3A_38 = vector.shape_cast %swap3A_37 : vector<16xf32> to vector<16xf32>
      %swap3A_39 = vector.shape_cast %broadcast_in_dim3A_2 : vector<16xf32> to vector<16xf32>
      tpu.vector_store %arg5[%swap3A], %swap3A_39 {strides = array<i32>} : memref<128xf32, #tpu.memory_space<vmem>>, vector<16xf32>,
      %scan3A_40 = arith.constant 0 : i32
      scf.yield %scan3A_40 : i32
    }
    %scan3A_15 = arith.constant 8 : i32
    %mul3A = arith.constant 640 : i32
    %mul3A_16 = arith.muli %arg1, %mul3A : i32
    "tpu.region"() ({
      %run_scoped3A = tpu.sem_alloc : memref<!tpu.dma_semaphore, #tpu.memory_space<semaphore_mem>>
      %dma_start3A = tpu.memref_slice %arg11[%mul3A_16] : memref<10240xf32, #tpu.memory_space<vmem_shared>> -> memref<640xf32, #tpu.memory_space<vmem_shared>>
      %dma_start3A_33 = tpu.memref_slice %arg11[%mul3A_16] : memref<10240xf32, #tpu.memory_space<vmem_shared>> -> memref<640xf32, #tpu.memory_space<vmem_shared>>
      tpu.enqueue_dma source(%arg6 : memref<640xf32, #tpu.memory_space<vmem>>) target(%dma_start3A_33 : memref<640xf32, #tpu.memory_space<vmem_shared>>) target_semaphore(%run_scoped3A : memref<!tpu.dma_semaphore, #tpu.memory_space<semaphore_mem>>)
      %dma_wait3A = tpu.memref_slice %arg11[%mul3A_16] : memref<10240xf32, #tpu.memory_space<vmem_shared>> -> memref<640xf32, #tpu.memory_space<vmem_shared>>
      %dma_wait3A_34 = tpu.memref_slice %arg11[%mul3A_16] : memref<10240xf32, #tpu.memory_space<vmem_shared>> -> memref<640xf32, #tpu.memory_space<vmem_shared>>
      tpu.wait_dma2 semaphore(%run_scoped3A : memref<!tpu.dma_semaphore, #tpu.memory_space<semaphore_mem>>) src(%arg6 : memref<640xf32, #tpu.memory_space<vmem>>) dst(%dma_wait3A_34 : memref<640xf32, #tpu.memory_space<vmem_shared>>)
      tpu.yield
    }) : () -> ()
    %barrier3A = arith.constant 0 : index
    tpu.barrier barrier_id(%barrier3A)
    %mul3A_17 = arith.constant 176 : i32
    %mul3A_18 = arith.muli %arg1, %mul3A_17 : i32
    "tpu.region"() ({
      %run_scoped3A = tpu.sem_alloc : memref<!tpu.dma_semaphore, #tpu.memory_space<semaphore_mem>>
      %dma_start3A = arith.constant 0 : i32
      %dma_start3A_33 = tpu.memref_slice %arg2[%mul3A_18, %dma_start3A] : memref<2816x128xi32, #tpu.memory_space<hbm>> -> memref<176x128xi32, #tpu.memory_space<hbm>>
      %dma_start3A_34 = arith.constant 0 : i32
      %dma_start3A_35 = tpu.memref_slice %arg2[%mul3A_18, %dma_start3A_34] : memref<2816x128xi32, #tpu.memory_space<hbm>> -> memref<176x128xi32, #tpu.memory_space<hbm>>
      tpu.enqueue_dma source(%dma_start3A_35 : memref<176x128xi32, #tpu.memory_space<hbm>>) target(%arg4 : memref<176x128xi32, #tpu.memory_space<vmem>>) target_semaphore(%run_scoped3A : memref<!tpu.dma_semaphore, #tpu.memory_space<semaphore_mem>>)
      %dma_wait3A = arith.constant 0 : i32
      %dma_wait3A_36 = tpu.memref_slice %arg2[%mul3A_18, %dma_wait3A] : memref<2816x128xi32, #tpu.memory_space<hbm>> -> memref<176x128xi32, #tpu.memory_space<hbm>>
      %dma_wait3A_37 = arith.constant 0 : i32
      %dma_wait3A_38 = tpu.memref_slice %arg2[%mul3A_18, %dma_wait3A_37] : memref<2816x128xi32, #tpu.memory_space<hbm>> -> memref<176x128xi32, #tpu.memory_space<hbm>>
      tpu.wait_dma2 semaphore(%run_scoped3A : memref<!tpu.dma_semaphore, #tpu.memory_space<semaphore_mem>>) src(%dma_wait3A_38 : memref<176x128xi32, #tpu.memory_space<hbm>>) dst(%arg4 : memref<176x128xi32, #tpu.memory_space<vmem>>)
      tpu.yield
    }) : () -> ()
    %scan3A_19 = arith.constant 0 : i32
    %scan3A_20 = arith.constant 0 : i32
    %scan3A_21 = arith.constant 44 : i32
    %scan3A_22 = arith.addi %scan3A_20, %scan3A_21 : i32
    %scan3A_23 = arith.constant 1 : i32
    %scan3A_24 = scf.for %scan3A_33 = %scan3A_20 to %scan3A_22 step %scan3A_23 iter_args(%scan3A_34 = %scan3A_19) -> (i32)  : i32 {
      %mul3A_35 = arith.constant 4 : i32
      %mul3A_36 = arith.muli %scan3A_33, %mul3A_35 : i32
      %add3A_37 = arith.constant 0 : i32
      %add3A_38 = arith.addi %mul3A_36, %add3A_37 : i32
      %dma_start3A = arith.constant 0 : i32
      %dma_start3A_39 = tpu.memref_slice %arg4[%add3A_38, %dma_start3A] : memref<176x128xi32, #tpu.memory_space<vmem>> -> memref<1x128xi32, #tpu.memory_space<vmem>>
      %dma_start3A_40 = tpu.memref_squeeze %dma_start3A_39 : memref<1x128xi32, #tpu.memory_space<vmem>> -> memref<128xi32, #tpu.memory_space<vmem>>
      %dma_start3A_41 = arith.constant 0 : i32
      %dma_start3A_42 = tpu.memref_slice %arg11[%dma_start3A_41] : memref<10240xf32, #tpu.memory_space<vmem_shared>> -> memref<10240xf32, #tpu.memory_space<vmem_shared>>
      tpu.enqueue_indirect_dma source(%arg5 : memref<128xf32, #tpu.memory_space<vmem>>) target(%dma_start3A_42 : memref<10240xf32, #tpu.memory_space<vmem_shared>>) offsets(%dma_start3A_40 : memref<128xi32, #tpu.memory_space<vmem>>) semaphore(%arg7 : memref<!tpu.dma_semaphore, #tpu.memory_space<semaphore_mem>>) {add = true}
      %add3A_43 = arith.constant 1 : i32
      %add3A_44 = arith.addi %mul3A_36, %add3A_43 : i32
      %dma_start3A_45 = arith.constant 0 : i32
      %dma_start3A_46 = tpu.memref_slice %arg4[%add3A_44, %dma_start3A_45] : memref<176x128xi32, #tpu.memory_space<vmem>> -> memref<1x128xi32, #tpu.memory_space<vmem>>
      %dma_start3A_47 = tpu.memref_squeeze %dma_start3A_46 : memref<1x128xi32, #tpu.memory_space<vmem>> -> memref<128xi32, #tpu.memory_space<vmem>>
      %dma_start3A_48 = arith.constant 0 : i32
      %dma_start3A_49 = tpu.memref_slice %arg11[%dma_start3A_48] : memref<10240xf32, #tpu.memory_space<vmem_shared>> -> memref<10240xf32, #tpu.memory_space<vmem_shared>>
      tpu.enqueue_indirect_dma source(%arg5 : memref<128xf32, #tpu.memory_space<vmem>>) target(%dma_start3A_49 : memref<10240xf32, #tpu.memory_space<vmem_shared>>) offsets(%dma_start3A_47 : memref<128xi32, #tpu.memory_space<vmem>>) semaphore(%arg8 : memref<!tpu.dma_semaphore, #tpu.memory_space<semaphore_mem>>) {add = true}
      %add3A_50 = arith.constant 2 : i32
      %add3A_51 = arith.addi %mul3A_36, %add3A_50 : i32
      %dma_start3A_52 = arith.constant 0 : i32
      %dma_start3A_53 = tpu.memref_slice %arg4[%add3A_51, %dma_start3A_52] : memref<176x128xi32, #tpu.memory_space<vmem>> -> memref<1x128xi32, #tpu.memory_space<vmem>>
      %dma_start3A_54 = tpu.memref_squeeze %dma_start3A_53 : memref<1x128xi32, #tpu.memory_space<vmem>> -> memref<128xi32, #tpu.memory_space<vmem>>
      %dma_start3A_55 = arith.constant 0 : i32
      %dma_start3A_56 = tpu.memref_slice %arg11[%dma_start3A_55] : memref<10240xf32, #tpu.memory_space<vmem_shared>> -> memref<10240xf32, #tpu.memory_space<vmem_shared>>
      tpu.enqueue_indirect_dma source(%arg5 : memref<128xf32, #tpu.memory_space<vmem>>) target(%dma_start3A_56 : memref<10240xf32, #tpu.memory_space<vmem_shared>>) offsets(%dma_start3A_54 : memref<128xi32, #tpu.memory_space<vmem>>) semaphore(%arg9 : memref<!tpu.dma_semaphore, #tpu.memory_space<semaphore_mem>>) {add = true}
      %add3A_57 = arith.constant 3 : i32
      %add3A_58 = arith.addi %mul3A_36, %add3A_57 : i32
      %dma_start3A_59 = arith.constant 0 : i32
      %dma_start3A_60 = tpu.memref_slice %arg4[%add3A_58, %dma_start3A_59] : memref<176x128xi32, #tpu.memory_space<vmem>> -> memref<1x128xi32, #tpu.memory_space<vmem>>
      %dma_start3A_61 = tpu.memref_squeeze %dma_start3A_60 : memref<1x128xi32, #tpu.memory_space<vmem>> -> memref<128xi32, #tpu.memory_space<vmem>>
      %dma_start3A_62 = arith.constant 0 : i32
      %dma_start3A_63 = tpu.memref_slice %arg11[%dma_start3A_62] : memref<10240xf32, #tpu.memory_space<vmem_shared>> -> memref<10240xf32, #tpu.memory_space<vmem_shared>>
      tpu.enqueue_indirect_dma source(%arg5 : memref<128xf32, #tpu.memory_space<vmem>>) target(%dma_start3A_63 : memref<10240xf32, #tpu.memory_space<vmem_shared>>) offsets(%dma_start3A_61 : memref<128xi32, #tpu.memory_space<vmem>>) semaphore(%arg10 : memref<!tpu.dma_semaphore, #tpu.memory_space<semaphore_mem>>) {add = true}
      %dma_wait3A = arith.constant 0 : i32
      %dma_wait3A_64 = arith.constant 0 : i32
      %dma_wait3A_65 = tpu.memref_slice %arg4[%dma_wait3A, %dma_wait3A_64] : memref<176x128xi32, #tpu.memory_space<vmem>> -> memref<1x128xi32, #tpu.memory_space<vmem>>
      %dma_wait3A_66 = tpu.memref_squeeze %dma_wait3A_65 : memref<1x128xi32, #tpu.memory_space<vmem>> -> memref<128xi32, #tpu.memory_space<vmem>>
      %dma_wait3A_67 = arith.constant 0 : i32
      %dma_wait3A_68 = tpu.memref_slice %arg11[%dma_wait3A_67] : memref<10240xf32, #tpu.memory_space<vmem_shared>> -> memref<10240xf32, #tpu.memory_space<vmem_shared>>
      tpu.wait_indirect_dma semaphore(%arg7 : memref<!tpu.dma_semaphore, #tpu.memory_space<semaphore_mem>>) src(%arg5 : memref<128xf32, #tpu.memory_space<vmem>>) dst(%dma_wait3A_68 : memref<10240xf32, #tpu.memory_space<vmem_shared>>)
      %dma_wait3A_69 = arith.constant 0 : i32
      %dma_wait3A_70 = arith.constant 0 : i32
      %dma_wait3A_71 = tpu.memref_slice %arg4[%dma_wait3A_69, %dma_wait3A_70] : memref<176x128xi32, #tpu.memory_space<vmem>> -> memref<1x128xi32, #tpu.memory_space<vmem>>
      %dma_wait3A_72 = tpu.memref_squeeze %dma_wait3A_71 : memref<1x128xi32, #tpu.memory_space<vmem>> -> memref<128xi32, #tpu.memory_space<vmem>>
      %dma_wait3A_73 = arith.constant 0 : i32
      %dma_wait3A_74 = tpu.memref_slice %arg11[%dma_wait3A_73] : memref<10240xf32, #tpu.memory_space<vmem_shared>> -> memref<10240xf32, #tpu.memory_space<vmem_shared>>
      tpu.wait_indirect_dma semaphore(%arg8 : memref<!tpu.dma_semaphore, #tpu.memory_space<semaphore_mem>>) src(%arg5 : memref<128xf32, #tpu.memory_space<vmem>>) dst(%dma_wait3A_74 : memref<10240xf32, #tpu.memory_space<vmem_shared>>)
      %dma_wait3A_75 = arith.constant 0 : i32
      %dma_wait3A_76 = arith.constant 0 : i32
      %dma_wait3A_77 = tpu.memref_slice %arg4[%dma_wait3A_75, %dma_wait3A_76] : memref<176x128xi32, #tpu.memory_space<vmem>> -> memref<1x128xi32, #tpu.memory_space<vmem>>
      %dma_wait3A_78 = tpu.memref_squeeze %dma_wait3A_77 : memref<1x128xi32, #tpu.memory_space<vmem>> -> memref<128xi32, #tpu.memory_space<vmem>>
      %dma_wait3A_79 = arith.constant 0 : i32
      %dma_wait3A_80 = tpu.memref_slice %arg11[%dma_wait3A_79] : memref<10240xf32, #tpu.memory_space<vmem_shared>> -> memref<10240xf32, #tpu.memory_space<vmem_shared>>
      tpu.wait_indirect_dma semaphore(%arg9 : memref<!tpu.dma_semaphore, #tpu.memory_space<semaphore_mem>>) src(%arg5 : memref<128xf32, #tpu.memory_space<vmem>>) dst(%dma_wait3A_80 : memref<10240xf32, #tpu.memory_space<vmem_shared>>)
      %dma_wait3A_81 = arith.constant 0 : i32
      %dma_wait3A_82 = arith.constant 0 : i32
      %dma_wait3A_83 = tpu.memref_slice %arg4[%dma_wait3A_81, %dma_wait3A_82] : memref<176x128xi32, #tpu.memory_space<vmem>> -> memref<1x128xi32, #tpu.memory_space<vmem>>
      %dma_wait3A_84 = tpu.memref_squeeze %dma_wait3A_83 : memref<1x128xi32, #tpu.memory_space<vmem>> -> memref<128xi32, #tpu.memory_space<vmem>>
      %dma_wait3A_85 = arith.constant 0 : i32
      %dma_wait3A_86 = tpu.memref_slice %arg11[%dma_wait3A_85] : memref<10240xf32, #tpu.memory_space<vmem_shared>> -> memref<10240xf32, #tpu.memory_space<vmem_shared>>
      tpu.wait_indirect_dma semaphore(%arg10 : memref<!tpu.dma_semaphore, #tpu.memory_space<semaphore_mem>>) src(%arg5 : memref<128xf32, #tpu.memory_space<vmem>>) dst(%dma_wait3A_86 : memref<10240xf32, #tpu.memory_space<vmem_shared>>)
      %scan3A_87 = arith.constant 0 : i32
      scf.yield %scan3A_87 : i32
    }
    %scan3A_25 = arith.constant 44 : i32
    %barrier3A_26 = arith.constant 0 : index
    tpu.barrier barrier_id(%barrier3A_26)
    %mul3A_27 = arith.constant 640 : i32
    %mul3A_28 = arith.muli %arg1, %mul3A_27 : i32
    %mul3A_29 = arith.constant 10240 : i32
    %mul3A_30 = arith.muli %arg0, %mul3A_29 : i32
    %mul3A_31 = arith.constant 640 : i32
    %mul3A_32 = arith.muli %arg1, %mul3A_31 : i32
    %add3A = arith.addi %mul3A_30, %mul3A_32 : i32
    "tpu.region"() ({
      %run_scoped3A = tpu.sem_alloc : memref<!tpu.dma_semaphore, #tpu.memory_space<semaphore_mem>>
      %dma_start3A = tpu.memref_slice %arg3[%add3A] : memref<20480xf32, #tpu.memory_space<hbm>> -> memref<640xf32, #tpu.memory_space<hbm>>
      %dma_start3A_33 = tpu.memref_slice %arg11[%mul3A_28] : memref<10240xf32, #tpu.memory_space<vmem_shared>> -> memref<640xf32, #tpu.memory_space<vmem_shared>>
      tpu.enqueue_dma source(%dma_start3A_33 : memref<640xf32, #tpu.memory_space<vmem_shared>>) target(%dma_start3A : memref<640xf32, #tpu.memory_space<hbm>>) target_semaphore(%run_scoped3A : memref<!tpu.dma_semaphore, #tpu.memory_space<semaphore_mem>>)
      %dma_wait3A = tpu.memref_slice %arg3[%add3A] : memref<20480xf32, #tpu.memory_space<hbm>> -> memref<640xf32, #tpu.memory_space<hbm>>
      %dma_wait3A_34 = tpu.memref_slice %arg11[%mul3A_28] : memref<10240xf32, #tpu.memory_space<vmem_shared>> -> memref<640xf32, #tpu.memory_space<vmem_shared>>
      tpu.wait_dma2 semaphore(%run_scoped3A : memref<!tpu.dma_semaphore, #tpu.memory_space<semaphore_mem>>) src(%dma_wait3A_34 : memref<640xf32, #tpu.memory_space<vmem_shared>>) dst(%dma_wait3A : memref<640xf32, #tpu.memory_space<hbm>>)
      tpu.yield
    }) : () -> ()
    return
  }
}

#map = affine_map<(d0, d1) -> (0, 0)>
#map1 = affine_map<(d0, d1) -> (0, 0, 0)>
module attributes {stable_mosaic.version = 14 : i64} {
  func.func @scat_kernel(%arg0: i32, %arg1: i32, %arg2: memref<10000x128xf32, #tpu.memory_space<hbm>>, %arg3: memref<352x8x128xi32, #tpu.memory_space<hbm>>, %arg4: memref<352x8x128xi32, #tpu.memory_space<hbm>>, %arg5: memref<2x10240x128xf32, #tpu.memory_space<hbm>>, %arg6: memref<6x8x128xi32, #tpu.memory_space<vmem>>, %arg7: memref<6x8x128xi32, #tpu.memory_space<vmem>>, %arg8: memref<128x128xf32, #tpu.memory_space<vmem>>, %arg9: memref<128x128xf32, #tpu.memory_space<vmem>>, %arg10: memref<!tpu.dma_semaphore, #tpu.memory_space<semaphore_mem>>, %arg11: memref<!tpu.dma_semaphore, #tpu.memory_space<semaphore_mem>>, %arg12: memref<!tpu.dma_semaphore, #tpu.memory_space<semaphore_mem>>, %arg13: memref<!tpu.dma_semaphore, #tpu.memory_space<semaphore_mem>>, %arg14: memref<10240x128xf32, #tpu.memory_space<vmem_shared>>) attributes {dimension_semantics = [#tpu.dimension_semantics<core_parallel>, #tpu.dimension_semantics<subcore_parallel>], iteration_bounds = array<i64: 2, 16>, scalar_prefetch = 0 : i64, scratch_operands = 9 : i64, tpu.core_type = #tpu.core_type<sc_vector_subcore>, window_params = [{transform_indices = #map}, {transform_indices = #map1}, {transform_indices = #map1}, {transform_indices = #map1}]} {
    %mul3A = arith.constant 2 : i32
    %mul3A_0 = arith.muli %arg1, %mul3A : i32
    %add3A = arith.addi %mul3A_0, %arg0 : i32
    %broadcast_in_dim3A = arith.constant 0.000000e+00 : f32
    %broadcast_in_dim3A_1 = vector.broadcast %broadcast_in_dim3A : f32 to vector<16xf32>
    %mul3A_2 = arith.constant 11 : i32
    %mul3A_3 = arith.muli %add3A, %mul3A_2 : i32
    %dma_start3A = arith.constant 0 : i32
    %dma_start3A_4 = arith.constant 0 : i32
    %dma_start3A_5 = arith.constant 0 : i32
    %dma_start3A_6 = tpu.memref_slice %arg6[%dma_start3A, %dma_start3A_4, %dma_start3A_5] : memref<6x8x128xi32, #tpu.memory_space<vmem>> -> memref<6x8x128xi32, #tpu.memory_space<vmem>>
    %dma_start3A_7 = arith.constant 0 : i32
    %dma_start3A_8 = arith.constant 0 : i32
    %dma_start3A_9 = tpu.memref_slice %arg3[%mul3A_3, %dma_start3A_7, %dma_start3A_8] : memref<352x8x128xi32, #tpu.memory_space<hbm>> -> memref<6x8x128xi32, #tpu.memory_space<hbm>>
    %dma_start3A_10 = arith.constant 0 : i32
    %dma_start3A_11 = arith.constant 0 : i32
    %dma_start3A_12 = arith.constant 0 : i32
    %dma_start3A_13 = tpu.memref_slice %arg6[%dma_start3A_10, %dma_start3A_11, %dma_start3A_12] : memref<6x8x128xi32, #tpu.memory_space<vmem>> -> memref<6x8x128xi32, #tpu.memory_space<vmem>>
    %dma_start3A_14 = arith.constant 0 : i32
    %dma_start3A_15 = arith.constant 0 : i32
    %dma_start3A_16 = tpu.memref_slice %arg3[%mul3A_3, %dma_start3A_14, %dma_start3A_15] : memref<352x8x128xi32, #tpu.memory_space<hbm>> -> memref<6x8x128xi32, #tpu.memory_space<hbm>>
    tpu.enqueue_dma source(%dma_start3A_16 : memref<6x8x128xi32, #tpu.memory_space<hbm>>) target(%dma_start3A_13 : memref<6x8x128xi32, #tpu.memory_space<vmem>>) target_semaphore(%arg10 : memref<!tpu.dma_semaphore, #tpu.memory_space<semaphore_mem>>)
    %dma_start3A_17 = arith.constant 0 : i32
    %dma_start3A_18 = arith.constant 0 : i32
    %dma_start3A_19 = arith.constant 0 : i32
    %dma_start3A_20 = tpu.memref_slice %arg7[%dma_start3A_17, %dma_start3A_18, %dma_start3A_19] : memref<6x8x128xi32, #tpu.memory_space<vmem>> -> memref<6x8x128xi32, #tpu.memory_space<vmem>>
    %dma_start3A_21 = arith.constant 0 : i32
    %dma_start3A_22 = arith.constant 0 : i32
    %dma_start3A_23 = tpu.memref_slice %arg4[%mul3A_3, %dma_start3A_21, %dma_start3A_22] : memref<352x8x128xi32, #tpu.memory_space<hbm>> -> memref<6x8x128xi32, #tpu.memory_space<hbm>>
    %dma_start3A_24 = arith.constant 0 : i32
    %dma_start3A_25 = arith.constant 0 : i32
    %dma_start3A_26 = arith.constant 0 : i32
    %dma_start3A_27 = tpu.memref_slice %arg7[%dma_start3A_24, %dma_start3A_25, %dma_start3A_26] : memref<6x8x128xi32, #tpu.memory_space<vmem>> -> memref<6x8x128xi32, #tpu.memory_space<vmem>>
    %dma_start3A_28 = arith.constant 0 : i32
    %dma_start3A_29 = arith.constant 0 : i32
    %dma_start3A_30 = tpu.memref_slice %arg4[%mul3A_3, %dma_start3A_28, %dma_start3A_29] : memref<352x8x128xi32, #tpu.memory_space<hbm>> -> memref<6x8x128xi32, #tpu.memory_space<hbm>>
    tpu.enqueue_dma source(%dma_start3A_30 : memref<6x8x128xi32, #tpu.memory_space<hbm>>) target(%dma_start3A_27 : memref<6x8x128xi32, #tpu.memory_space<vmem>>) target_semaphore(%arg11 : memref<!tpu.dma_semaphore, #tpu.memory_space<semaphore_mem>>)
    %scan3A = arith.constant 0 : i32
    %scan3A_31 = arith.constant 0 : i32
    %scan3A_32 = arith.constant 128 : i32
    %scan3A_33 = arith.addi %scan3A_31, %scan3A_32 : i32
    %scan3A_34 = arith.constant 1 : i32
    %scan3A_35 = scf.for %scan3A_163 = %scan3A_31 to %scan3A_33 step %scan3A_34 iter_args(%scan3A_164 = %scan3A) -> (i32)  : i32 {
      %swap3A = arith.index_cast %scan3A_163 : i32 to index
      %swap3A_165 = arith.constant 0 : index
      %swap3A_166 = tpu.vector_load %arg8[%swap3A, %swap3A_165] {strides = array<i32>} : memref<128x128xf32, #tpu.memory_space<vmem>>, vector<1x16xf32>,
      %swap3A_167 = vector.shape_cast %swap3A_166 : vector<1x16xf32> to vector<16xf32>
      %swap3A_168 = vector.shape_cast %broadcast_in_dim3A_1 : vector<16xf32> to vector<1x16xf32>
      tpu.vector_store %arg8[%swap3A, %swap3A_165], %swap3A_168 {strides = array<i32>} : memref<128x128xf32, #tpu.memory_space<vmem>>, vector<1x16xf32>,
      %swap3A_169 = arith.index_cast %scan3A_163 : i32 to index
      %swap3A_170 = arith.constant 16 : index
      %swap3A_171 = tpu.vector_load %arg8[%swap3A_169, %swap3A_170] {strides = array<i32>} : memref<128x128xf32, #tpu.memory_space<vmem>>, vector<1x16xf32>,
      %swap3A_172 = vector.shape_cast %swap3A_171 : vector<1x16xf32> to vector<16xf32>
      %swap3A_173 = vector.shape_cast %broadcast_in_dim3A_1 : vector<16xf32> to vector<1x16xf32>
      tpu.vector_store %arg8[%swap3A_169, %swap3A_170], %swap3A_173 {strides = array<i32>} : memref<128x128xf32, #tpu.memory_space<vmem>>, vector<1x16xf32>,
      %swap3A_174 = arith.index_cast %scan3A_163 : i32 to index
      %swap3A_175 = arith.constant 32 : index
      %swap3A_176 = tpu.vector_load %arg8[%swap3A_174, %swap3A_175] {strides = array<i32>} : memref<128x128xf32, #tpu.memory_space<vmem>>, vector<1x16xf32>,
      %swap3A_177 = vector.shape_cast %swap3A_176 : vector<1x16xf32> to vector<16xf32>
      %swap3A_178 = vector.shape_cast %broadcast_in_dim3A_1 : vector<16xf32> to vector<1x16xf32>
      tpu.vector_store %arg8[%swap3A_174, %swap3A_175], %swap3A_178 {strides = array<i32>} : memref<128x128xf32, #tpu.memory_space<vmem>>, vector<1x16xf32>,
      %swap3A_179 = arith.index_cast %scan3A_163 : i32 to index
      %swap3A_180 = arith.constant 48 : index
      %swap3A_181 = tpu.vector_load %arg8[%swap3A_179, %swap3A_180] {strides = array<i32>} : memref<128x128xf32, #tpu.memory_space<vmem>>, vector<1x16xf32>,
      %swap3A_182 = vector.shape_cast %swap3A_181 : vector<1x16xf32> to vector<16xf32>
      %swap3A_183 = vector.shape_cast %broadcast_in_dim3A_1 : vector<16xf32> to vector<1x16xf32>
      tpu.vector_store %arg8[%swap3A_179, %swap3A_180], %swap3A_183 {strides = array<i32>} : memref<128x128xf32, #tpu.memory_space<vmem>>, vector<1x16xf32>,
      %swap3A_184 = arith.index_cast %scan3A_163 : i32 to index
      %swap3A_185 = arith.constant 64 : index
      %swap3A_186 = tpu.vector_load %arg8[%swap3A_184, %swap3A_185] {strides = array<i32>} : memref<128x128xf32, #tpu.memory_space<vmem>>, vector<1x16xf32>,
      %swap3A_187 = vector.shape_cast %swap3A_186 : vector<1x16xf32> to vector<16xf32>
      %swap3A_188 = vector.shape_cast %broadcast_in_dim3A_1 : vector<16xf32> to vector<1x16xf32>
      tpu.vector_store %arg8[%swap3A_184, %swap3A_185], %swap3A_188 {strides = array<i32>} : memref<128x128xf32, #tpu.memory_space<vmem>>, vector<1x16xf32>,
      %swap3A_189 = arith.index_cast %scan3A_163 : i32 to index
      %swap3A_190 = arith.constant 80 : index
      %swap3A_191 = tpu.vector_load %arg8[%swap3A_189, %swap3A_190] {strides = array<i32>} : memref<128x128xf32, #tpu.memory_space<vmem>>, vector<1x16xf32>,
      %swap3A_192 = vector.shape_cast %swap3A_191 : vector<1x16xf32> to vector<16xf32>
      %swap3A_193 = vector.shape_cast %broadcast_in_dim3A_1 : vector<16xf32> to vector<1x16xf32>
      tpu.vector_store %arg8[%swap3A_189, %swap3A_190], %swap3A_193 {strides = array<i32>} : memref<128x128xf32, #tpu.memory_space<vmem>>, vector<1x16xf32>,
      %swap3A_194 = arith.index_cast %scan3A_163 : i32 to index
      %swap3A_195 = arith.constant 96 : index
      %swap3A_196 = tpu.vector_load %arg8[%swap3A_194, %swap3A_195] {strides = array<i32>} : memref<128x128xf32, #tpu.memory_space<vmem>>, vector<1x16xf32>,
      %swap3A_197 = vector.shape_cast %swap3A_196 : vector<1x16xf32> to vector<16xf32>
      %swap3A_198 = vector.shape_cast %broadcast_in_dim3A_1 : vector<16xf32> to vector<1x16xf32>
      tpu.vector_store %arg8[%swap3A_194, %swap3A_195], %swap3A_198 {strides = array<i32>} : memref<128x128xf32, #tpu.memory_space<vmem>>, vector<1x16xf32>,
      %swap3A_199 = arith.index_cast %scan3A_163 : i32 to index
      %swap3A_200 = arith.constant 112 : index
      %swap3A_201 = tpu.vector_load %arg8[%swap3A_199, %swap3A_200] {strides = array<i32>} : memref<128x128xf32, #tpu.memory_space<vmem>>, vector<1x16xf32>,
      %swap3A_202 = vector.shape_cast %swap3A_201 : vector<1x16xf32> to vector<16xf32>
      %swap3A_203 = vector.shape_cast %broadcast_in_dim3A_1 : vector<16xf32> to vector<1x16xf32>
      tpu.vector_store %arg8[%swap3A_199, %swap3A_200], %swap3A_203 {strides = array<i32>} : memref<128x128xf32, #tpu.memory_space<vmem>>, vector<1x16xf32>,
      %scan3A_204 = arith.constant 0 : i32
      scf.yield %scan3A_204 : i32
    }
    %scan3A_36 = arith.constant 128 : i32
    %mul3A_37 = arith.constant 640 : i32
    %mul3A_38 = arith.muli %arg1, %mul3A_37 : i32
    %add3A_39 = arith.constant 0 : i32
    %add3A_40 = arith.addi %mul3A_38, %add3A_39 : i32
    "tpu.region"() ({
      %run_scoped3A = tpu.sem_alloc : memref<!tpu.dma_semaphore, #tpu.memory_space<semaphore_mem>>
      %dma_start3A_163 = arith.constant 0 : i32
      %dma_start3A_164 = arith.constant 0 : i32
      %dma_start3A_165 = tpu.memref_slice %arg8[%dma_start3A_163, %dma_start3A_164] : memref<128x128xf32, #tpu.memory_space<vmem>> -> memref<128x128xf32, #tpu.memory_space<vmem>>
      %dma_start3A_166 = arith.constant 0 : i32
      %dma_start3A_167 = tpu.memref_slice %arg14[%add3A_40, %dma_start3A_166] : memref<10240x128xf32, #tpu.memory_space<vmem_shared>> -> memref<128x128xf32, #tpu.memory_space<vmem_shared>>
      %dma_start3A_168 = arith.constant 0 : i32
      %dma_start3A_169 = tpu.memref_slice %arg14[%add3A_40, %dma_start3A_168] : memref<10240x128xf32, #tpu.memory_space<vmem_shared>> -> memref<128x128xf32, #tpu.memory_space<vmem_shared>>
      %dma_start3A_170 = arith.constant 0 : i32
      %dma_start3A_171 = arith.constant 0 : i32
      %dma_start3A_172 = tpu.memref_slice %arg8[%dma_start3A_170, %dma_start3A_171] : memref<128x128xf32, #tpu.memory_space<vmem>> -> memref<128x128xf32, #tpu.memory_space<vmem>>
      tpu.enqueue_dma source(%dma_start3A_172 : memref<128x128xf32, #tpu.memory_space<vmem>>) target(%dma_start3A_169 : memref<128x128xf32, #tpu.memory_space<vmem_shared>>) target_semaphore(%run_scoped3A : memref<!tpu.dma_semaphore, #tpu.memory_space<semaphore_mem>>)
      %dma_wait3A_173 = arith.constant 0 : i32
      %dma_wait3A_174 = arith.constant 0 : i32
      %dma_wait3A_175 = tpu.memref_slice %arg8[%dma_wait3A_173, %dma_wait3A_174] : memref<128x128xf32, #tpu.memory_space<vmem>> -> memref<128x128xf32, #tpu.memory_space<vmem>>
      %dma_wait3A_176 = arith.constant 0 : i32
      %dma_wait3A_177 = tpu.memref_slice %arg14[%add3A_40, %dma_wait3A_176] : memref<10240x128xf32, #tpu.memory_space<vmem_shared>> -> memref<128x128xf32, #tpu.memory_space<vmem_shared>>
      %dma_wait3A_178 = arith.constant 0 : i32
      %dma_wait3A_179 = tpu.memref_slice %arg14[%add3A_40, %dma_wait3A_178] : memref<10240x128xf32, #tpu.memory_space<vmem_shared>> -> memref<128x128xf32, #tpu.memory_space<vmem_shared>>
      %dma_wait3A_180 = arith.constant 0 : i32
      %dma_wait3A_181 = arith.constant 0 : i32
      %dma_wait3A_182 = tpu.memref_slice %arg8[%dma_wait3A_180, %dma_wait3A_181] : memref<128x128xf32, #tpu.memory_space<vmem>> -> memref<128x128xf32, #tpu.memory_space<vmem>>
      tpu.wait_dma2 semaphore(%run_scoped3A : memref<!tpu.dma_semaphore, #tpu.memory_space<semaphore_mem>>) src(%dma_wait3A_182 : memref<128x128xf32, #tpu.memory_space<vmem>>) dst(%dma_wait3A_179 : memref<128x128xf32, #tpu.memory_space<vmem_shared>>)
      tpu.yield
    }) : () -> ()
    %add3A_41 = arith.constant 128 : i32
    %add3A_42 = arith.addi %mul3A_38, %add3A_41 : i32
    "tpu.region"() ({
      %run_scoped3A = tpu.sem_alloc : memref<!tpu.dma_semaphore, #tpu.memory_space<semaphore_mem>>
      %dma_start3A_163 = arith.constant 0 : i32
      %dma_start3A_164 = arith.constant 0 : i32
      %dma_start3A_165 = tpu.memref_slice %arg8[%dma_start3A_163, %dma_start3A_164] : memref<128x128xf32, #tpu.memory_space<vmem>> -> memref<128x128xf32, #tpu.memory_space<vmem>>
      %dma_start3A_166 = arith.constant 0 : i32
      %dma_start3A_167 = tpu.memref_slice %arg14[%add3A_42, %dma_start3A_166] : memref<10240x128xf32, #tpu.memory_space<vmem_shared>> -> memref<128x128xf32, #tpu.memory_space<vmem_shared>>
      %dma_start3A_168 = arith.constant 0 : i32
      %dma_start3A_169 = tpu.memref_slice %arg14[%add3A_42, %dma_start3A_168] : memref<10240x128xf32, #tpu.memory_space<vmem_shared>> -> memref<128x128xf32, #tpu.memory_space<vmem_shared>>
      %dma_start3A_170 = arith.constant 0 : i32
      %dma_start3A_171 = arith.constant 0 : i32
      %dma_start3A_172 = tpu.memref_slice %arg8[%dma_start3A_170, %dma_start3A_171] : memref<128x128xf32, #tpu.memory_space<vmem>> -> memref<128x128xf32, #tpu.memory_space<vmem>>
      tpu.enqueue_dma source(%dma_start3A_172 : memref<128x128xf32, #tpu.memory_space<vmem>>) target(%dma_start3A_169 : memref<128x128xf32, #tpu.memory_space<vmem_shared>>) target_semaphore(%run_scoped3A : memref<!tpu.dma_semaphore, #tpu.memory_space<semaphore_mem>>)
      %dma_wait3A_173 = arith.constant 0 : i32
      %dma_wait3A_174 = arith.constant 0 : i32
      %dma_wait3A_175 = tpu.memref_slice %arg8[%dma_wait3A_173, %dma_wait3A_174] : memref<128x128xf32, #tpu.memory_space<vmem>> -> memref<128x128xf32, #tpu.memory_space<vmem>>
      %dma_wait3A_176 = arith.constant 0 : i32
      %dma_wait3A_177 = tpu.memref_slice %arg14[%add3A_42, %dma_wait3A_176] : memref<10240x128xf32, #tpu.memory_space<vmem_shared>> -> memref<128x128xf32, #tpu.memory_space<vmem_shared>>
      %dma_wait3A_178 = arith.constant 0 : i32
      %dma_wait3A_179 = tpu.memref_slice %arg14[%add3A_42, %dma_wait3A_178] : memref<10240x128xf32, #tpu.memory_space<vmem_shared>> -> memref<128x128xf32, #tpu.memory_space<vmem_shared>>
      %dma_wait3A_180 = arith.constant 0 : i32
      %dma_wait3A_181 = arith.constant 0 : i32
      %dma_wait3A_182 = tpu.memref_slice %arg8[%dma_wait3A_180, %dma_wait3A_181] : memref<128x128xf32, #tpu.memory_space<vmem>> -> memref<128x128xf32, #tpu.memory_space<vmem>>
      tpu.wait_dma2 semaphore(%run_scoped3A : memref<!tpu.dma_semaphore, #tpu.memory_space<semaphore_mem>>) src(%dma_wait3A_182 : memref<128x128xf32, #tpu.memory_space<vmem>>) dst(%dma_wait3A_179 : memref<128x128xf32, #tpu.memory_space<vmem_shared>>)
      tpu.yield
    }) : () -> ()
    %add3A_43 = arith.constant 256 : i32
    %add3A_44 = arith.addi %mul3A_38, %add3A_43 : i32
    "tpu.region"() ({
      %run_scoped3A = tpu.sem_alloc : memref<!tpu.dma_semaphore, #tpu.memory_space<semaphore_mem>>
      %dma_start3A_163 = arith.constant 0 : i32
      %dma_start3A_164 = arith.constant 0 : i32
      %dma_start3A_165 = tpu.memref_slice %arg8[%dma_start3A_163, %dma_start3A_164] : memref<128x128xf32, #tpu.memory_space<vmem>> -> memref<128x128xf32, #tpu.memory_space<vmem>>
      %dma_start3A_166 = arith.constant 0 : i32
      %dma_start3A_167 = tpu.memref_slice %arg14[%add3A_44, %dma_start3A_166] : memref<10240x128xf32, #tpu.memory_space<vmem_shared>> -> memref<128x128xf32, #tpu.memory_space<vmem_shared>>
      %dma_start3A_168 = arith.constant 0 : i32
      %dma_start3A_169 = tpu.memref_slice %arg14[%add3A_44, %dma_start3A_168] : memref<10240x128xf32, #tpu.memory_space<vmem_shared>> -> memref<128x128xf32, #tpu.memory_space<vmem_shared>>
      %dma_start3A_170 = arith.constant 0 : i32
      %dma_start3A_171 = arith.constant 0 : i32
      %dma_start3A_172 = tpu.memref_slice %arg8[%dma_start3A_170, %dma_start3A_171] : memref<128x128xf32, #tpu.memory_space<vmem>> -> memref<128x128xf32, #tpu.memory_space<vmem>>
      tpu.enqueue_dma source(%dma_start3A_172 : memref<128x128xf32, #tpu.memory_space<vmem>>) target(%dma_start3A_169 : memref<128x128xf32, #tpu.memory_space<vmem_shared>>) target_semaphore(%run_scoped3A : memref<!tpu.dma_semaphore, #tpu.memory_space<semaphore_mem>>)
      %dma_wait3A_173 = arith.constant 0 : i32
      %dma_wait3A_174 = arith.constant 0 : i32
      %dma_wait3A_175 = tpu.memref_slice %arg8[%dma_wait3A_173, %dma_wait3A_174] : memref<128x128xf32, #tpu.memory_space<vmem>> -> memref<128x128xf32, #tpu.memory_space<vmem>>
      %dma_wait3A_176 = arith.constant 0 : i32
      %dma_wait3A_177 = tpu.memref_slice %arg14[%add3A_44, %dma_wait3A_176] : memref<10240x128xf32, #tpu.memory_space<vmem_shared>> -> memref<128x128xf32, #tpu.memory_space<vmem_shared>>
      %dma_wait3A_178 = arith.constant 0 : i32
      %dma_wait3A_179 = tpu.memref_slice %arg14[%add3A_44, %dma_wait3A_178] : memref<10240x128xf32, #tpu.memory_space<vmem_shared>> -> memref<128x128xf32, #tpu.memory_space<vmem_shared>>
      %dma_wait3A_180 = arith.constant 0 : i32
      %dma_wait3A_181 = arith.constant 0 : i32
      %dma_wait3A_182 = tpu.memref_slice %arg8[%dma_wait3A_180, %dma_wait3A_181] : memref<128x128xf32, #tpu.memory_space<vmem>> -> memref<128x128xf32, #tpu.memory_space<vmem>>
      tpu.wait_dma2 semaphore(%run_scoped3A : memref<!tpu.dma_semaphore, #tpu.memory_space<semaphore_mem>>) src(%dma_wait3A_182 : memref<128x128xf32, #tpu.memory_space<vmem>>) dst(%dma_wait3A_179 : memref<128x128xf32, #tpu.memory_space<vmem_shared>>)
      tpu.yield
    }) : () -> ()
    %add3A_45 = arith.constant 384 : i32
    %add3A_46 = arith.addi %mul3A_38, %add3A_45 : i32
    "tpu.region"() ({
      %run_scoped3A = tpu.sem_alloc : memref<!tpu.dma_semaphore, #tpu.memory_space<semaphore_mem>>
      %dma_start3A_163 = arith.constant 0 : i32
      %dma_start3A_164 = arith.constant 0 : i32
      %dma_start3A_165 = tpu.memref_slice %arg8[%dma_start3A_163, %dma_start3A_164] : memref<128x128xf32, #tpu.memory_space<vmem>> -> memref<128x128xf32, #tpu.memory_space<vmem>>
      %dma_start3A_166 = arith.constant 0 : i32
      %dma_start3A_167 = tpu.memref_slice %arg14[%add3A_46, %dma_start3A_166] : memref<10240x128xf32, #tpu.memory_space<vmem_shared>> -> memref<128x128xf32, #tpu.memory_space<vmem_shared>>
      %dma_start3A_168 = arith.constant 0 : i32
      %dma_start3A_169 = tpu.memref_slice %arg14[%add3A_46, %dma_start3A_168] : memref<10240x128xf32, #tpu.memory_space<vmem_shared>> -> memref<128x128xf32, #tpu.memory_space<vmem_shared>>
      %dma_start3A_170 = arith.constant 0 : i32
      %dma_start3A_171 = arith.constant 0 : i32
      %dma_start3A_172 = tpu.memref_slice %arg8[%dma_start3A_170, %dma_start3A_171] : memref<128x128xf32, #tpu.memory_space<vmem>> -> memref<128x128xf32, #tpu.memory_space<vmem>>
      tpu.enqueue_dma source(%dma_start3A_172 : memref<128x128xf32, #tpu.memory_space<vmem>>) target(%dma_start3A_169 : memref<128x128xf32, #tpu.memory_space<vmem_shared>>) target_semaphore(%run_scoped3A : memref<!tpu.dma_semaphore, #tpu.memory_space<semaphore_mem>>)
      %dma_wait3A_173 = arith.constant 0 : i32
      %dma_wait3A_174 = arith.constant 0 : i32
      %dma_wait3A_175 = tpu.memref_slice %arg8[%dma_wait3A_173, %dma_wait3A_174] : memref<128x128xf32, #tpu.memory_space<vmem>> -> memref<128x128xf32, #tpu.memory_space<vmem>>
      %dma_wait3A_176 = arith.constant 0 : i32
      %dma_wait3A_177 = tpu.memref_slice %arg14[%add3A_46, %dma_wait3A_176] : memref<10240x128xf32, #tpu.memory_space<vmem_shared>> -> memref<128x128xf32, #tpu.memory_space<vmem_shared>>
      %dma_wait3A_178 = arith.constant 0 : i32
      %dma_wait3A_179 = tpu.memref_slice %arg14[%add3A_46, %dma_wait3A_178] : memref<10240x128xf32, #tpu.memory_space<vmem_shared>> -> memref<128x128xf32, #tpu.memory_space<vmem_shared>>
      %dma_wait3A_180 = arith.constant 0 : i32
      %dma_wait3A_181 = arith.constant 0 : i32
      %dma_wait3A_182 = tpu.memref_slice %arg8[%dma_wait3A_180, %dma_wait3A_181] : memref<128x128xf32, #tpu.memory_space<vmem>> -> memref<128x128xf32, #tpu.memory_space<vmem>>
      tpu.wait_dma2 semaphore(%run_scoped3A : memref<!tpu.dma_semaphore, #tpu.memory_space<semaphore_mem>>) src(%dma_wait3A_182 : memref<128x128xf32, #tpu.memory_space<vmem>>) dst(%dma_wait3A_179 : memref<128x128xf32, #tpu.memory_space<vmem_shared>>)
      tpu.yield
    }) : () -> ()
    %add3A_47 = arith.constant 512 : i32
    %add3A_48 = arith.addi %mul3A_38, %add3A_47 : i32
    "tpu.region"() ({
      %run_scoped3A = tpu.sem_alloc : memref<!tpu.dma_semaphore, #tpu.memory_space<semaphore_mem>>
      %dma_start3A_163 = arith.constant 0 : i32
      %dma_start3A_164 = arith.constant 0 : i32
      %dma_start3A_165 = tpu.memref_slice %arg8[%dma_start3A_163, %dma_start3A_164] : memref<128x128xf32, #tpu.memory_space<vmem>> -> memref<128x128xf32, #tpu.memory_space<vmem>>
      %dma_start3A_166 = arith.constant 0 : i32
      %dma_start3A_167 = tpu.memref_slice %arg14[%add3A_48, %dma_start3A_166] : memref<10240x128xf32, #tpu.memory_space<vmem_shared>> -> memref<128x128xf32, #tpu.memory_space<vmem_shared>>
      %dma_start3A_168 = arith.constant 0 : i32
      %dma_start3A_169 = tpu.memref_slice %arg14[%add3A_48, %dma_start3A_168] : memref<10240x128xf32, #tpu.memory_space<vmem_shared>> -> memref<128x128xf32, #tpu.memory_space<vmem_shared>>
      %dma_start3A_170 = arith.constant 0 : i32
      %dma_start3A_171 = arith.constant 0 : i32
      %dma_start3A_172 = tpu.memref_slice %arg8[%dma_start3A_170, %dma_start3A_171] : memref<128x128xf32, #tpu.memory_space<vmem>> -> memref<128x128xf32, #tpu.memory_space<vmem>>
      tpu.enqueue_dma source(%dma_start3A_172 : memref<128x128xf32, #tpu.memory_space<vmem>>) target(%dma_start3A_169 : memref<128x128xf32, #tpu.memory_space<vmem_shared>>) target_semaphore(%run_scoped3A : memref<!tpu.dma_semaphore, #tpu.memory_space<semaphore_mem>>)
      %dma_wait3A_173 = arith.constant 0 : i32
      %dma_wait3A_174 = arith.constant 0 : i32
      %dma_wait3A_175 = tpu.memref_slice %arg8[%dma_wait3A_173, %dma_wait3A_174] : memref<128x128xf32, #tpu.memory_space<vmem>> -> memref<128x128xf32, #tpu.memory_space<vmem>>
      %dma_wait3A_176 = arith.constant 0 : i32
      %dma_wait3A_177 = tpu.memref_slice %arg14[%add3A_48, %dma_wait3A_176] : memref<10240x128xf32, #tpu.memory_space<vmem_shared>> -> memref<128x128xf32, #tpu.memory_space<vmem_shared>>
      %dma_wait3A_178 = arith.constant 0 : i32
      %dma_wait3A_179 = tpu.memref_slice %arg14[%add3A_48, %dma_wait3A_178] : memref<10240x128xf32, #tpu.memory_space<vmem_shared>> -> memref<128x128xf32, #tpu.memory_space<vmem_shared>>
      %dma_wait3A_180 = arith.constant 0 : i32
      %dma_wait3A_181 = arith.constant 0 : i32
      %dma_wait3A_182 = tpu.memref_slice %arg8[%dma_wait3A_180, %dma_wait3A_181] : memref<128x128xf32, #tpu.memory_space<vmem>> -> memref<128x128xf32, #tpu.memory_space<vmem>>
      tpu.wait_dma2 semaphore(%run_scoped3A : memref<!tpu.dma_semaphore, #tpu.memory_space<semaphore_mem>>) src(%dma_wait3A_182 : memref<128x128xf32, #tpu.memory_space<vmem>>) dst(%dma_wait3A_179 : memref<128x128xf32, #tpu.memory_space<vmem_shared>>)
      tpu.yield
    }) : () -> ()
    %dma_wait3A = arith.constant 0 : i32
    %dma_wait3A_49 = arith.constant 0 : i32
    %dma_wait3A_50 = arith.constant 0 : i32
    %dma_wait3A_51 = tpu.memref_slice %arg6[%dma_wait3A, %dma_wait3A_49, %dma_wait3A_50] : memref<6x8x128xi32, #tpu.memory_space<vmem>> -> memref<6x8x128xi32, #tpu.memory_space<vmem>>
    %dma_wait3A_52 = arith.constant 0 : i32
    %dma_wait3A_53 = arith.constant 0 : i32
    %dma_wait3A_54 = tpu.memref_slice %arg3[%mul3A_3, %dma_wait3A_52, %dma_wait3A_53] : memref<352x8x128xi32, #tpu.memory_space<hbm>> -> memref<6x8x128xi32, #tpu.memory_space<hbm>>
    %dma_wait3A_55 = arith.constant 0 : i32
    %dma_wait3A_56 = arith.constant 0 : i32
    %dma_wait3A_57 = arith.constant 0 : i32
    %dma_wait3A_58 = tpu.memref_slice %arg6[%dma_wait3A_55, %dma_wait3A_56, %dma_wait3A_57] : memref<6x8x128xi32, #tpu.memory_space<vmem>> -> memref<6x8x128xi32, #tpu.memory_space<vmem>>
    %dma_wait3A_59 = arith.constant 0 : i32
    %dma_wait3A_60 = arith.constant 0 : i32
    %dma_wait3A_61 = tpu.memref_slice %arg3[%mul3A_3, %dma_wait3A_59, %dma_wait3A_60] : memref<352x8x128xi32, #tpu.memory_space<hbm>> -> memref<6x8x128xi32, #tpu.memory_space<hbm>>
    tpu.wait_dma2 semaphore(%arg10 : memref<!tpu.dma_semaphore, #tpu.memory_space<semaphore_mem>>) src(%dma_wait3A_61 : memref<6x8x128xi32, #tpu.memory_space<hbm>>) dst(%dma_wait3A_58 : memref<6x8x128xi32, #tpu.memory_space<vmem>>)
    %dma_wait3A_62 = arith.constant 0 : i32
    %dma_wait3A_63 = arith.constant 0 : i32
    %dma_wait3A_64 = arith.constant 0 : i32
    %dma_wait3A_65 = tpu.memref_slice %arg7[%dma_wait3A_62, %dma_wait3A_63, %dma_wait3A_64] : memref<6x8x128xi32, #tpu.memory_space<vmem>> -> memref<6x8x128xi32, #tpu.memory_space<vmem>>
    %dma_wait3A_66 = arith.constant 0 : i32
    %dma_wait3A_67 = arith.constant 0 : i32
    %dma_wait3A_68 = tpu.memref_slice %arg4[%mul3A_3, %dma_wait3A_66, %dma_wait3A_67] : memref<352x8x128xi32, #tpu.memory_space<hbm>> -> memref<6x8x128xi32, #tpu.memory_space<hbm>>
    %dma_wait3A_69 = arith.constant 0 : i32
    %dma_wait3A_70 = arith.constant 0 : i32
    %dma_wait3A_71 = arith.constant 0 : i32
    %dma_wait3A_72 = tpu.memref_slice %arg7[%dma_wait3A_69, %dma_wait3A_70, %dma_wait3A_71] : memref<6x8x128xi32, #tpu.memory_space<vmem>> -> memref<6x8x128xi32, #tpu.memory_space<vmem>>
    %dma_wait3A_73 = arith.constant 0 : i32
    %dma_wait3A_74 = arith.constant 0 : i32
    %dma_wait3A_75 = tpu.memref_slice %arg4[%mul3A_3, %dma_wait3A_73, %dma_wait3A_74] : memref<352x8x128xi32, #tpu.memory_space<hbm>> -> memref<6x8x128xi32, #tpu.memory_space<hbm>>
    tpu.wait_dma2 semaphore(%arg11 : memref<!tpu.dma_semaphore, #tpu.memory_space<semaphore_mem>>) src(%dma_wait3A_75 : memref<6x8x128xi32, #tpu.memory_space<hbm>>) dst(%dma_wait3A_72 : memref<6x8x128xi32, #tpu.memory_space<vmem>>)
    %barrier3A = arith.constant 0 : index
    tpu.barrier barrier_id(%barrier3A)
    %mul3A_76 = arith.constant 11 : i32
    %mul3A_77 = arith.muli %add3A, %mul3A_76 : i32
    %add3A_78 = arith.constant 0 : i32
    %add3A_79 = arith.addi %mul3A_77, %add3A_78 : i32
    %dma_start3A_80 = arith.constant 0 : i32
    %dma_start3A_81 = arith.constant 0 : i32
    %dma_start3A_82 = arith.constant 0 : i32
    %dma_start3A_83 = tpu.memref_slice %arg6[%dma_start3A_80, %dma_start3A_81, %dma_start3A_82] : memref<6x8x128xi32, #tpu.memory_space<vmem>> -> memref<1x1x128xi32, #tpu.memory_space<vmem>>
    %dma_start3A_84 = tpu.memref_squeeze %dma_start3A_83 : memref<1x1x128xi32, #tpu.memory_space<vmem>> -> memref<128xi32, #tpu.memory_space<vmem>>
    %dma_start3A_85 = arith.constant 0 : i32
    %dma_start3A_86 = arith.constant 0 : i32
    %dma_start3A_87 = tpu.memref_slice %arg2[%dma_start3A_85, %dma_start3A_86] : memref<10000x128xf32, #tpu.memory_space<hbm>> -> memref<10000x128xf32, #tpu.memory_space<hbm>>
    tpu.enqueue_indirect_dma source(%dma_start3A_87 : memref<10000x128xf32, #tpu.memory_space<hbm>>) target(%arg8 : memref<128x128xf32, #tpu.memory_space<vmem>>) offsets(%dma_start3A_84 : memref<128xi32, #tpu.memory_space<vmem>>) semaphore(%arg10 : memref<!tpu.dma_semaphore, #tpu.memory_space<semaphore_mem>>)
    %dma_start3A_88 = arith.constant 0 : i32
    %dma_start3A_89 = arith.constant 1 : i32
    %dma_start3A_90 = arith.constant 0 : i32
    %dma_start3A_91 = tpu.memref_slice %arg6[%dma_start3A_88, %dma_start3A_89, %dma_start3A_90] : memref<6x8x128xi32, #tpu.memory_space<vmem>> -> memref<1x1x128xi32, #tpu.memory_space<vmem>>
    %dma_start3A_92 = tpu.memref_squeeze %dma_start3A_91 : memref<1x1x128xi32, #tpu.memory_space<vmem>> -> memref<128xi32, #tpu.memory_space<vmem>>
    %dma_start3A_93 = arith.constant 0 : i32
    %dma_start3A_94 = arith.constant 0 : i32
    %dma_start3A_95 = tpu.memref_slice %arg2[%dma_start3A_93, %dma_start3A_94] : memref<10000x128xf32, #tpu.memory_space<hbm>> -> memref<10000x128xf32, #tpu.memory_space<hbm>>
    tpu.enqueue_indirect_dma source(%dma_start3A_95 : memref<10000x128xf32, #tpu.memory_space<hbm>>) target(%arg9 : memref<128x128xf32, #tpu.memory_space<vmem>>) offsets(%dma_start3A_92 : memref<128xi32, #tpu.memory_space<vmem>>) semaphore(%arg11 : memref<!tpu.dma_semaphore, #tpu.memory_space<semaphore_mem>>)
    %scan3A_96 = arith.constant 0 : i32
    %scan3A_97 = arith.constant 0 : i32
    %scan3A_98 = arith.constant 24 : i32
    %scan3A_99 = arith.addi %scan3A_97, %scan3A_98 : i32
    %scan3A_100 = arith.constant 1 : i32
    %scan3A_101 = scf.for %scan3A_163 = %scan3A_97 to %scan3A_99 step %scan3A_100 iter_args(%scan3A_164 = %scan3A_96) -> (i32)  : i32 {
      %mul3A_165 = arith.constant 2 : i32
      %mul3A_166 = arith.muli %scan3A_163, %mul3A_165 : i32
      %dma_wait3A_167 = arith.constant 0 : i32
      %dma_wait3A_168 = arith.constant 0 : i32
      %dma_wait3A_169 = arith.constant 0 : i32
      %dma_wait3A_170 = tpu.memref_slice %arg6[%dma_wait3A_167, %dma_wait3A_168, %dma_wait3A_169] : memref<6x8x128xi32, #tpu.memory_space<vmem>> -> memref<1x1x128xi32, #tpu.memory_space<vmem>>
      %dma_wait3A_171 = tpu.memref_squeeze %dma_wait3A_170 : memref<1x1x128xi32, #tpu.memory_space<vmem>> -> memref<128xi32, #tpu.memory_space<vmem>>
      %dma_wait3A_172 = arith.constant 0 : i32
      %dma_wait3A_173 = arith.constant 0 : i32
      %dma_wait3A_174 = tpu.memref_slice %arg2[%dma_wait3A_172, %dma_wait3A_173] : memref<10000x128xf32, #tpu.memory_space<hbm>> -> memref<10000x128xf32, #tpu.memory_space<hbm>>
      tpu.wait_indirect_dma semaphore(%arg10 : memref<!tpu.dma_semaphore, #tpu.memory_space<semaphore_mem>>) src(%dma_wait3A_174 : memref<10000x128xf32, #tpu.memory_space<hbm>>) dst(%arg8 : memref<128x128xf32, #tpu.memory_space<vmem>>)
      %add3A_175 = arith.constant 0 : i32
      %add3A_176 = arith.addi %mul3A_166, %add3A_175 : i32
      %jit3A = arith.constant 8 : i32
      %div3A = arith.divsi %add3A_176, %jit3A : i32
      %sign3A = arith.constant 0 : i32
      %sign3A_177 = arith.cmpi sgt, %add3A_176, %sign3A : i32
      %sign3A_178 = arith.extui %sign3A_177 : i1 to i32
      %sign3A_179 = arith.constant 0 : i32
      %sign3A_180 = arith.cmpi slt, %add3A_176, %sign3A_179 : i32
      %sign3A_181 = arith.extui %sign3A_180 : i1 to i32
      %sign3A_182 = arith.subi %sign3A_178, %sign3A_181 : i32
      %sign3A_183 = arith.constant 0 : i32
      %sign3A_184 = arith.cmpi sgt, %jit3A, %sign3A_183 : i32
      %sign3A_185 = arith.extui %sign3A_184 : i1 to i32
      %sign3A_186 = arith.constant 0 : i32
      %sign3A_187 = arith.cmpi slt, %jit3A, %sign3A_186 : i32
      %sign3A_188 = arith.extui %sign3A_187 : i1 to i32
      %sign3A_189 = arith.subi %sign3A_185, %sign3A_188 : i32
      %ne3A = arith.cmpi ne, %sign3A_182, %sign3A_189 : i32
      %rem3A = arith.remsi %add3A_176, %jit3A : i32
      %ne3A_190 = arith.constant 0 : i32
      %ne3A_191 = arith.cmpi ne, %rem3A, %ne3A_190 : i32
      %and3A = arith.andi %ne3A, %ne3A_191 : i1
      %sub3A = arith.constant 1 : i32
      %sub3A_192 = arith.subi %div3A, %sub3A : i32
      %select_n3A = arith.select %and3A, %sub3A_192, %div3A : i32
      %jit3A_193 = arith.constant 8 : i32
      %eq3A = arith.constant 0 : i32
      %eq3A_194 = arith.cmpi eq, %jit3A_193, %eq3A : i32
      %jit3A_195 = arith.constant 1 : i32
      %select_n3A_196 = arith.select %eq3A_194, %jit3A_195, %jit3A_193 : i32
      %rem3A_197 = arith.remsi %add3A_176, %select_n3A_196 : i32
      %ne3A_198 = arith.constant 0 : i32
      %ne3A_199 = arith.cmpi ne, %rem3A_197, %ne3A_198 : i32
      %lt3A = arith.constant 0 : i32
      %lt3A_200 = arith.cmpi slt, %rem3A_197, %lt3A : i32
      %lt3A_201 = arith.constant 0 : i32
      %lt3A_202 = arith.cmpi slt, %select_n3A_196, %lt3A_201 : i32
      %ne3A_203 = arith.xori %lt3A_200, %lt3A_202 : i1
      %and3A_204 = arith.andi %ne3A_203, %ne3A_199 : i1
      %add3A_205 = arith.addi %rem3A_197, %select_n3A_196 : i32
      %select_n3A_206 = arith.select %and3A_204, %add3A_205, %rem3A_197 : i32
      %dma_start3A_207 = arith.constant 0 : i32
      %dma_start3A_208 = tpu.memref_slice %arg7[%select_n3A, %select_n3A_206, %dma_start3A_207] : memref<6x8x128xi32, #tpu.memory_space<vmem>> -> memref<1x1x128xi32, #tpu.memory_space<vmem>>
      %dma_start3A_209 = tpu.memref_squeeze %dma_start3A_208 : memref<1x1x128xi32, #tpu.memory_space<vmem>> -> memref<128xi32, #tpu.memory_space<vmem>>
      %dma_start3A_210 = arith.constant 0 : i32
      %dma_start3A_211 = arith.constant 0 : i32
      %dma_start3A_212 = tpu.memref_slice %arg14[%dma_start3A_210, %dma_start3A_211] : memref<10240x128xf32, #tpu.memory_space<vmem_shared>> -> memref<10240x128xf32, #tpu.memory_space<vmem_shared>>
      tpu.enqueue_indirect_dma source(%arg8 : memref<128x128xf32, #tpu.memory_space<vmem>>) target(%dma_start3A_212 : memref<10240x128xf32, #tpu.memory_space<vmem_shared>>) offsets(%dma_start3A_209 : memref<128xi32, #tpu.memory_space<vmem>>) semaphore(%arg12 : memref<!tpu.dma_semaphore, #tpu.memory_space<semaphore_mem>>) {add = true}
      %dma_wait3A_213 = arith.constant 0 : i32
      %dma_wait3A_214 = arith.constant 0 : i32
      %dma_wait3A_215 = arith.constant 0 : i32
      %dma_wait3A_216 = tpu.memref_slice %arg6[%dma_wait3A_213, %dma_wait3A_214, %dma_wait3A_215] : memref<6x8x128xi32, #tpu.memory_space<vmem>> -> memref<1x1x128xi32, #tpu.memory_space<vmem>>
      %dma_wait3A_217 = tpu.memref_squeeze %dma_wait3A_216 : memref<1x1x128xi32, #tpu.memory_space<vmem>> -> memref<128xi32, #tpu.memory_space<vmem>>
      %dma_wait3A_218 = arith.constant 0 : i32
      %dma_wait3A_219 = arith.constant 0 : i32
      %dma_wait3A_220 = tpu.memref_slice %arg2[%dma_wait3A_218, %dma_wait3A_219] : memref<10000x128xf32, #tpu.memory_space<hbm>> -> memref<10000x128xf32, #tpu.memory_space<hbm>>
      tpu.wait_indirect_dma semaphore(%arg11 : memref<!tpu.dma_semaphore, #tpu.memory_space<semaphore_mem>>) src(%dma_wait3A_220 : memref<10000x128xf32, #tpu.memory_space<hbm>>) dst(%arg9 : memref<128x128xf32, #tpu.memory_space<vmem>>)
      %add3A_221 = arith.constant 1 : i32
      %add3A_222 = arith.addi %mul3A_166, %add3A_221 : i32
      %jit3A_223 = arith.constant 8 : i32
      %div3A_224 = arith.divsi %add3A_222, %jit3A_223 : i32
      %sign3A_225 = arith.constant 0 : i32
      %sign3A_226 = arith.cmpi sgt, %add3A_222, %sign3A_225 : i32
      %sign3A_227 = arith.extui %sign3A_226 : i1 to i32
      %sign3A_228 = arith.constant 0 : i32
      %sign3A_229 = arith.cmpi slt, %add3A_222, %sign3A_228 : i32
      %sign3A_230 = arith.extui %sign3A_229 : i1 to i32
      %sign3A_231 = arith.subi %sign3A_227, %sign3A_230 : i32
      %sign3A_232 = arith.constant 0 : i32
      %sign3A_233 = arith.cmpi sgt, %jit3A_223, %sign3A_232 : i32
      %sign3A_234 = arith.extui %sign3A_233 : i1 to i32
      %sign3A_235 = arith.constant 0 : i32
      %sign3A_236 = arith.cmpi slt, %jit3A_223, %sign3A_235 : i32
      %sign3A_237 = arith.extui %sign3A_236 : i1 to i32
      %sign3A_238 = arith.subi %sign3A_234, %sign3A_237 : i32
      %ne3A_239 = arith.cmpi ne, %sign3A_231, %sign3A_238 : i32
      %rem3A_240 = arith.remsi %add3A_222, %jit3A_223 : i32
      %ne3A_241 = arith.constant 0 : i32
      %ne3A_242 = arith.cmpi ne, %rem3A_240, %ne3A_241 : i32
      %and3A_243 = arith.andi %ne3A_239, %ne3A_242 : i1
      %sub3A_244 = arith.constant 1 : i32
      %sub3A_245 = arith.subi %div3A_224, %sub3A_244 : i32
      %select_n3A_246 = arith.select %and3A_243, %sub3A_245, %div3A_224 : i32
      %jit3A_247 = arith.constant 8 : i32
      %eq3A_248 = arith.constant 0 : i32
      %eq3A_249 = arith.cmpi eq, %jit3A_247, %eq3A_248 : i32
      %jit3A_250 = arith.constant 1 : i32
      %select_n3A_251 = arith.select %eq3A_249, %jit3A_250, %jit3A_247 : i32
      %rem3A_252 = arith.remsi %add3A_222, %select_n3A_251 : i32
      %ne3A_253 = arith.constant 0 : i32
      %ne3A_254 = arith.cmpi ne, %rem3A_252, %ne3A_253 : i32
      %lt3A_255 = arith.constant 0 : i32
      %lt3A_256 = arith.cmpi slt, %rem3A_252, %lt3A_255 : i32
      %lt3A_257 = arith.constant 0 : i32
      %lt3A_258 = arith.cmpi slt, %select_n3A_251, %lt3A_257 : i32
      %ne3A_259 = arith.xori %lt3A_256, %lt3A_258 : i1
      %and3A_260 = arith.andi %ne3A_259, %ne3A_254 : i1
      %add3A_261 = arith.addi %rem3A_252, %select_n3A_251 : i32
      %select_n3A_262 = arith.select %and3A_260, %add3A_261, %rem3A_252 : i32
      %dma_start3A_263 = arith.constant 0 : i32
      %dma_start3A_264 = tpu.memref_slice %arg7[%select_n3A_246, %select_n3A_262, %dma_start3A_263] : memref<6x8x128xi32, #tpu.memory_space<vmem>> -> memref<1x1x128xi32, #tpu.memory_space<vmem>>
      %dma_start3A_265 = tpu.memref_squeeze %dma_start3A_264 : memref<1x1x128xi32, #tpu.memory_space<vmem>> -> memref<128xi32, #tpu.memory_space<vmem>>
      %dma_start3A_266 = arith.constant 0 : i32
      %dma_start3A_267 = arith.constant 0 : i32
      %dma_start3A_268 = tpu.memref_slice %arg14[%dma_start3A_266, %dma_start3A_267] : memref<10240x128xf32, #tpu.memory_space<vmem_shared>> -> memref<10240x128xf32, #tpu.memory_space<vmem_shared>>
      tpu.enqueue_indirect_dma source(%arg9 : memref<128x128xf32, #tpu.memory_space<vmem>>) target(%dma_start3A_268 : memref<10240x128xf32, #tpu.memory_space<vmem_shared>>) offsets(%dma_start3A_265 : memref<128xi32, #tpu.memory_space<vmem>>) semaphore(%arg13 : memref<!tpu.dma_semaphore, #tpu.memory_space<semaphore_mem>>) {add = true}
      %lt3A_269 = arith.constant 23 : i32
      %lt3A_270 = arith.cmpi slt, %scan3A_163, %lt3A_269 : i32
      %convert_element_type3A = arith.extui %lt3A_270 : i1 to i32
      %cond3A = arith.constant 0 : i32
      %cond3A_271 = arith.cmpi ne, %convert_element_type3A, %cond3A : i32
      scf.if %cond3A_271 {
        %dma_wait3A_273 = arith.constant 0 : i32
        %dma_wait3A_274 = arith.constant 0 : i32
        %dma_wait3A_275 = arith.constant 0 : i32
        %dma_wait3A_276 = tpu.memref_slice %arg7[%dma_wait3A_273, %dma_wait3A_274, %dma_wait3A_275] : memref<6x8x128xi32, #tpu.memory_space<vmem>> -> memref<1x1x128xi32, #tpu.memory_space<vmem>>
        %dma_wait3A_277 = tpu.memref_squeeze %dma_wait3A_276 : memref<1x1x128xi32, #tpu.memory_space<vmem>> -> memref<128xi32, #tpu.memory_space<vmem>>
        %dma_wait3A_278 = arith.constant 0 : i32
        %dma_wait3A_279 = arith.constant 0 : i32
        %dma_wait3A_280 = tpu.memref_slice %arg14[%dma_wait3A_278, %dma_wait3A_279] : memref<10240x128xf32, #tpu.memory_space<vmem_shared>> -> memref<10240x128xf32, #tpu.memory_space<vmem_shared>>
        tpu.wait_indirect_dma semaphore(%arg12 : memref<!tpu.dma_semaphore, #tpu.memory_space<semaphore_mem>>) src(%arg8 : memref<128x128xf32, #tpu.memory_space<vmem>>) dst(%dma_wait3A_280 : memref<10240x128xf32, #tpu.memory_space<vmem_shared>>)
        %add3A_281 = arith.constant 2 : i32
        %add3A_282 = arith.addi %mul3A_166, %add3A_281 : i32
        %add3A_283 = arith.constant 0 : i32
        %add3A_284 = arith.addi %add3A_282, %add3A_283 : i32
        %jit3A_285 = arith.constant 8 : i32
        %div3A_286 = arith.divsi %add3A_284, %jit3A_285 : i32
        %sign3A_287 = arith.constant 0 : i32
        %sign3A_288 = arith.cmpi sgt, %add3A_284, %sign3A_287 : i32
        %sign3A_289 = arith.extui %sign3A_288 : i1 to i32
        %sign3A_290 = arith.constant 0 : i32
        %sign3A_291 = arith.cmpi slt, %add3A_284, %sign3A_290 : i32
        %sign3A_292 = arith.extui %sign3A_291 : i1 to i32
        %sign3A_293 = arith.subi %sign3A_289, %sign3A_292 : i32
        %sign3A_294 = arith.constant 0 : i32
        %sign3A_295 = arith.cmpi sgt, %jit3A_285, %sign3A_294 : i32
        %sign3A_296 = arith.extui %sign3A_295 : i1 to i32
        %sign3A_297 = arith.constant 0 : i32
        %sign3A_298 = arith.cmpi slt, %jit3A_285, %sign3A_297 : i32
        %sign3A_299 = arith.extui %sign3A_298 : i1 to i32
        %sign3A_300 = arith.subi %sign3A_296, %sign3A_299 : i32
        %ne3A_301 = arith.cmpi ne, %sign3A_293, %sign3A_300 : i32
        %rem3A_302 = arith.remsi %add3A_284, %jit3A_285 : i32
        %ne3A_303 = arith.constant 0 : i32
        %ne3A_304 = arith.cmpi ne, %rem3A_302, %ne3A_303 : i32
        %and3A_305 = arith.andi %ne3A_301, %ne3A_304 : i1
        %sub3A_306 = arith.constant 1 : i32
        %sub3A_307 = arith.subi %div3A_286, %sub3A_306 : i32
        %select_n3A_308 = arith.select %and3A_305, %sub3A_307, %div3A_286 : i32
        %jit3A_309 = arith.constant 8 : i32
        %eq3A_310 = arith.constant 0 : i32
        %eq3A_311 = arith.cmpi eq, %jit3A_309, %eq3A_310 : i32
        %jit3A_312 = arith.constant 1 : i32
        %select_n3A_313 = arith.select %eq3A_311, %jit3A_312, %jit3A_309 : i32
        %rem3A_314 = arith.remsi %add3A_284, %select_n3A_313 : i32
        %ne3A_315 = arith.constant 0 : i32
        %ne3A_316 = arith.cmpi ne, %rem3A_314, %ne3A_315 : i32
        %lt3A_317 = arith.constant 0 : i32
        %lt3A_318 = arith.cmpi slt, %rem3A_314, %lt3A_317 : i32
        %lt3A_319 = arith.constant 0 : i32
        %lt3A_320 = arith.cmpi slt, %select_n3A_313, %lt3A_319 : i32
        %ne3A_321 = arith.xori %lt3A_318, %lt3A_320 : i1
        %and3A_322 = arith.andi %ne3A_321, %ne3A_316 : i1
        %add3A_323 = arith.addi %rem3A_314, %select_n3A_313 : i32
        %select_n3A_324 = arith.select %and3A_322, %add3A_323, %rem3A_314 : i32
        %dma_start3A_325 = arith.constant 0 : i32
        %dma_start3A_326 = tpu.memref_slice %arg6[%select_n3A_308, %select_n3A_324, %dma_start3A_325] : memref<6x8x128xi32, #tpu.memory_space<vmem>> -> memref<1x1x128xi32, #tpu.memory_space<vmem>>
        %dma_start3A_327 = tpu.memref_squeeze %dma_start3A_326 : memref<1x1x128xi32, #tpu.memory_space<vmem>> -> memref<128xi32, #tpu.memory_space<vmem>>
        %dma_start3A_328 = arith.constant 0 : i32
        %dma_start3A_329 = arith.constant 0 : i32
        %dma_start3A_330 = tpu.memref_slice %arg2[%dma_start3A_328, %dma_start3A_329] : memref<10000x128xf32, #tpu.memory_space<hbm>> -> memref<10000x128xf32, #tpu.memory_space<hbm>>
        tpu.enqueue_indirect_dma source(%dma_start3A_330 : memref<10000x128xf32, #tpu.memory_space<hbm>>) target(%arg8 : memref<128x128xf32, #tpu.memory_space<vmem>>) offsets(%dma_start3A_327 : memref<128xi32, #tpu.memory_space<vmem>>) semaphore(%arg10 : memref<!tpu.dma_semaphore, #tpu.memory_space<semaphore_mem>>)
        %dma_wait3A_331 = arith.constant 0 : i32
        %dma_wait3A_332 = arith.constant 0 : i32
        %dma_wait3A_333 = arith.constant 0 : i32
        %dma_wait3A_334 = tpu.memref_slice %arg7[%dma_wait3A_331, %dma_wait3A_332, %dma_wait3A_333] : memref<6x8x128xi32, #tpu.memory_space<vmem>> -> memref<1x1x128xi32, #tpu.memory_space<vmem>>
        %dma_wait3A_335 = tpu.memref_squeeze %dma_wait3A_334 : memref<1x1x128xi32, #tpu.memory_space<vmem>> -> memref<128xi32, #tpu.memory_space<vmem>>
        %dma_wait3A_336 = arith.constant 0 : i32
        %dma_wait3A_337 = arith.constant 0 : i32
        %dma_wait3A_338 = tpu.memref_slice %arg14[%dma_wait3A_336, %dma_wait3A_337] : memref<10240x128xf32, #tpu.memory_space<vmem_shared>> -> memref<10240x128xf32, #tpu.memory_space<vmem_shared>>
        tpu.wait_indirect_dma semaphore(%arg13 : memref<!tpu.dma_semaphore, #tpu.memory_space<semaphore_mem>>) src(%arg9 : memref<128x128xf32, #tpu.memory_space<vmem>>) dst(%dma_wait3A_338 : memref<10240x128xf32, #tpu.memory_space<vmem_shared>>)
        %add3A_339 = arith.constant 2 : i32
        %add3A_340 = arith.addi %mul3A_166, %add3A_339 : i32
        %add3A_341 = arith.constant 1 : i32
        %add3A_342 = arith.addi %add3A_340, %add3A_341 : i32
        %jit3A_343 = arith.constant 8 : i32
        %div3A_344 = arith.divsi %add3A_342, %jit3A_343 : i32
        %sign3A_345 = arith.constant 0 : i32
        %sign3A_346 = arith.cmpi sgt, %add3A_342, %sign3A_345 : i32
        %sign3A_347 = arith.extui %sign3A_346 : i1 to i32
        %sign3A_348 = arith.constant 0 : i32
        %sign3A_349 = arith.cmpi slt, %add3A_342, %sign3A_348 : i32
        %sign3A_350 = arith.extui %sign3A_349 : i1 to i32
        %sign3A_351 = arith.subi %sign3A_347, %sign3A_350 : i32
        %sign3A_352 = arith.constant 0 : i32
        %sign3A_353 = arith.cmpi sgt, %jit3A_343, %sign3A_352 : i32
        %sign3A_354 = arith.extui %sign3A_353 : i1 to i32
        %sign3A_355 = arith.constant 0 : i32
        %sign3A_356 = arith.cmpi slt, %jit3A_343, %sign3A_355 : i32
        %sign3A_357 = arith.extui %sign3A_356 : i1 to i32
        %sign3A_358 = arith.subi %sign3A_354, %sign3A_357 : i32
        %ne3A_359 = arith.cmpi ne, %sign3A_351, %sign3A_358 : i32
        %rem3A_360 = arith.remsi %add3A_342, %jit3A_343 : i32
        %ne3A_361 = arith.constant 0 : i32
        %ne3A_362 = arith.cmpi ne, %rem3A_360, %ne3A_361 : i32
        %and3A_363 = arith.andi %ne3A_359, %ne3A_362 : i1
        %sub3A_364 = arith.constant 1 : i32
        %sub3A_365 = arith.subi %div3A_344, %sub3A_364 : i32
        %select_n3A_366 = arith.select %and3A_363, %sub3A_365, %div3A_344 : i32
        %jit3A_367 = arith.constant 8 : i32
        %eq3A_368 = arith.constant 0 : i32
        %eq3A_369 = arith.cmpi eq, %jit3A_367, %eq3A_368 : i32
        %jit3A_370 = arith.constant 1 : i32
        %select_n3A_371 = arith.select %eq3A_369, %jit3A_370, %jit3A_367 : i32
        %rem3A_372 = arith.remsi %add3A_342, %select_n3A_371 : i32
        %ne3A_373 = arith.constant 0 : i32
        %ne3A_374 = arith.cmpi ne, %rem3A_372, %ne3A_373 : i32
        %lt3A_375 = arith.constant 0 : i32
        %lt3A_376 = arith.cmpi slt, %rem3A_372, %lt3A_375 : i32
        %lt3A_377 = arith.constant 0 : i32
        %lt3A_378 = arith.cmpi slt, %select_n3A_371, %lt3A_377 : i32
        %ne3A_379 = arith.xori %lt3A_376, %lt3A_378 : i1
        %and3A_380 = arith.andi %ne3A_379, %ne3A_374 : i1
        %add3A_381 = arith.addi %rem3A_372, %select_n3A_371 : i32
        %select_n3A_382 = arith.select %and3A_380, %add3A_381, %rem3A_372 : i32
        %dma_start3A_383 = arith.constant 0 : i32
        %dma_start3A_384 = tpu.memref_slice %arg6[%select_n3A_366, %select_n3A_382, %dma_start3A_383] : memref<6x8x128xi32, #tpu.memory_space<vmem>> -> memref<1x1x128xi32, #tpu.memory_space<vmem>>
        %dma_start3A_385 = tpu.memref_squeeze %dma_start3A_384 : memref<1x1x128xi32, #tpu.memory_space<vmem>> -> memref<128xi32, #tpu.memory_space<vmem>>
        %dma_start3A_386 = arith.constant 0 : i32
        %dma_start3A_387 = arith.constant 0 : i32
        %dma_start3A_388 = tpu.memref_slice %arg2[%dma_start3A_386, %dma_start3A_387] : memref<10000x128xf32, #tpu.memory_space<hbm>> -> memref<10000x128xf32, #tpu.memory_space<hbm>>
        tpu.enqueue_indirect_dma source(%dma_start3A_388 : memref<10000x128xf32, #tpu.memory_space<hbm>>) target(%arg9 : memref<128x128xf32, #tpu.memory_space<vmem>>) offsets(%dma_start3A_385 : memref<128xi32, #tpu.memory_space<vmem>>) semaphore(%arg11 : memref<!tpu.dma_semaphore, #tpu.memory_space<semaphore_mem>>)
      } else {
      }
      %scan3A_272 = arith.constant 0 : i32
      scf.yield %scan3A_272 : i32
    }
    %scan3A_102 = arith.constant 24 : i32
    %dma_wait3A_103 = arith.constant 0 : i32
    %dma_wait3A_104 = arith.constant 0 : i32
    %dma_wait3A_105 = arith.constant 0 : i32
    %dma_wait3A_106 = tpu.memref_slice %arg7[%dma_wait3A_103, %dma_wait3A_104, %dma_wait3A_105] : memref<6x8x128xi32, #tpu.memory_space<vmem>> -> memref<1x1x128xi32, #tpu.memory_space<vmem>>
    %dma_wait3A_107 = tpu.memref_squeeze %dma_wait3A_106 : memref<1x1x128xi32, #tpu.memory_space<vmem>> -> memref<128xi32, #tpu.memory_space<vmem>>
    %dma_wait3A_108 = arith.constant 0 : i32
    %dma_wait3A_109 = arith.constant 0 : i32
    %dma_wait3A_110 = tpu.memref_slice %arg14[%dma_wait3A_108, %dma_wait3A_109] : memref<10240x128xf32, #tpu.memory_space<vmem_shared>> -> memref<10240x128xf32, #tpu.memory_space<vmem_shared>>
    tpu.wait_indirect_dma semaphore(%arg12 : memref<!tpu.dma_semaphore, #tpu.memory_space<semaphore_mem>>) src(%arg8 : memref<128x128xf32, #tpu.memory_space<vmem>>) dst(%dma_wait3A_110 : memref<10240x128xf32, #tpu.memory_space<vmem_shared>>)
    %dma_wait3A_111 = arith.constant 0 : i32
    %dma_wait3A_112 = arith.constant 0 : i32
    %dma_wait3A_113 = arith.constant 0 : i32
    %dma_wait3A_114 = tpu.memref_slice %arg7[%dma_wait3A_111, %dma_wait3A_112, %dma_wait3A_113] : memref<6x8x128xi32, #tpu.memory_space<vmem>> -> memref<1x1x128xi32, #tpu.memory_space<vmem>>
    %dma_wait3A_115 = tpu.memref_squeeze %dma_wait3A_114 : memref<1x1x128xi32, #tpu.memory_space<vmem>> -> memref<128xi32, #tpu.memory_space<vmem>>
    %dma_wait3A_116 = arith.constant 0 : i32
    %dma_wait3A_117 = arith.constant 0 : i32
    %dma_wait3A_118 = tpu.memref_slice %arg14[%dma_wait3A_116, %dma_wait3A_117] : memref<10240x128xf32, #tpu.memory_space<vmem_shared>> -> memref<10240x128xf32, #tpu.memory_space<vmem_shared>>
    tpu.wait_indirect_dma semaphore(%arg13 : memref<!tpu.dma_semaphore, #tpu.memory_space<semaphore_mem>>) src(%arg9 : memref<128x128xf32, #tpu.memory_space<vmem>>) dst(%dma_wait3A_118 : memref<10240x128xf32, #tpu.memory_space<vmem_shared>>)
    %mul3A_119 = arith.constant 11 : i32
    %mul3A_120 = arith.muli %add3A, %mul3A_119 : i32
    %add3A_121 = arith.constant 6 : i32
    %add3A_122 = arith.addi %mul3A_120, %add3A_121 : i32
    "tpu.region"() ({
      %run_scoped3A = tpu.sem_alloc : memref<!tpu.dma_semaphore, #tpu.memory_space<semaphore_mem>>
      %dma_start3A_163 = arith.constant 0 : i32
      %dma_start3A_164 = arith.constant 0 : i32
      %dma_start3A_165 = arith.constant 0 : i32
      %dma_start3A_166 = tpu.memref_slice %arg6[%dma_start3A_163, %dma_start3A_164, %dma_start3A_165] : memref<6x8x128xi32, #tpu.memory_space<vmem>> -> memref<5x8x128xi32, #tpu.memory_space<vmem>>
      %dma_start3A_167 = arith.constant 0 : i32
      %dma_start3A_168 = arith.constant 0 : i32
      %dma_start3A_169 = tpu.memref_slice %arg3[%add3A_122, %dma_start3A_167, %dma_start3A_168] : memref<352x8x128xi32, #tpu.memory_space<hbm>> -> memref<5x8x128xi32, #tpu.memory_space<hbm>>
      %dma_start3A_170 = arith.constant 0 : i32
      %dma_start3A_171 = arith.constant 0 : i32
      %dma_start3A_172 = arith.constant 0 : i32
      %dma_start3A_173 = tpu.memref_slice %arg6[%dma_start3A_170, %dma_start3A_171, %dma_start3A_172] : memref<6x8x128xi32, #tpu.memory_space<vmem>> -> memref<5x8x128xi32, #tpu.memory_space<vmem>>
      %dma_start3A_174 = arith.constant 0 : i32
      %dma_start3A_175 = arith.constant 0 : i32
      %dma_start3A_176 = tpu.memref_slice %arg3[%add3A_122, %dma_start3A_174, %dma_start3A_175] : memref<352x8x128xi32, #tpu.memory_space<hbm>> -> memref<5x8x128xi32, #tpu.memory_space<hbm>>
      tpu.enqueue_dma source(%dma_start3A_176 : memref<5x8x128xi32, #tpu.memory_space<hbm>>) target(%dma_start3A_173 : memref<5x8x128xi32, #tpu.memory_space<vmem>>) target_semaphore(%run_scoped3A : memref<!tpu.dma_semaphore, #tpu.memory_space<semaphore_mem>>)
      %dma_wait3A_177 = arith.constant 0 : i32
      %dma_wait3A_178 = arith.constant 0 : i32
      %dma_wait3A_179 = arith.constant 0 : i32
      %dma_wait3A_180 = tpu.memref_slice %arg6[%dma_wait3A_177, %dma_wait3A_178, %dma_wait3A_179] : memref<6x8x128xi32, #tpu.memory_space<vmem>> -> memref<5x8x128xi32, #tpu.memory_space<vmem>>
      %dma_wait3A_181 = arith.constant 0 : i32
      %dma_wait3A_182 = arith.constant 0 : i32
      %dma_wait3A_183 = tpu.memref_slice %arg3[%add3A_122, %dma_wait3A_181, %dma_wait3A_182] : memref<352x8x128xi32, #tpu.memory_space<hbm>> -> memref<5x8x128xi32, #tpu.memory_space<hbm>>
      %dma_wait3A_184 = arith.constant 0 : i32
      %dma_wait3A_185 = arith.constant 0 : i32
      %dma_wait3A_186 = arith.constant 0 : i32
      %dma_wait3A_187 = tpu.memref_slice %arg6[%dma_wait3A_184, %dma_wait3A_185, %dma_wait3A_186] : memref<6x8x128xi32, #tpu.memory_space<vmem>> -> memref<5x8x128xi32, #tpu.memory_space<vmem>>
      %dma_wait3A_188 = arith.constant 0 : i32
      %dma_wait3A_189 = arith.constant 0 : i32
      %dma_wait3A_190 = tpu.memref_slice %arg3[%add3A_122, %dma_wait3A_188, %dma_wait3A_189] : memref<352x8x128xi32, #tpu.memory_space<hbm>> -> memref<5x8x128xi32, #tpu.memory_space<hbm>>
      tpu.wait_dma2 semaphore(%run_scoped3A : memref<!tpu.dma_semaphore, #tpu.memory_space<semaphore_mem>>) src(%dma_wait3A_190 : memref<5x8x128xi32, #tpu.memory_space<hbm>>) dst(%dma_wait3A_187 : memref<5x8x128xi32, #tpu.memory_space<vmem>>)
      tpu.yield
    }) : () -> ()
    "tpu.region"() ({
      %run_scoped3A = tpu.sem_alloc : memref<!tpu.dma_semaphore, #tpu.memory_space<semaphore_mem>>
      %dma_start3A_163 = arith.constant 0 : i32
      %dma_start3A_164 = arith.constant 0 : i32
      %dma_start3A_165 = arith.constant 0 : i32
      %dma_start3A_166 = tpu.memref_slice %arg7[%dma_start3A_163, %dma_start3A_164, %dma_start3A_165] : memref<6x8x128xi32, #tpu.memory_space<vmem>> -> memref<5x8x128xi32, #tpu.memory_space<vmem>>
      %dma_start3A_167 = arith.constant 0 : i32
      %dma_start3A_168 = arith.constant 0 : i32
      %dma_start3A_169 = tpu.memref_slice %arg4[%add3A_122, %dma_start3A_167, %dma_start3A_168] : memref<352x8x128xi32, #tpu.memory_space<hbm>> -> memref<5x8x128xi32, #tpu.memory_space<hbm>>
      %dma_start3A_170 = arith.constant 0 : i32
      %dma_start3A_171 = arith.constant 0 : i32
      %dma_start3A_172 = arith.constant 0 : i32
      %dma_start3A_173 = tpu.memref_slice %arg7[%dma_start3A_170, %dma_start3A_171, %dma_start3A_172] : memref<6x8x128xi32, #tpu.memory_space<vmem>> -> memref<5x8x128xi32, #tpu.memory_space<vmem>>
      %dma_start3A_174 = arith.constant 0 : i32
      %dma_start3A_175 = arith.constant 0 : i32
      %dma_start3A_176 = tpu.memref_slice %arg4[%add3A_122, %dma_start3A_174, %dma_start3A_175] : memref<352x8x128xi32, #tpu.memory_space<hbm>> -> memref<5x8x128xi32, #tpu.memory_space<hbm>>
      tpu.enqueue_dma source(%dma_start3A_176 : memref<5x8x128xi32, #tpu.memory_space<hbm>>) target(%dma_start3A_173 : memref<5x8x128xi32, #tpu.memory_space<vmem>>) target_semaphore(%run_scoped3A : memref<!tpu.dma_semaphore, #tpu.memory_space<semaphore_mem>>)
      %dma_wait3A_177 = arith.constant 0 : i32
      %dma_wait3A_178 = arith.constant 0 : i32
      %dma_wait3A_179 = arith.constant 0 : i32
      %dma_wait3A_180 = tpu.memref_slice %arg7[%dma_wait3A_177, %dma_wait3A_178, %dma_wait3A_179] : memref<6x8x128xi32, #tpu.memory_space<vmem>> -> memref<5x8x128xi32, #tpu.memory_space<vmem>>
      %dma_wait3A_181 = arith.constant 0 : i32
      %dma_wait3A_182 = arith.constant 0 : i32
      %dma_wait3A_183 = tpu.memref_slice %arg4[%add3A_122, %dma_wait3A_181, %dma_wait3A_182] : memref<352x8x128xi32, #tpu.memory_space<hbm>> -> memref<5x8x128xi32, #tpu.memory_space<hbm>>
      %dma_wait3A_184 = arith.constant 0 : i32
      %dma_wait3A_185 = arith.constant 0 : i32
      %dma_wait3A_186 = arith.constant 0 : i32
      %dma_wait3A_187 = tpu.memref_slice %arg7[%dma_wait3A_184, %dma_wait3A_185, %dma_wait3A_186] : memref<6x8x128xi32, #tpu.memory_space<vmem>> -> memref<5x8x128xi32, #tpu.memory_space<vmem>>
      %dma_wait3A_188 = arith.constant 0 : i32
      %dma_wait3A_189 = arith.constant 0 : i32
      %dma_wait3A_190 = tpu.memref_slice %arg4[%add3A_122, %dma_wait3A_188, %dma_wait3A_189] : memref<352x8x128xi32, #tpu.memory_space<hbm>> -> memref<5x8x128xi32, #tpu.memory_space<hbm>>
      tpu.wait_dma2 semaphore(%run_scoped3A : memref<!tpu.dma_semaphore, #tpu.memory_space<semaphore_mem>>) src(%dma_wait3A_190 : memref<5x8x128xi32, #tpu.memory_space<hbm>>) dst(%dma_wait3A_187 : memref<5x8x128xi32, #tpu.memory_space<vmem>>)
      tpu.yield
    }) : () -> ()
    %dma_start3A_123 = arith.constant 0 : i32
    %dma_start3A_124 = arith.constant 0 : i32
    %dma_start3A_125 = arith.constant 0 : i32
    %dma_start3A_126 = tpu.memref_slice %arg6[%dma_start3A_123, %dma_start3A_124, %dma_start3A_125] : memref<6x8x128xi32, #tpu.memory_space<vmem>> -> memref<1x1x128xi32, #tpu.memory_space<vmem>>
    %dma_start3A_127 = tpu.memref_squeeze %dma_start3A_126 : memref<1x1x128xi32, #tpu.memory_space<vmem>> -> memref<128xi32, #tpu.memory_space<vmem>>
    %dma_start3A_128 = arith.constant 0 : i32
    %dma_start3A_129 = arith.constant 0 : i32
    %dma_start3A_130 = tpu.memref_slice %arg2[%dma_start3A_128, %dma_start3A_129] : memref<10000x128xf32, #tpu.memory_space<hbm>> -> memref<10000x128xf32, #tpu.memory_space<hbm>>
    tpu.enqueue_indirect_dma source(%dma_start3A_130 : memref<10000x128xf32, #tpu.memory_space<hbm>>) target(%arg8 : memref<128x128xf32, #tpu.memory_space<vmem>>) offsets(%dma_start3A_127 : memref<128xi32, #tpu.memory_space<vmem>>) semaphore(%arg10 : memref<!tpu.dma_semaphore, #tpu.memory_space<semaphore_mem>>)
    %dma_start3A_131 = arith.constant 0 : i32
    %dma_start3A_132 = arith.constant 1 : i32
    %dma_start3A_133 = arith.constant 0 : i32
    %dma_start3A_134 = tpu.memref_slice %arg6[%dma_start3A_131, %dma_start3A_132, %dma_start3A_133] : memref<6x8x128xi32, #tpu.memory_space<vmem>> -> memref<1x1x128xi32, #tpu.memory_space<vmem>>
    %dma_start3A_135 = tpu.memref_squeeze %dma_start3A_134 : memref<1x1x128xi32, #tpu.memory_space<vmem>> -> memref<128xi32, #tpu.memory_space<vmem>>
    %dma_start3A_136 = arith.constant 0 : i32
    %dma_start3A_137 = arith.constant 0 : i32
    %dma_start3A_138 = tpu.memref_slice %arg2[%dma_start3A_136, %dma_start3A_137] : memref<10000x128xf32, #tpu.memory_space<hbm>> -> memref<10000x128xf32, #tpu.memory_space<hbm>>
    tpu.enqueue_indirect_dma source(%dma_start3A_138 : memref<10000x128xf32, #tpu.memory_space<hbm>>) target(%arg9 : memref<128x128xf32, #tpu.memory_space<vmem>>) offsets(%dma_start3A_135 : memref<128xi32, #tpu.memory_space<vmem>>) semaphore(%arg11 : memref<!tpu.dma_semaphore, #tpu.memory_space<semaphore_mem>>)
    %scan3A_139 = arith.constant 0 : i32
    %scan3A_140 = arith.constant 0 : i32
    %scan3A_141 = arith.constant 20 : i32
    %scan3A_142 = arith.addi %scan3A_140, %scan3A_141 : i32
    %scan3A_143 = arith.constant 1 : i32
    %scan3A_144 = scf.for %scan3A_163 = %scan3A_140 to %scan3A_142 step %scan3A_143 iter_args(%scan3A_164 = %scan3A_139) -> (i32)  : i32 {
      %mul3A_165 = arith.constant 2 : i32
      %mul3A_166 = arith.muli %scan3A_163, %mul3A_165 : i32
      %dma_wait3A_167 = arith.constant 0 : i32
      %dma_wait3A_168 = arith.constant 0 : i32
      %dma_wait3A_169 = arith.constant 0 : i32
      %dma_wait3A_170 = tpu.memref_slice %arg6[%dma_wait3A_167, %dma_wait3A_168, %dma_wait3A_169] : memref<6x8x128xi32, #tpu.memory_space<vmem>> -> memref<1x1x128xi32, #tpu.memory_space<vmem>>
      %dma_wait3A_171 = tpu.memref_squeeze %dma_wait3A_170 : memref<1x1x128xi32, #tpu.memory_space<vmem>> -> memref<128xi32, #tpu.memory_space<vmem>>
      %dma_wait3A_172 = arith.constant 0 : i32
      %dma_wait3A_173 = arith.constant 0 : i32
      %dma_wait3A_174 = tpu.memref_slice %arg2[%dma_wait3A_172, %dma_wait3A_173] : memref<10000x128xf32, #tpu.memory_space<hbm>> -> memref<10000x128xf32, #tpu.memory_space<hbm>>
      tpu.wait_indirect_dma semaphore(%arg10 : memref<!tpu.dma_semaphore, #tpu.memory_space<semaphore_mem>>) src(%dma_wait3A_174 : memref<10000x128xf32, #tpu.memory_space<hbm>>) dst(%arg8 : memref<128x128xf32, #tpu.memory_space<vmem>>)
      %add3A_175 = arith.constant 0 : i32
      %add3A_176 = arith.addi %mul3A_166, %add3A_175 : i32
      %jit3A = arith.constant 8 : i32
      %div3A = arith.divsi %add3A_176, %jit3A : i32
      %sign3A = arith.constant 0 : i32
      %sign3A_177 = arith.cmpi sgt, %add3A_176, %sign3A : i32
      %sign3A_178 = arith.extui %sign3A_177 : i1 to i32
      %sign3A_179 = arith.constant 0 : i32
      %sign3A_180 = arith.cmpi slt, %add3A_176, %sign3A_179 : i32
      %sign3A_181 = arith.extui %sign3A_180 : i1 to i32
      %sign3A_182 = arith.subi %sign3A_178, %sign3A_181 : i32
      %sign3A_183 = arith.constant 0 : i32
      %sign3A_184 = arith.cmpi sgt, %jit3A, %sign3A_183 : i32
      %sign3A_185 = arith.extui %sign3A_184 : i1 to i32
      %sign3A_186 = arith.constant 0 : i32
      %sign3A_187 = arith.cmpi slt, %jit3A, %sign3A_186 : i32
      %sign3A_188 = arith.extui %sign3A_187 : i1 to i32
      %sign3A_189 = arith.subi %sign3A_185, %sign3A_188 : i32
      %ne3A = arith.cmpi ne, %sign3A_182, %sign3A_189 : i32
      %rem3A = arith.remsi %add3A_176, %jit3A : i32
      %ne3A_190 = arith.constant 0 : i32
      %ne3A_191 = arith.cmpi ne, %rem3A, %ne3A_190 : i32
      %and3A = arith.andi %ne3A, %ne3A_191 : i1
      %sub3A = arith.constant 1 : i32
      %sub3A_192 = arith.subi %div3A, %sub3A : i32
      %select_n3A = arith.select %and3A, %sub3A_192, %div3A : i32
      %jit3A_193 = arith.constant 8 : i32
      %eq3A = arith.constant 0 : i32
      %eq3A_194 = arith.cmpi eq, %jit3A_193, %eq3A : i32
      %jit3A_195 = arith.constant 1 : i32
      %select_n3A_196 = arith.select %eq3A_194, %jit3A_195, %jit3A_193 : i32
      %rem3A_197 = arith.remsi %add3A_176, %select_n3A_196 : i32
      %ne3A_198 = arith.constant 0 : i32
      %ne3A_199 = arith.cmpi ne, %rem3A_197, %ne3A_198 : i32
      %lt3A = arith.constant 0 : i32
      %lt3A_200 = arith.cmpi slt, %rem3A_197, %lt3A : i32
      %lt3A_201 = arith.constant 0 : i32
      %lt3A_202 = arith.cmpi slt, %select_n3A_196, %lt3A_201 : i32
      %ne3A_203 = arith.xori %lt3A_200, %lt3A_202 : i1
      %and3A_204 = arith.andi %ne3A_203, %ne3A_199 : i1
      %add3A_205 = arith.addi %rem3A_197, %select_n3A_196 : i32
      %select_n3A_206 = arith.select %and3A_204, %add3A_205, %rem3A_197 : i32
      %dma_start3A_207 = arith.constant 0 : i32
      %dma_start3A_208 = tpu.memref_slice %arg7[%select_n3A, %select_n3A_206, %dma_start3A_207] : memref<6x8x128xi32, #tpu.memory_space<vmem>> -> memref<1x1x128xi32, #tpu.memory_space<vmem>>
      %dma_start3A_209 = tpu.memref_squeeze %dma_start3A_208 : memref<1x1x128xi32, #tpu.memory_space<vmem>> -> memref<128xi32, #tpu.memory_space<vmem>>
      %dma_start3A_210 = arith.constant 0 : i32
      %dma_start3A_211 = arith.constant 0 : i32
      %dma_start3A_212 = tpu.memref_slice %arg14[%dma_start3A_210, %dma_start3A_211] : memref<10240x128xf32, #tpu.memory_space<vmem_shared>> -> memref<10240x128xf32, #tpu.memory_space<vmem_shared>>
      tpu.enqueue_indirect_dma source(%arg8 : memref<128x128xf32, #tpu.memory_space<vmem>>) target(%dma_start3A_212 : memref<10240x128xf32, #tpu.memory_space<vmem_shared>>) offsets(%dma_start3A_209 : memref<128xi32, #tpu.memory_space<vmem>>) semaphore(%arg12 : memref<!tpu.dma_semaphore, #tpu.memory_space<semaphore_mem>>) {add = true}
      %dma_wait3A_213 = arith.constant 0 : i32
      %dma_wait3A_214 = arith.constant 0 : i32
      %dma_wait3A_215 = arith.constant 0 : i32
      %dma_wait3A_216 = tpu.memref_slice %arg6[%dma_wait3A_213, %dma_wait3A_214, %dma_wait3A_215] : memref<6x8x128xi32, #tpu.memory_space<vmem>> -> memref<1x1x128xi32, #tpu.memory_space<vmem>>
      %dma_wait3A_217 = tpu.memref_squeeze %dma_wait3A_216 : memref<1x1x128xi32, #tpu.memory_space<vmem>> -> memref<128xi32, #tpu.memory_space<vmem>>
      %dma_wait3A_218 = arith.constant 0 : i32
      %dma_wait3A_219 = arith.constant 0 : i32
      %dma_wait3A_220 = tpu.memref_slice %arg2[%dma_wait3A_218, %dma_wait3A_219] : memref<10000x128xf32, #tpu.memory_space<hbm>> -> memref<10000x128xf32, #tpu.memory_space<hbm>>
      tpu.wait_indirect_dma semaphore(%arg11 : memref<!tpu.dma_semaphore, #tpu.memory_space<semaphore_mem>>) src(%dma_wait3A_220 : memref<10000x128xf32, #tpu.memory_space<hbm>>) dst(%arg9 : memref<128x128xf32, #tpu.memory_space<vmem>>)
      %add3A_221 = arith.constant 1 : i32
      %add3A_222 = arith.addi %mul3A_166, %add3A_221 : i32
      %jit3A_223 = arith.constant 8 : i32
      %div3A_224 = arith.divsi %add3A_222, %jit3A_223 : i32
      %sign3A_225 = arith.constant 0 : i32
      %sign3A_226 = arith.cmpi sgt, %add3A_222, %sign3A_225 : i32
      %sign3A_227 = arith.extui %sign3A_226 : i1 to i32
      %sign3A_228 = arith.constant 0 : i32
      %sign3A_229 = arith.cmpi slt, %add3A_222, %sign3A_228 : i32
      %sign3A_230 = arith.extui %sign3A_229 : i1 to i32
      %sign3A_231 = arith.subi %sign3A_227, %sign3A_230 : i32
      %sign3A_232 = arith.constant 0 : i32
      %sign3A_233 = arith.cmpi sgt, %jit3A_223, %sign3A_232 : i32
      %sign3A_234 = arith.extui %sign3A_233 : i1 to i32
      %sign3A_235 = arith.constant 0 : i32
      %sign3A_236 = arith.cmpi slt, %jit3A_223, %sign3A_235 : i32
      %sign3A_237 = arith.extui %sign3A_236 : i1 to i32
      %sign3A_238 = arith.subi %sign3A_234, %sign3A_237 : i32
      %ne3A_239 = arith.cmpi ne, %sign3A_231, %sign3A_238 : i32
      %rem3A_240 = arith.remsi %add3A_222, %jit3A_223 : i32
      %ne3A_241 = arith.constant 0 : i32
      %ne3A_242 = arith.cmpi ne, %rem3A_240, %ne3A_241 : i32
      %and3A_243 = arith.andi %ne3A_239, %ne3A_242 : i1
      %sub3A_244 = arith.constant 1 : i32
      %sub3A_245 = arith.subi %div3A_224, %sub3A_244 : i32
      %select_n3A_246 = arith.select %and3A_243, %sub3A_245, %div3A_224 : i32
      %jit3A_247 = arith.constant 8 : i32
      %eq3A_248 = arith.constant 0 : i32
      %eq3A_249 = arith.cmpi eq, %jit3A_247, %eq3A_248 : i32
      %jit3A_250 = arith.constant 1 : i32
      %select_n3A_251 = arith.select %eq3A_249, %jit3A_250, %jit3A_247 : i32
      %rem3A_252 = arith.remsi %add3A_222, %select_n3A_251 : i32
      %ne3A_253 = arith.constant 0 : i32
      %ne3A_254 = arith.cmpi ne, %rem3A_252, %ne3A_253 : i32
      %lt3A_255 = arith.constant 0 : i32
      %lt3A_256 = arith.cmpi slt, %rem3A_252, %lt3A_255 : i32
      %lt3A_257 = arith.constant 0 : i32
      %lt3A_258 = arith.cmpi slt, %select_n3A_251, %lt3A_257 : i32
      %ne3A_259 = arith.xori %lt3A_256, %lt3A_258 : i1
      %and3A_260 = arith.andi %ne3A_259, %ne3A_254 : i1
      %add3A_261 = arith.addi %rem3A_252, %select_n3A_251 : i32
      %select_n3A_262 = arith.select %and3A_260, %add3A_261, %rem3A_252 : i32
      %dma_start3A_263 = arith.constant 0 : i32
      %dma_start3A_264 = tpu.memref_slice %arg7[%select_n3A_246, %select_n3A_262, %dma_start3A_263] : memref<6x8x128xi32, #tpu.memory_space<vmem>> -> memref<1x1x128xi32, #tpu.memory_space<vmem>>
      %dma_start3A_265 = tpu.memref_squeeze %dma_start3A_264 : memref<1x1x128xi32, #tpu.memory_space<vmem>> -> memref<128xi32, #tpu.memory_space<vmem>>
      %dma_start3A_266 = arith.constant 0 : i32
      %dma_start3A_267 = arith.constant 0 : i32
      %dma_start3A_268 = tpu.memref_slice %arg14[%dma_start3A_266, %dma_start3A_267] : memref<10240x128xf32, #tpu.memory_space<vmem_shared>> -> memref<10240x128xf32, #tpu.memory_space<vmem_shared>>
      tpu.enqueue_indirect_dma source(%arg9 : memref<128x128xf32, #tpu.memory_space<vmem>>) target(%dma_start3A_268 : memref<10240x128xf32, #tpu.memory_space<vmem_shared>>) offsets(%dma_start3A_265 : memref<128xi32, #tpu.memory_space<vmem>>) semaphore(%arg13 : memref<!tpu.dma_semaphore, #tpu.memory_space<semaphore_mem>>) {add = true}
      %lt3A_269 = arith.constant 19 : i32
      %lt3A_270 = arith.cmpi slt, %scan3A_163, %lt3A_269 : i32
      %convert_element_type3A = arith.extui %lt3A_270 : i1 to i32
      %cond3A = arith.constant 0 : i32
      %cond3A_271 = arith.cmpi ne, %convert_element_type3A, %cond3A : i32
      scf.if %cond3A_271 {
        %dma_wait3A_273 = arith.constant 0 : i32
        %dma_wait3A_274 = arith.constant 0 : i32
        %dma_wait3A_275 = arith.constant 0 : i32
        %dma_wait3A_276 = tpu.memref_slice %arg7[%dma_wait3A_273, %dma_wait3A_274, %dma_wait3A_275] : memref<6x8x128xi32, #tpu.memory_space<vmem>> -> memref<1x1x128xi32, #tpu.memory_space<vmem>>
        %dma_wait3A_277 = tpu.memref_squeeze %dma_wait3A_276 : memref<1x1x128xi32, #tpu.memory_space<vmem>> -> memref<128xi32, #tpu.memory_space<vmem>>
        %dma_wait3A_278 = arith.constant 0 : i32
        %dma_wait3A_279 = arith.constant 0 : i32
        %dma_wait3A_280 = tpu.memref_slice %arg14[%dma_wait3A_278, %dma_wait3A_279] : memref<10240x128xf32, #tpu.memory_space<vmem_shared>> -> memref<10240x128xf32, #tpu.memory_space<vmem_shared>>
        tpu.wait_indirect_dma semaphore(%arg12 : memref<!tpu.dma_semaphore, #tpu.memory_space<semaphore_mem>>) src(%arg8 : memref<128x128xf32, #tpu.memory_space<vmem>>) dst(%dma_wait3A_280 : memref<10240x128xf32, #tpu.memory_space<vmem_shared>>)
        %add3A_281 = arith.constant 2 : i32
        %add3A_282 = arith.addi %mul3A_166, %add3A_281 : i32
        %add3A_283 = arith.constant 0 : i32
        %add3A_284 = arith.addi %add3A_282, %add3A_283 : i32
        %jit3A_285 = arith.constant 8 : i32
        %div3A_286 = arith.divsi %add3A_284, %jit3A_285 : i32
        %sign3A_287 = arith.constant 0 : i32
        %sign3A_288 = arith.cmpi sgt, %add3A_284, %sign3A_287 : i32
        %sign3A_289 = arith.extui %sign3A_288 : i1 to i32
        %sign3A_290 = arith.constant 0 : i32
        %sign3A_291 = arith.cmpi slt, %add3A_284, %sign3A_290 : i32
        %sign3A_292 = arith.extui %sign3A_291 : i1 to i32
        %sign3A_293 = arith.subi %sign3A_289, %sign3A_292 : i32
        %sign3A_294 = arith.constant 0 : i32
        %sign3A_295 = arith.cmpi sgt, %jit3A_285, %sign3A_294 : i32
        %sign3A_296 = arith.extui %sign3A_295 : i1 to i32
        %sign3A_297 = arith.constant 0 : i32
        %sign3A_298 = arith.cmpi slt, %jit3A_285, %sign3A_297 : i32
        %sign3A_299 = arith.extui %sign3A_298 : i1 to i32
        %sign3A_300 = arith.subi %sign3A_296, %sign3A_299 : i32
        %ne3A_301 = arith.cmpi ne, %sign3A_293, %sign3A_300 : i32
        %rem3A_302 = arith.remsi %add3A_284, %jit3A_285 : i32
        %ne3A_303 = arith.constant 0 : i32
        %ne3A_304 = arith.cmpi ne, %rem3A_302, %ne3A_303 : i32
        %and3A_305 = arith.andi %ne3A_301, %ne3A_304 : i1
        %sub3A_306 = arith.constant 1 : i32
        %sub3A_307 = arith.subi %div3A_286, %sub3A_306 : i32
        %select_n3A_308 = arith.select %and3A_305, %sub3A_307, %div3A_286 : i32
        %jit3A_309 = arith.constant 8 : i32
        %eq3A_310 = arith.constant 0 : i32
        %eq3A_311 = arith.cmpi eq, %jit3A_309, %eq3A_310 : i32
        %jit3A_312 = arith.constant 1 : i32
        %select_n3A_313 = arith.select %eq3A_311, %jit3A_312, %jit3A_309 : i32
        %rem3A_314 = arith.remsi %add3A_284, %select_n3A_313 : i32
        %ne3A_315 = arith.constant 0 : i32
        %ne3A_316 = arith.cmpi ne, %rem3A_314, %ne3A_315 : i32
        %lt3A_317 = arith.constant 0 : i32
        %lt3A_318 = arith.cmpi slt, %rem3A_314, %lt3A_317 : i32
        %lt3A_319 = arith.constant 0 : i32
        %lt3A_320 = arith.cmpi slt, %select_n3A_313, %lt3A_319 : i32
        %ne3A_321 = arith.xori %lt3A_318, %lt3A_320 : i1
        %and3A_322 = arith.andi %ne3A_321, %ne3A_316 : i1
        %add3A_323 = arith.addi %rem3A_314, %select_n3A_313 : i32
        %select_n3A_324 = arith.select %and3A_322, %add3A_323, %rem3A_314 : i32
        %dma_start3A_325 = arith.constant 0 : i32
        %dma_start3A_326 = tpu.memref_slice %arg6[%select_n3A_308, %select_n3A_324, %dma_start3A_325] : memref<6x8x128xi32, #tpu.memory_space<vmem>> -> memref<1x1x128xi32, #tpu.memory_space<vmem>>
        %dma_start3A_327 = tpu.memref_squeeze %dma_start3A_326 : memref<1x1x128xi32, #tpu.memory_space<vmem>> -> memref<128xi32, #tpu.memory_space<vmem>>
        %dma_start3A_328 = arith.constant 0 : i32
        %dma_start3A_329 = arith.constant 0 : i32
        %dma_start3A_330 = tpu.memref_slice %arg2[%dma_start3A_328, %dma_start3A_329] : memref<10000x128xf32, #tpu.memory_space<hbm>> -> memref<10000x128xf32, #tpu.memory_space<hbm>>
        tpu.enqueue_indirect_dma source(%dma_start3A_330 : memref<10000x128xf32, #tpu.memory_space<hbm>>) target(%arg8 : memref<128x128xf32, #tpu.memory_space<vmem>>) offsets(%dma_start3A_327 : memref<128xi32, #tpu.memory_space<vmem>>) semaphore(%arg10 : memref<!tpu.dma_semaphore, #tpu.memory_space<semaphore_mem>>)
        %dma_wait3A_331 = arith.constant 0 : i32
        %dma_wait3A_332 = arith.constant 0 : i32
        %dma_wait3A_333 = arith.constant 0 : i32
        %dma_wait3A_334 = tpu.memref_slice %arg7[%dma_wait3A_331, %dma_wait3A_332, %dma_wait3A_333] : memref<6x8x128xi32, #tpu.memory_space<vmem>> -> memref<1x1x128xi32, #tpu.memory_space<vmem>>
        %dma_wait3A_335 = tpu.memref_squeeze %dma_wait3A_334 : memref<1x1x128xi32, #tpu.memory_space<vmem>> -> memref<128xi32, #tpu.memory_space<vmem>>
        %dma_wait3A_336 = arith.constant 0 : i32
        %dma_wait3A_337 = arith.constant 0 : i32
        %dma_wait3A_338 = tpu.memref_slice %arg14[%dma_wait3A_336, %dma_wait3A_337] : memref<10240x128xf32, #tpu.memory_space<vmem_shared>> -> memref<10240x128xf32, #tpu.memory_space<vmem_shared>>
        tpu.wait_indirect_dma semaphore(%arg13 : memref<!tpu.dma_semaphore, #tpu.memory_space<semaphore_mem>>) src(%arg9 : memref<128x128xf32, #tpu.memory_space<vmem>>) dst(%dma_wait3A_338 : memref<10240x128xf32, #tpu.memory_space<vmem_shared>>)
        %add3A_339 = arith.constant 2 : i32
        %add3A_340 = arith.addi %mul3A_166, %add3A_339 : i32
        %add3A_341 = arith.constant 1 : i32
        %add3A_342 = arith.addi %add3A_340, %add3A_341 : i32
        %jit3A_343 = arith.constant 8 : i32
        %div3A_344 = arith.divsi %add3A_342, %jit3A_343 : i32
        %sign3A_345 = arith.constant 0 : i32
        %sign3A_346 = arith.cmpi sgt, %add3A_342, %sign3A_345 : i32
        %sign3A_347 = arith.extui %sign3A_346 : i1 to i32
        %sign3A_348 = arith.constant 0 : i32
        %sign3A_349 = arith.cmpi slt, %add3A_342, %sign3A_348 : i32
        %sign3A_350 = arith.extui %sign3A_349 : i1 to i32
        %sign3A_351 = arith.subi %sign3A_347, %sign3A_350 : i32
        %sign3A_352 = arith.constant 0 : i32
        %sign3A_353 = arith.cmpi sgt, %jit3A_343, %sign3A_352 : i32
        %sign3A_354 = arith.extui %sign3A_353 : i1 to i32
        %sign3A_355 = arith.constant 0 : i32
        %sign3A_356 = arith.cmpi slt, %jit3A_343, %sign3A_355 : i32
        %sign3A_357 = arith.extui %sign3A_356 : i1 to i32
        %sign3A_358 = arith.subi %sign3A_354, %sign3A_357 : i32
        %ne3A_359 = arith.cmpi ne, %sign3A_351, %sign3A_358 : i32
        %rem3A_360 = arith.remsi %add3A_342, %jit3A_343 : i32
        %ne3A_361 = arith.constant 0 : i32
        %ne3A_362 = arith.cmpi ne, %rem3A_360, %ne3A_361 : i32
        %and3A_363 = arith.andi %ne3A_359, %ne3A_362 : i1
        %sub3A_364 = arith.constant 1 : i32
        %sub3A_365 = arith.subi %div3A_344, %sub3A_364 : i32
        %select_n3A_366 = arith.select %and3A_363, %sub3A_365, %div3A_344 : i32
        %jit3A_367 = arith.constant 8 : i32
        %eq3A_368 = arith.constant 0 : i32
        %eq3A_369 = arith.cmpi eq, %jit3A_367, %eq3A_368 : i32
        %jit3A_370 = arith.constant 1 : i32
        %select_n3A_371 = arith.select %eq3A_369, %jit3A_370, %jit3A_367 : i32
        %rem3A_372 = arith.remsi %add3A_342, %select_n3A_371 : i32
        %ne3A_373 = arith.constant 0 : i32
        %ne3A_374 = arith.cmpi ne, %rem3A_372, %ne3A_373 : i32
        %lt3A_375 = arith.constant 0 : i32
        %lt3A_376 = arith.cmpi slt, %rem3A_372, %lt3A_375 : i32
        %lt3A_377 = arith.constant 0 : i32
        %lt3A_378 = arith.cmpi slt, %select_n3A_371, %lt3A_377 : i32
        %ne3A_379 = arith.xori %lt3A_376, %lt3A_378 : i1
        %and3A_380 = arith.andi %ne3A_379, %ne3A_374 : i1
        %add3A_381 = arith.addi %rem3A_372, %select_n3A_371 : i32
        %select_n3A_382 = arith.select %and3A_380, %add3A_381, %rem3A_372 : i32
        %dma_start3A_383 = arith.constant 0 : i32
        %dma_start3A_384 = tpu.memref_slice %arg6[%select_n3A_366, %select_n3A_382, %dma_start3A_383] : memref<6x8x128xi32, #tpu.memory_space<vmem>> -> memref<1x1x128xi32, #tpu.memory_space<vmem>>
        %dma_start3A_385 = tpu.memref_squeeze %dma_start3A_384 : memref<1x1x128xi32, #tpu.memory_space<vmem>> -> memref<128xi32, #tpu.memory_space<vmem>>
        %dma_start3A_386 = arith.constant 0 : i32
        %dma_start3A_387 = arith.constant 0 : i32
        %dma_start3A_388 = tpu.memref_slice %arg2[%dma_start3A_386, %dma_start3A_387] : memref<10000x128xf32, #tpu.memory_space<hbm>> -> memref<10000x128xf32, #tpu.memory_space<hbm>>
        tpu.enqueue_indirect_dma source(%dma_start3A_388 : memref<10000x128xf32, #tpu.memory_space<hbm>>) target(%arg9 : memref<128x128xf32, #tpu.memory_space<vmem>>) offsets(%dma_start3A_385 : memref<128xi32, #tpu.memory_space<vmem>>) semaphore(%arg11 : memref<!tpu.dma_semaphore, #tpu.memory_space<semaphore_mem>>)
      } else {
      }
      %scan3A_272 = arith.constant 0 : i32
      scf.yield %scan3A_272 : i32
    }
    %scan3A_145 = arith.constant 20 : i32
    %dma_wait3A_146 = arith.constant 0 : i32
    %dma_wait3A_147 = arith.constant 0 : i32
    %dma_wait3A_148 = arith.constant 0 : i32
    %dma_wait3A_149 = tpu.memref_slice %arg7[%dma_wait3A_146, %dma_wait3A_147, %dma_wait3A_148] : memref<6x8x128xi32, #tpu.memory_space<vmem>> -> memref<1x1x128xi32, #tpu.memory_space<vmem>>
    %dma_wait3A_150 = tpu.memref_squeeze %dma_wait3A_149 : memref<1x1x128xi32, #tpu.memory_space<vmem>> -> memref<128xi32, #tpu.memory_space<vmem>>
    %dma_wait3A_151 = arith.constant 0 : i32
    %dma_wait3A_152 = arith.constant 0 : i32
    %dma_wait3A_153 = tpu.memref_slice %arg14[%dma_wait3A_151, %dma_wait3A_152] : memref<10240x128xf32, #tpu.memory_space<vmem_shared>> -> memref<10240x128xf32, #tpu.memory_space<vmem_shared>>
    tpu.wait_indirect_dma semaphore(%arg12 : memref<!tpu.dma_semaphore, #tpu.memory_space<semaphore_mem>>) src(%arg8 : memref<128x128xf32, #tpu.memory_space<vmem>>) dst(%dma_wait3A_153 : memref<10240x128xf32, #tpu.memory_space<vmem_shared>>)
    %dma_wait3A_154 = arith.constant 0 : i32
    %dma_wait3A_155 = arith.constant 0 : i32
    %dma_wait3A_156 = arith.constant 0 : i32
    %dma_wait3A_157 = tpu.memref_slice %arg7[%dma_wait3A_154, %dma_wait3A_155, %dma_wait3A_156] : memref<6x8x128xi32, #tpu.memory_space<vmem>> -> memref<1x1x128xi32, #tpu.memory_space<vmem>>
    %dma_wait3A_158 = tpu.memref_squeeze %dma_wait3A_157 : memref<1x1x128xi32, #tpu.memory_space<vmem>> -> memref<128xi32, #tpu.memory_space<vmem>>
    %dma_wait3A_159 = arith.constant 0 : i32
    %dma_wait3A_160 = arith.constant 0 : i32
    %dma_wait3A_161 = tpu.memref_slice %arg14[%dma_wait3A_159, %dma_wait3A_160] : memref<10240x128xf32, #tpu.memory_space<vmem_shared>> -> memref<10240x128xf32, #tpu.memory_space<vmem_shared>>
    tpu.wait_indirect_dma semaphore(%arg13 : memref<!tpu.dma_semaphore, #tpu.memory_space<semaphore_mem>>) src(%arg9 : memref<128x128xf32, #tpu.memory_space<vmem>>) dst(%dma_wait3A_161 : memref<10240x128xf32, #tpu.memory_space<vmem_shared>>)
    %barrier3A_162 = arith.constant 0 : index
    tpu.barrier barrier_id(%barrier3A_162)
    "tpu.region"() ({
      %run_scoped3A = tpu.sem_alloc : memref<!tpu.dma_semaphore, #tpu.memory_space<semaphore_mem>>
      %dma_start3A_163 = arith.constant 0 : i32
      %dma_start3A_164 = tpu.memref_slice %arg5[%arg0, %mul3A_38, %dma_start3A_163] : memref<2x10240x128xf32, #tpu.memory_space<hbm>> -> memref<1x640x128xf32, #tpu.memory_space<hbm>>
      %dma_start3A_165 = tpu.memref_squeeze %dma_start3A_164 : memref<1x640x128xf32, #tpu.memory_space<hbm>> -> memref<640x128xf32, #tpu.memory_space<hbm>>
      %dma_start3A_166 = arith.constant 0 : i32
      %dma_start3A_167 = tpu.memref_slice %arg14[%mul3A_38, %dma_start3A_166] : memref<10240x128xf32, #tpu.memory_space<vmem_shared>> -> memref<640x128xf32, #tpu.memory_space<vmem_shared>>
      tpu.enqueue_dma source(%dma_start3A_167 : memref<640x128xf32, #tpu.memory_space<vmem_shared>>) target(%dma_start3A_165 : memref<640x128xf32, #tpu.memory_space<hbm>>) target_semaphore(%run_scoped3A : memref<!tpu.dma_semaphore, #tpu.memory_space<semaphore_mem>>)
      %dma_wait3A_168 = arith.constant 0 : i32
      %dma_wait3A_169 = tpu.memref_slice %arg5[%arg0, %mul3A_38, %dma_wait3A_168] : memref<2x10240x128xf32, #tpu.memory_space<hbm>> -> memref<1x640x128xf32, #tpu.memory_space<hbm>>
      %dma_wait3A_170 = tpu.memref_squeeze %dma_wait3A_169 : memref<1x640x128xf32, #tpu.memory_space<hbm>> -> memref<640x128xf32, #tpu.memory_space<hbm>>
      %dma_wait3A_171 = arith.constant 0 : i32
      %dma_wait3A_172 = tpu.memref_slice %arg14[%mul3A_38, %dma_wait3A_171] : memref<10240x128xf32, #tpu.memory_space<vmem_shared>> -> memref<640x128xf32, #tpu.memory_space<vmem_shared>>
      tpu.wait_dma2 semaphore(%run_scoped3A : memref<!tpu.dma_semaphore, #tpu.memory_space<semaphore_mem>>) src(%dma_wait3A_172 : memref<640x128xf32, #tpu.memory_space<vmem_shared>>) dst(%dma_wait3A_170 : memref<640x128xf32, #tpu.memory_space<hbm>>)
      tpu.yield
    }) : () -> ()
    return
  }
}

#map = affine_map<(d0, d1) -> (0, 0)>
#map1 = affine_map<(d0, d1) -> (0, 0, 0)>
module attributes {stable_mosaic.version = 14 : i64} {
  func.func @scat_kernel(%arg0: i32, %arg1: i32, %arg2: memref<10000x128xf32, #tpu.memory_space<hbm>>, %arg3: memref<352x8x128xi32, #tpu.memory_space<hbm>>, %arg4: memref<352x8x128xi32, #tpu.memory_space<hbm>>, %arg5: memref<2x10240x128xf32, #tpu.memory_space<hbm>>, %arg6: memref<6x8x128xi32, #tpu.memory_space<vmem>>, %arg7: memref<6x8x128xi32, #tpu.memory_space<vmem>>, %arg8: memref<128x128xf32, #tpu.memory_space<vmem>>, %arg9: memref<128x128xf32, #tpu.memory_space<vmem>>, %arg10: memref<!tpu.dma_semaphore, #tpu.memory_space<semaphore_mem>>, %arg11: memref<!tpu.dma_semaphore, #tpu.memory_space<semaphore_mem>>, %arg12: memref<!tpu.dma_semaphore, #tpu.memory_space<semaphore_mem>>, %arg13: memref<!tpu.dma_semaphore, #tpu.memory_space<semaphore_mem>>, %arg14: memref<10240x128xf32, #tpu.memory_space<vmem_shared>>) attributes {dimension_semantics = [#tpu.dimension_semantics<core_parallel>, #tpu.dimension_semantics<subcore_parallel>], iteration_bounds = array<i64: 2, 16>, scalar_prefetch = 0 : i64, scratch_operands = 9 : i64, tpu.core_type = #tpu.core_type<sc_vector_subcore>, window_params = [{transform_indices = #map}, {transform_indices = #map1}, {transform_indices = #map1}, {transform_indices = #map1}]} {
    %mul3A = arith.constant 2 : i32
    %mul3A_0 = arith.muli %arg1, %mul3A : i32
    %add3A = arith.addi %mul3A_0, %arg0 : i32
    %broadcast_in_dim3A = arith.constant 0.000000e+00 : f32
    %broadcast_in_dim3A_1 = vector.broadcast %broadcast_in_dim3A : f32 to vector<16xf32>
    %mul3A_2 = arith.constant 11 : i32
    %mul3A_3 = arith.muli %add3A, %mul3A_2 : i32
    %dma_start3A = arith.constant 0 : i32
    %dma_start3A_4 = arith.constant 0 : i32
    %dma_start3A_5 = arith.constant 0 : i32
    %dma_start3A_6 = tpu.memref_slice %arg6[%dma_start3A, %dma_start3A_4, %dma_start3A_5] : memref<6x8x128xi32, #tpu.memory_space<vmem>> -> memref<6x8x128xi32, #tpu.memory_space<vmem>>
    %dma_start3A_7 = arith.constant 0 : i32
    %dma_start3A_8 = arith.constant 0 : i32
    %dma_start3A_9 = tpu.memref_slice %arg3[%mul3A_3, %dma_start3A_7, %dma_start3A_8] : memref<352x8x128xi32, #tpu.memory_space<hbm>> -> memref<6x8x128xi32, #tpu.memory_space<hbm>>
    %dma_start3A_10 = arith.constant 0 : i32
    %dma_start3A_11 = arith.constant 0 : i32
    %dma_start3A_12 = arith.constant 0 : i32
    %dma_start3A_13 = tpu.memref_slice %arg6[%dma_start3A_10, %dma_start3A_11, %dma_start3A_12] : memref<6x8x128xi32, #tpu.memory_space<vmem>> -> memref<6x8x128xi32, #tpu.memory_space<vmem>>
    %dma_start3A_14 = arith.constant 0 : i32
    %dma_start3A_15 = arith.constant 0 : i32
    %dma_start3A_16 = tpu.memref_slice %arg3[%mul3A_3, %dma_start3A_14, %dma_start3A_15] : memref<352x8x128xi32, #tpu.memory_space<hbm>> -> memref<6x8x128xi32, #tpu.memory_space<hbm>>
    tpu.enqueue_dma source(%dma_start3A_16 : memref<6x8x128xi32, #tpu.memory_space<hbm>>) target(%dma_start3A_13 : memref<6x8x128xi32, #tpu.memory_space<vmem>>) target_semaphore(%arg10 : memref<!tpu.dma_semaphore, #tpu.memory_space<semaphore_mem>>)
    %dma_start3A_17 = arith.constant 0 : i32
    %dma_start3A_18 = arith.constant 0 : i32
    %dma_start3A_19 = arith.constant 0 : i32
    %dma_start3A_20 = tpu.memref_slice %arg7[%dma_start3A_17, %dma_start3A_18, %dma_start3A_19] : memref<6x8x128xi32, #tpu.memory_space<vmem>> -> memref<6x8x128xi32, #tpu.memory_space<vmem>>
    %dma_start3A_21 = arith.constant 0 : i32
    %dma_start3A_22 = arith.constant 0 : i32
    %dma_start3A_23 = tpu.memref_slice %arg4[%mul3A_3, %dma_start3A_21, %dma_start3A_22] : memref<352x8x128xi32, #tpu.memory_space<hbm>> -> memref<6x8x128xi32, #tpu.memory_space<hbm>>
    %dma_start3A_24 = arith.constant 0 : i32
    %dma_start3A_25 = arith.constant 0 : i32
    %dma_start3A_26 = arith.constant 0 : i32
    %dma_start3A_27 = tpu.memref_slice %arg7[%dma_start3A_24, %dma_start3A_25, %dma_start3A_26] : memref<6x8x128xi32, #tpu.memory_space<vmem>> -> memref<6x8x128xi32, #tpu.memory_space<vmem>>
    %dma_start3A_28 = arith.constant 0 : i32
    %dma_start3A_29 = arith.constant 0 : i32
    %dma_start3A_30 = tpu.memref_slice %arg4[%mul3A_3, %dma_start3A_28, %dma_start3A_29] : memref<352x8x128xi32, #tpu.memory_space<hbm>> -> memref<6x8x128xi32, #tpu.memory_space<hbm>>
    tpu.enqueue_dma source(%dma_start3A_30 : memref<6x8x128xi32, #tpu.memory_space<hbm>>) target(%dma_start3A_27 : memref<6x8x128xi32, #tpu.memory_space<vmem>>) target_semaphore(%arg11 : memref<!tpu.dma_semaphore, #tpu.memory_space<semaphore_mem>>)
    %scan3A = arith.constant 0 : i32
    %scan3A_31 = arith.constant 0 : i32
    %scan3A_32 = arith.constant 128 : i32
    %scan3A_33 = arith.addi %scan3A_31, %scan3A_32 : i32
    %scan3A_34 = arith.constant 1 : i32
    %scan3A_35 = scf.for %scan3A_163 = %scan3A_31 to %scan3A_33 step %scan3A_34 iter_args(%scan3A_164 = %scan3A) -> (i32)  : i32 {
      %swap3A = arith.index_cast %scan3A_163 : i32 to index
      %swap3A_165 = arith.constant 0 : index
      %swap3A_166 = tpu.vector_load %arg8[%swap3A, %swap3A_165] {strides = array<i32>} : memref<128x128xf32, #tpu.memory_space<vmem>>, vector<1x16xf32>,
      %swap3A_167 = vector.shape_cast %swap3A_166 : vector<1x16xf32> to vector<16xf32>
      %swap3A_168 = vector.shape_cast %broadcast_in_dim3A_1 : vector<16xf32> to vector<1x16xf32>
      tpu.vector_store %arg8[%swap3A, %swap3A_165], %swap3A_168 {strides = array<i32>} : memref<128x128xf32, #tpu.memory_space<vmem>>, vector<1x16xf32>,
      %swap3A_169 = arith.index_cast %scan3A_163 : i32 to index
      %swap3A_170 = arith.constant 16 : index
      %swap3A_171 = tpu.vector_load %arg8[%swap3A_169, %swap3A_170] {strides = array<i32>} : memref<128x128xf32, #tpu.memory_space<vmem>>, vector<1x16xf32>,
      %swap3A_172 = vector.shape_cast %swap3A_171 : vector<1x16xf32> to vector<16xf32>
      %swap3A_173 = vector.shape_cast %broadcast_in_dim3A_1 : vector<16xf32> to vector<1x16xf32>
      tpu.vector_store %arg8[%swap3A_169, %swap3A_170], %swap3A_173 {strides = array<i32>} : memref<128x128xf32, #tpu.memory_space<vmem>>, vector<1x16xf32>,
      %swap3A_174 = arith.index_cast %scan3A_163 : i32 to index
      %swap3A_175 = arith.constant 32 : index
      %swap3A_176 = tpu.vector_load %arg8[%swap3A_174, %swap3A_175] {strides = array<i32>} : memref<128x128xf32, #tpu.memory_space<vmem>>, vector<1x16xf32>,
      %swap3A_177 = vector.shape_cast %swap3A_176 : vector<1x16xf32> to vector<16xf32>
      %swap3A_178 = vector.shape_cast %broadcast_in_dim3A_1 : vector<16xf32> to vector<1x16xf32>
      tpu.vector_store %arg8[%swap3A_174, %swap3A_175], %swap3A_178 {strides = array<i32>} : memref<128x128xf32, #tpu.memory_space<vmem>>, vector<1x16xf32>,
      %swap3A_179 = arith.index_cast %scan3A_163 : i32 to index
      %swap3A_180 = arith.constant 48 : index
      %swap3A_181 = tpu.vector_load %arg8[%swap3A_179, %swap3A_180] {strides = array<i32>} : memref<128x128xf32, #tpu.memory_space<vmem>>, vector<1x16xf32>,
      %swap3A_182 = vector.shape_cast %swap3A_181 : vector<1x16xf32> to vector<16xf32>
      %swap3A_183 = vector.shape_cast %broadcast_in_dim3A_1 : vector<16xf32> to vector<1x16xf32>
      tpu.vector_store %arg8[%swap3A_179, %swap3A_180], %swap3A_183 {strides = array<i32>} : memref<128x128xf32, #tpu.memory_space<vmem>>, vector<1x16xf32>,
      %swap3A_184 = arith.index_cast %scan3A_163 : i32 to index
      %swap3A_185 = arith.constant 64 : index
      %swap3A_186 = tpu.vector_load %arg8[%swap3A_184, %swap3A_185] {strides = array<i32>} : memref<128x128xf32, #tpu.memory_space<vmem>>, vector<1x16xf32>,
      %swap3A_187 = vector.shape_cast %swap3A_186 : vector<1x16xf32> to vector<16xf32>
      %swap3A_188 = vector.shape_cast %broadcast_in_dim3A_1 : vector<16xf32> to vector<1x16xf32>
      tpu.vector_store %arg8[%swap3A_184, %swap3A_185], %swap3A_188 {strides = array<i32>} : memref<128x128xf32, #tpu.memory_space<vmem>>, vector<1x16xf32>,
      %swap3A_189 = arith.index_cast %scan3A_163 : i32 to index
      %swap3A_190 = arith.constant 80 : index
      %swap3A_191 = tpu.vector_load %arg8[%swap3A_189, %swap3A_190] {strides = array<i32>} : memref<128x128xf32, #tpu.memory_space<vmem>>, vector<1x16xf32>,
      %swap3A_192 = vector.shape_cast %swap3A_191 : vector<1x16xf32> to vector<16xf32>
      %swap3A_193 = vector.shape_cast %broadcast_in_dim3A_1 : vector<16xf32> to vector<1x16xf32>
      tpu.vector_store %arg8[%swap3A_189, %swap3A_190], %swap3A_193 {strides = array<i32>} : memref<128x128xf32, #tpu.memory_space<vmem>>, vector<1x16xf32>,
      %swap3A_194 = arith.index_cast %scan3A_163 : i32 to index
      %swap3A_195 = arith.constant 96 : index
      %swap3A_196 = tpu.vector_load %arg8[%swap3A_194, %swap3A_195] {strides = array<i32>} : memref<128x128xf32, #tpu.memory_space<vmem>>, vector<1x16xf32>,
      %swap3A_197 = vector.shape_cast %swap3A_196 : vector<1x16xf32> to vector<16xf32>
      %swap3A_198 = vector.shape_cast %broadcast_in_dim3A_1 : vector<16xf32> to vector<1x16xf32>
      tpu.vector_store %arg8[%swap3A_194, %swap3A_195], %swap3A_198 {strides = array<i32>} : memref<128x128xf32, #tpu.memory_space<vmem>>, vector<1x16xf32>,
      %swap3A_199 = arith.index_cast %scan3A_163 : i32 to index
      %swap3A_200 = arith.constant 112 : index
      %swap3A_201 = tpu.vector_load %arg8[%swap3A_199, %swap3A_200] {strides = array<i32>} : memref<128x128xf32, #tpu.memory_space<vmem>>, vector<1x16xf32>,
      %swap3A_202 = vector.shape_cast %swap3A_201 : vector<1x16xf32> to vector<16xf32>
      %swap3A_203 = vector.shape_cast %broadcast_in_dim3A_1 : vector<16xf32> to vector<1x16xf32>
      tpu.vector_store %arg8[%swap3A_199, %swap3A_200], %swap3A_203 {strides = array<i32>} : memref<128x128xf32, #tpu.memory_space<vmem>>, vector<1x16xf32>,
      %scan3A_204 = arith.constant 0 : i32
      scf.yield %scan3A_204 : i32
    }
    %scan3A_36 = arith.constant 128 : i32
    %mul3A_37 = arith.constant 640 : i32
    %mul3A_38 = arith.muli %arg1, %mul3A_37 : i32
    %add3A_39 = arith.constant 0 : i32
    %add3A_40 = arith.addi %mul3A_38, %add3A_39 : i32
    "tpu.region"() ({
      %run_scoped3A = tpu.sem_alloc : memref<!tpu.dma_semaphore, #tpu.memory_space<semaphore_mem>>
      %dma_start3A_163 = arith.constant 0 : i32
      %dma_start3A_164 = arith.constant 0 : i32
      %dma_start3A_165 = tpu.memref_slice %arg8[%dma_start3A_163, %dma_start3A_164] : memref<128x128xf32, #tpu.memory_space<vmem>> -> memref<128x128xf32, #tpu.memory_space<vmem>>
      %dma_start3A_166 = arith.constant 0 : i32
      %dma_start3A_167 = tpu.memref_slice %arg14[%add3A_40, %dma_start3A_166] : memref<10240x128xf32, #tpu.memory_space<vmem_shared>> -> memref<128x128xf32, #tpu.memory_space<vmem_shared>>
      %dma_start3A_168 = arith.constant 0 : i32
      %dma_start3A_169 = tpu.memref_slice %arg14[%add3A_40, %dma_start3A_168] : memref<10240x128xf32, #tpu.memory_space<vmem_shared>> -> memref<128x128xf32, #tpu.memory_space<vmem_shared>>
      %dma_start3A_170 = arith.constant 0 : i32
      %dma_start3A_171 = arith.constant 0 : i32
      %dma_start3A_172 = tpu.memref_slice %arg8[%dma_start3A_170, %dma_start3A_171] : memref<128x128xf32, #tpu.memory_space<vmem>> -> memref<128x128xf32, #tpu.memory_space<vmem>>
      tpu.enqueue_dma source(%dma_start3A_172 : memref<128x128xf32, #tpu.memory_space<vmem>>) target(%dma_start3A_169 : memref<128x128xf32, #tpu.memory_space<vmem_shared>>) target_semaphore(%run_scoped3A : memref<!tpu.dma_semaphore, #tpu.memory_space<semaphore_mem>>)
      %dma_wait3A_173 = arith.constant 0 : i32
      %dma_wait3A_174 = arith.constant 0 : i32
      %dma_wait3A_175 = tpu.memref_slice %arg8[%dma_wait3A_173, %dma_wait3A_174] : memref<128x128xf32, #tpu.memory_space<vmem>> -> memref<128x128xf32, #tpu.memory_space<vmem>>
      %dma_wait3A_176 = arith.constant 0 : i32
      %dma_wait3A_177 = tpu.memref_slice %arg14[%add3A_40, %dma_wait3A_176] : memref<10240x128xf32, #tpu.memory_space<vmem_shared>> -> memref<128x128xf32, #tpu.memory_space<vmem_shared>>
      %dma_wait3A_178 = arith.constant 0 : i32
      %dma_wait3A_179 = tpu.memref_slice %arg14[%add3A_40, %dma_wait3A_178] : memref<10240x128xf32, #tpu.memory_space<vmem_shared>> -> memref<128x128xf32, #tpu.memory_space<vmem_shared>>
      %dma_wait3A_180 = arith.constant 0 : i32
      %dma_wait3A_181 = arith.constant 0 : i32
      %dma_wait3A_182 = tpu.memref_slice %arg8[%dma_wait3A_180, %dma_wait3A_181] : memref<128x128xf32, #tpu.memory_space<vmem>> -> memref<128x128xf32, #tpu.memory_space<vmem>>
      tpu.wait_dma2 semaphore(%run_scoped3A : memref<!tpu.dma_semaphore, #tpu.memory_space<semaphore_mem>>) src(%dma_wait3A_182 : memref<128x128xf32, #tpu.memory_space<vmem>>) dst(%dma_wait3A_179 : memref<128x128xf32, #tpu.memory_space<vmem_shared>>)
      tpu.yield
    }) : () -> ()
    %add3A_41 = arith.constant 128 : i32
    %add3A_42 = arith.addi %mul3A_38, %add3A_41 : i32
    "tpu.region"() ({
      %run_scoped3A = tpu.sem_alloc : memref<!tpu.dma_semaphore, #tpu.memory_space<semaphore_mem>>
      %dma_start3A_163 = arith.constant 0 : i32
      %dma_start3A_164 = arith.constant 0 : i32
      %dma_start3A_165 = tpu.memref_slice %arg8[%dma_start3A_163, %dma_start3A_164] : memref<128x128xf32, #tpu.memory_space<vmem>> -> memref<128x128xf32, #tpu.memory_space<vmem>>
      %dma_start3A_166 = arith.constant 0 : i32
      %dma_start3A_167 = tpu.memref_slice %arg14[%add3A_42, %dma_start3A_166] : memref<10240x128xf32, #tpu.memory_space<vmem_shared>> -> memref<128x128xf32, #tpu.memory_space<vmem_shared>>
      %dma_start3A_168 = arith.constant 0 : i32
      %dma_start3A_169 = tpu.memref_slice %arg14[%add3A_42, %dma_start3A_168] : memref<10240x128xf32, #tpu.memory_space<vmem_shared>> -> memref<128x128xf32, #tpu.memory_space<vmem_shared>>
      %dma_start3A_170 = arith.constant 0 : i32
      %dma_start3A_171 = arith.constant 0 : i32
      %dma_start3A_172 = tpu.memref_slice %arg8[%dma_start3A_170, %dma_start3A_171] : memref<128x128xf32, #tpu.memory_space<vmem>> -> memref<128x128xf32, #tpu.memory_space<vmem>>
      tpu.enqueue_dma source(%dma_start3A_172 : memref<128x128xf32, #tpu.memory_space<vmem>>) target(%dma_start3A_169 : memref<128x128xf32, #tpu.memory_space<vmem_shared>>) target_semaphore(%run_scoped3A : memref<!tpu.dma_semaphore, #tpu.memory_space<semaphore_mem>>)
      %dma_wait3A_173 = arith.constant 0 : i32
      %dma_wait3A_174 = arith.constant 0 : i32
      %dma_wait3A_175 = tpu.memref_slice %arg8[%dma_wait3A_173, %dma_wait3A_174] : memref<128x128xf32, #tpu.memory_space<vmem>> -> memref<128x128xf32, #tpu.memory_space<vmem>>
      %dma_wait3A_176 = arith.constant 0 : i32
      %dma_wait3A_177 = tpu.memref_slice %arg14[%add3A_42, %dma_wait3A_176] : memref<10240x128xf32, #tpu.memory_space<vmem_shared>> -> memref<128x128xf32, #tpu.memory_space<vmem_shared>>
      %dma_wait3A_178 = arith.constant 0 : i32
      %dma_wait3A_179 = tpu.memref_slice %arg14[%add3A_42, %dma_wait3A_178] : memref<10240x128xf32, #tpu.memory_space<vmem_shared>> -> memref<128x128xf32, #tpu.memory_space<vmem_shared>>
      %dma_wait3A_180 = arith.constant 0 : i32
      %dma_wait3A_181 = arith.constant 0 : i32
      %dma_wait3A_182 = tpu.memref_slice %arg8[%dma_wait3A_180, %dma_wait3A_181] : memref<128x128xf32, #tpu.memory_space<vmem>> -> memref<128x128xf32, #tpu.memory_space<vmem>>
      tpu.wait_dma2 semaphore(%run_scoped3A : memref<!tpu.dma_semaphore, #tpu.memory_space<semaphore_mem>>) src(%dma_wait3A_182 : memref<128x128xf32, #tpu.memory_space<vmem>>) dst(%dma_wait3A_179 : memref<128x128xf32, #tpu.memory_space<vmem_shared>>)
      tpu.yield
    }) : () -> ()
    %add3A_43 = arith.constant 256 : i32
    %add3A_44 = arith.addi %mul3A_38, %add3A_43 : i32
    "tpu.region"() ({
      %run_scoped3A = tpu.sem_alloc : memref<!tpu.dma_semaphore, #tpu.memory_space<semaphore_mem>>
      %dma_start3A_163 = arith.constant 0 : i32
      %dma_start3A_164 = arith.constant 0 : i32
      %dma_start3A_165 = tpu.memref_slice %arg8[%dma_start3A_163, %dma_start3A_164] : memref<128x128xf32, #tpu.memory_space<vmem>> -> memref<128x128xf32, #tpu.memory_space<vmem>>
      %dma_start3A_166 = arith.constant 0 : i32
      %dma_start3A_167 = tpu.memref_slice %arg14[%add3A_44, %dma_start3A_166] : memref<10240x128xf32, #tpu.memory_space<vmem_shared>> -> memref<128x128xf32, #tpu.memory_space<vmem_shared>>
      %dma_start3A_168 = arith.constant 0 : i32
      %dma_start3A_169 = tpu.memref_slice %arg14[%add3A_44, %dma_start3A_168] : memref<10240x128xf32, #tpu.memory_space<vmem_shared>> -> memref<128x128xf32, #tpu.memory_space<vmem_shared>>
      %dma_start3A_170 = arith.constant 0 : i32
      %dma_start3A_171 = arith.constant 0 : i32
      %dma_start3A_172 = tpu.memref_slice %arg8[%dma_start3A_170, %dma_start3A_171] : memref<128x128xf32, #tpu.memory_space<vmem>> -> memref<128x128xf32, #tpu.memory_space<vmem>>
      tpu.enqueue_dma source(%dma_start3A_172 : memref<128x128xf32, #tpu.memory_space<vmem>>) target(%dma_start3A_169 : memref<128x128xf32, #tpu.memory_space<vmem_shared>>) target_semaphore(%run_scoped3A : memref<!tpu.dma_semaphore, #tpu.memory_space<semaphore_mem>>)
      %dma_wait3A_173 = arith.constant 0 : i32
      %dma_wait3A_174 = arith.constant 0 : i32
      %dma_wait3A_175 = tpu.memref_slice %arg8[%dma_wait3A_173, %dma_wait3A_174] : memref<128x128xf32, #tpu.memory_space<vmem>> -> memref<128x128xf32, #tpu.memory_space<vmem>>
      %dma_wait3A_176 = arith.constant 0 : i32
      %dma_wait3A_177 = tpu.memref_slice %arg14[%add3A_44, %dma_wait3A_176] : memref<10240x128xf32, #tpu.memory_space<vmem_shared>> -> memref<128x128xf32, #tpu.memory_space<vmem_shared>>
      %dma_wait3A_178 = arith.constant 0 : i32
      %dma_wait3A_179 = tpu.memref_slice %arg14[%add3A_44, %dma_wait3A_178] : memref<10240x128xf32, #tpu.memory_space<vmem_shared>> -> memref<128x128xf32, #tpu.memory_space<vmem_shared>>
      %dma_wait3A_180 = arith.constant 0 : i32
      %dma_wait3A_181 = arith.constant 0 : i32
      %dma_wait3A_182 = tpu.memref_slice %arg8[%dma_wait3A_180, %dma_wait3A_181] : memref<128x128xf32, #tpu.memory_space<vmem>> -> memref<128x128xf32, #tpu.memory_space<vmem>>
      tpu.wait_dma2 semaphore(%run_scoped3A : memref<!tpu.dma_semaphore, #tpu.memory_space<semaphore_mem>>) src(%dma_wait3A_182 : memref<128x128xf32, #tpu.memory_space<vmem>>) dst(%dma_wait3A_179 : memref<128x128xf32, #tpu.memory_space<vmem_shared>>)
      tpu.yield
    }) : () -> ()
    %add3A_45 = arith.constant 384 : i32
    %add3A_46 = arith.addi %mul3A_38, %add3A_45 : i32
    "tpu.region"() ({
      %run_scoped3A = tpu.sem_alloc : memref<!tpu.dma_semaphore, #tpu.memory_space<semaphore_mem>>
      %dma_start3A_163 = arith.constant 0 : i32
      %dma_start3A_164 = arith.constant 0 : i32
      %dma_start3A_165 = tpu.memref_slice %arg8[%dma_start3A_163, %dma_start3A_164] : memref<128x128xf32, #tpu.memory_space<vmem>> -> memref<128x128xf32, #tpu.memory_space<vmem>>
      %dma_start3A_166 = arith.constant 0 : i32
      %dma_start3A_167 = tpu.memref_slice %arg14[%add3A_46, %dma_start3A_166] : memref<10240x128xf32, #tpu.memory_space<vmem_shared>> -> memref<128x128xf32, #tpu.memory_space<vmem_shared>>
      %dma_start3A_168 = arith.constant 0 : i32
      %dma_start3A_169 = tpu.memref_slice %arg14[%add3A_46, %dma_start3A_168] : memref<10240x128xf32, #tpu.memory_space<vmem_shared>> -> memref<128x128xf32, #tpu.memory_space<vmem_shared>>
      %dma_start3A_170 = arith.constant 0 : i32
      %dma_start3A_171 = arith.constant 0 : i32
      %dma_start3A_172 = tpu.memref_slice %arg8[%dma_start3A_170, %dma_start3A_171] : memref<128x128xf32, #tpu.memory_space<vmem>> -> memref<128x128xf32, #tpu.memory_space<vmem>>
      tpu.enqueue_dma source(%dma_start3A_172 : memref<128x128xf32, #tpu.memory_space<vmem>>) target(%dma_start3A_169 : memref<128x128xf32, #tpu.memory_space<vmem_shared>>) target_semaphore(%run_scoped3A : memref<!tpu.dma_semaphore, #tpu.memory_space<semaphore_mem>>)
      %dma_wait3A_173 = arith.constant 0 : i32
      %dma_wait3A_174 = arith.constant 0 : i32
      %dma_wait3A_175 = tpu.memref_slice %arg8[%dma_wait3A_173, %dma_wait3A_174] : memref<128x128xf32, #tpu.memory_space<vmem>> -> memref<128x128xf32, #tpu.memory_space<vmem>>
      %dma_wait3A_176 = arith.constant 0 : i32
      %dma_wait3A_177 = tpu.memref_slice %arg14[%add3A_46, %dma_wait3A_176] : memref<10240x128xf32, #tpu.memory_space<vmem_shared>> -> memref<128x128xf32, #tpu.memory_space<vmem_shared>>
      %dma_wait3A_178 = arith.constant 0 : i32
      %dma_wait3A_179 = tpu.memref_slice %arg14[%add3A_46, %dma_wait3A_178] : memref<10240x128xf32, #tpu.memory_space<vmem_shared>> -> memref<128x128xf32, #tpu.memory_space<vmem_shared>>
      %dma_wait3A_180 = arith.constant 0 : i32
      %dma_wait3A_181 = arith.constant 0 : i32
      %dma_wait3A_182 = tpu.memref_slice %arg8[%dma_wait3A_180, %dma_wait3A_181] : memref<128x128xf32, #tpu.memory_space<vmem>> -> memref<128x128xf32, #tpu.memory_space<vmem>>
      tpu.wait_dma2 semaphore(%run_scoped3A : memref<!tpu.dma_semaphore, #tpu.memory_space<semaphore_mem>>) src(%dma_wait3A_182 : memref<128x128xf32, #tpu.memory_space<vmem>>) dst(%dma_wait3A_179 : memref<128x128xf32, #tpu.memory_space<vmem_shared>>)
      tpu.yield
    }) : () -> ()
    %add3A_47 = arith.constant 512 : i32
    %add3A_48 = arith.addi %mul3A_38, %add3A_47 : i32
    "tpu.region"() ({
      %run_scoped3A = tpu.sem_alloc : memref<!tpu.dma_semaphore, #tpu.memory_space<semaphore_mem>>
      %dma_start3A_163 = arith.constant 0 : i32
      %dma_start3A_164 = arith.constant 0 : i32
      %dma_start3A_165 = tpu.memref_slice %arg8[%dma_start3A_163, %dma_start3A_164] : memref<128x128xf32, #tpu.memory_space<vmem>> -> memref<128x128xf32, #tpu.memory_space<vmem>>
      %dma_start3A_166 = arith.constant 0 : i32
      %dma_start3A_167 = tpu.memref_slice %arg14[%add3A_48, %dma_start3A_166] : memref<10240x128xf32, #tpu.memory_space<vmem_shared>> -> memref<128x128xf32, #tpu.memory_space<vmem_shared>>
      %dma_start3A_168 = arith.constant 0 : i32
      %dma_start3A_169 = tpu.memref_slice %arg14[%add3A_48, %dma_start3A_168] : memref<10240x128xf32, #tpu.memory_space<vmem_shared>> -> memref<128x128xf32, #tpu.memory_space<vmem_shared>>
      %dma_start3A_170 = arith.constant 0 : i32
      %dma_start3A_171 = arith.constant 0 : i32
      %dma_start3A_172 = tpu.memref_slice %arg8[%dma_start3A_170, %dma_start3A_171] : memref<128x128xf32, #tpu.memory_space<vmem>> -> memref<128x128xf32, #tpu.memory_space<vmem>>
      tpu.enqueue_dma source(%dma_start3A_172 : memref<128x128xf32, #tpu.memory_space<vmem>>) target(%dma_start3A_169 : memref<128x128xf32, #tpu.memory_space<vmem_shared>>) target_semaphore(%run_scoped3A : memref<!tpu.dma_semaphore, #tpu.memory_space<semaphore_mem>>)
      %dma_wait3A_173 = arith.constant 0 : i32
      %dma_wait3A_174 = arith.constant 0 : i32
      %dma_wait3A_175 = tpu.memref_slice %arg8[%dma_wait3A_173, %dma_wait3A_174] : memref<128x128xf32, #tpu.memory_space<vmem>> -> memref<128x128xf32, #tpu.memory_space<vmem>>
      %dma_wait3A_176 = arith.constant 0 : i32
      %dma_wait3A_177 = tpu.memref_slice %arg14[%add3A_48, %dma_wait3A_176] : memref<10240x128xf32, #tpu.memory_space<vmem_shared>> -> memref<128x128xf32, #tpu.memory_space<vmem_shared>>
      %dma_wait3A_178 = arith.constant 0 : i32
      %dma_wait3A_179 = tpu.memref_slice %arg14[%add3A_48, %dma_wait3A_178] : memref<10240x128xf32, #tpu.memory_space<vmem_shared>> -> memref<128x128xf32, #tpu.memory_space<vmem_shared>>
      %dma_wait3A_180 = arith.constant 0 : i32
      %dma_wait3A_181 = arith.constant 0 : i32
      %dma_wait3A_182 = tpu.memref_slice %arg8[%dma_wait3A_180, %dma_wait3A_181] : memref<128x128xf32, #tpu.memory_space<vmem>> -> memref<128x128xf32, #tpu.memory_space<vmem>>
      tpu.wait_dma2 semaphore(%run_scoped3A : memref<!tpu.dma_semaphore, #tpu.memory_space<semaphore_mem>>) src(%dma_wait3A_182 : memref<128x128xf32, #tpu.memory_space<vmem>>) dst(%dma_wait3A_179 : memref<128x128xf32, #tpu.memory_space<vmem_shared>>)
      tpu.yield
    }) : () -> ()
    %dma_wait3A = arith.constant 0 : i32
    %dma_wait3A_49 = arith.constant 0 : i32
    %dma_wait3A_50 = arith.constant 0 : i32
    %dma_wait3A_51 = tpu.memref_slice %arg6[%dma_wait3A, %dma_wait3A_49, %dma_wait3A_50] : memref<6x8x128xi32, #tpu.memory_space<vmem>> -> memref<6x8x128xi32, #tpu.memory_space<vmem>>
    %dma_wait3A_52 = arith.constant 0 : i32
    %dma_wait3A_53 = arith.constant 0 : i32
    %dma_wait3A_54 = tpu.memref_slice %arg3[%mul3A_3, %dma_wait3A_52, %dma_wait3A_53] : memref<352x8x128xi32, #tpu.memory_space<hbm>> -> memref<6x8x128xi32, #tpu.memory_space<hbm>>
    %dma_wait3A_55 = arith.constant 0 : i32
    %dma_wait3A_56 = arith.constant 0 : i32
    %dma_wait3A_57 = arith.constant 0 : i32
    %dma_wait3A_58 = tpu.memref_slice %arg6[%dma_wait3A_55, %dma_wait3A_56, %dma_wait3A_57] : memref<6x8x128xi32, #tpu.memory_space<vmem>> -> memref<6x8x128xi32, #tpu.memory_space<vmem>>
    %dma_wait3A_59 = arith.constant 0 : i32
    %dma_wait3A_60 = arith.constant 0 : i32
    %dma_wait3A_61 = tpu.memref_slice %arg3[%mul3A_3, %dma_wait3A_59, %dma_wait3A_60] : memref<352x8x128xi32, #tpu.memory_space<hbm>> -> memref<6x8x128xi32, #tpu.memory_space<hbm>>
    tpu.wait_dma2 semaphore(%arg10 : memref<!tpu.dma_semaphore, #tpu.memory_space<semaphore_mem>>) src(%dma_wait3A_61 : memref<6x8x128xi32, #tpu.memory_space<hbm>>) dst(%dma_wait3A_58 : memref<6x8x128xi32, #tpu.memory_space<vmem>>)
    %dma_wait3A_62 = arith.constant 0 : i32
    %dma_wait3A_63 = arith.constant 0 : i32
    %dma_wait3A_64 = arith.constant 0 : i32
    %dma_wait3A_65 = tpu.memref_slice %arg7[%dma_wait3A_62, %dma_wait3A_63, %dma_wait3A_64] : memref<6x8x128xi32, #tpu.memory_space<vmem>> -> memref<6x8x128xi32, #tpu.memory_space<vmem>>
    %dma_wait3A_66 = arith.constant 0 : i32
    %dma_wait3A_67 = arith.constant 0 : i32
    %dma_wait3A_68 = tpu.memref_slice %arg4[%mul3A_3, %dma_wait3A_66, %dma_wait3A_67] : memref<352x8x128xi32, #tpu.memory_space<hbm>> -> memref<6x8x128xi32, #tpu.memory_space<hbm>>
    %dma_wait3A_69 = arith.constant 0 : i32
    %dma_wait3A_70 = arith.constant 0 : i32
    %dma_wait3A_71 = arith.constant 0 : i32
    %dma_wait3A_72 = tpu.memref_slice %arg7[%dma_wait3A_69, %dma_wait3A_70, %dma_wait3A_71] : memref<6x8x128xi32, #tpu.memory_space<vmem>> -> memref<6x8x128xi32, #tpu.memory_space<vmem>>
    %dma_wait3A_73 = arith.constant 0 : i32
    %dma_wait3A_74 = arith.constant 0 : i32
    %dma_wait3A_75 = tpu.memref_slice %arg4[%mul3A_3, %dma_wait3A_73, %dma_wait3A_74] : memref<352x8x128xi32, #tpu.memory_space<hbm>> -> memref<6x8x128xi32, #tpu.memory_space<hbm>>
    tpu.wait_dma2 semaphore(%arg11 : memref<!tpu.dma_semaphore, #tpu.memory_space<semaphore_mem>>) src(%dma_wait3A_75 : memref<6x8x128xi32, #tpu.memory_space<hbm>>) dst(%dma_wait3A_72 : memref<6x8x128xi32, #tpu.memory_space<vmem>>)
    %barrier3A = arith.constant 0 : index
    tpu.barrier barrier_id(%barrier3A)
    %mul3A_76 = arith.constant 11 : i32
    %mul3A_77 = arith.muli %add3A, %mul3A_76 : i32
    %add3A_78 = arith.constant 0 : i32
    %add3A_79 = arith.addi %mul3A_77, %add3A_78 : i32
    %dma_start3A_80 = arith.constant 0 : i32
    %dma_start3A_81 = arith.constant 0 : i32
    %dma_start3A_82 = arith.constant 0 : i32
    %dma_start3A_83 = tpu.memref_slice %arg6[%dma_start3A_80, %dma_start3A_81, %dma_start3A_82] : memref<6x8x128xi32, #tpu.memory_space<vmem>> -> memref<1x1x128xi32, #tpu.memory_space<vmem>>
    %dma_start3A_84 = tpu.memref_squeeze %dma_start3A_83 : memref<1x1x128xi32, #tpu.memory_space<vmem>> -> memref<128xi32, #tpu.memory_space<vmem>>
    %dma_start3A_85 = arith.constant 0 : i32
    %dma_start3A_86 = arith.constant 0 : i32
    %dma_start3A_87 = tpu.memref_slice %arg2[%dma_start3A_85, %dma_start3A_86] : memref<10000x128xf32, #tpu.memory_space<hbm>> -> memref<10000x128xf32, #tpu.memory_space<hbm>>
    tpu.enqueue_indirect_dma source(%dma_start3A_87 : memref<10000x128xf32, #tpu.memory_space<hbm>>) target(%arg8 : memref<128x128xf32, #tpu.memory_space<vmem>>) offsets(%dma_start3A_84 : memref<128xi32, #tpu.memory_space<vmem>>) semaphore(%arg10 : memref<!tpu.dma_semaphore, #tpu.memory_space<semaphore_mem>>)
    %dma_start3A_88 = arith.constant 0 : i32
    %dma_start3A_89 = arith.constant 1 : i32
    %dma_start3A_90 = arith.constant 0 : i32
    %dma_start3A_91 = tpu.memref_slice %arg6[%dma_start3A_88, %dma_start3A_89, %dma_start3A_90] : memref<6x8x128xi32, #tpu.memory_space<vmem>> -> memref<1x1x128xi32, #tpu.memory_space<vmem>>
    %dma_start3A_92 = tpu.memref_squeeze %dma_start3A_91 : memref<1x1x128xi32, #tpu.memory_space<vmem>> -> memref<128xi32, #tpu.memory_space<vmem>>
    %dma_start3A_93 = arith.constant 0 : i32
    %dma_start3A_94 = arith.constant 0 : i32
    %dma_start3A_95 = tpu.memref_slice %arg2[%dma_start3A_93, %dma_start3A_94] : memref<10000x128xf32, #tpu.memory_space<hbm>> -> memref<10000x128xf32, #tpu.memory_space<hbm>>
    tpu.enqueue_indirect_dma source(%dma_start3A_95 : memref<10000x128xf32, #tpu.memory_space<hbm>>) target(%arg9 : memref<128x128xf32, #tpu.memory_space<vmem>>) offsets(%dma_start3A_92 : memref<128xi32, #tpu.memory_space<vmem>>) semaphore(%arg11 : memref<!tpu.dma_semaphore, #tpu.memory_space<semaphore_mem>>)
    %scan3A_96 = arith.constant 0 : i32
    %scan3A_97 = arith.constant 0 : i32
    %scan3A_98 = arith.constant 24 : i32
    %scan3A_99 = arith.addi %scan3A_97, %scan3A_98 : i32
    %scan3A_100 = arith.constant 1 : i32
    %scan3A_101 = scf.for %scan3A_163 = %scan3A_97 to %scan3A_99 step %scan3A_100 iter_args(%scan3A_164 = %scan3A_96) -> (i32)  : i32 {
      %mul3A_165 = arith.constant 2 : i32
      %mul3A_166 = arith.muli %scan3A_163, %mul3A_165 : i32
      %dma_wait3A_167 = arith.constant 0 : i32
      %dma_wait3A_168 = arith.constant 0 : i32
      %dma_wait3A_169 = arith.constant 0 : i32
      %dma_wait3A_170 = tpu.memref_slice %arg6[%dma_wait3A_167, %dma_wait3A_168, %dma_wait3A_169] : memref<6x8x128xi32, #tpu.memory_space<vmem>> -> memref<1x1x128xi32, #tpu.memory_space<vmem>>
      %dma_wait3A_171 = tpu.memref_squeeze %dma_wait3A_170 : memref<1x1x128xi32, #tpu.memory_space<vmem>> -> memref<128xi32, #tpu.memory_space<vmem>>
      %dma_wait3A_172 = arith.constant 0 : i32
      %dma_wait3A_173 = arith.constant 0 : i32
      %dma_wait3A_174 = tpu.memref_slice %arg2[%dma_wait3A_172, %dma_wait3A_173] : memref<10000x128xf32, #tpu.memory_space<hbm>> -> memref<10000x128xf32, #tpu.memory_space<hbm>>
      tpu.wait_indirect_dma semaphore(%arg10 : memref<!tpu.dma_semaphore, #tpu.memory_space<semaphore_mem>>) src(%dma_wait3A_174 : memref<10000x128xf32, #tpu.memory_space<hbm>>) dst(%arg8 : memref<128x128xf32, #tpu.memory_space<vmem>>)
      %add3A_175 = arith.constant 0 : i32
      %add3A_176 = arith.addi %mul3A_166, %add3A_175 : i32
      %jit3A = arith.constant 8 : i32
      %div3A = arith.divsi %add3A_176, %jit3A : i32
      %sign3A = arith.constant 0 : i32
      %sign3A_177 = arith.cmpi sgt, %add3A_176, %sign3A : i32
      %sign3A_178 = arith.extui %sign3A_177 : i1 to i32
      %sign3A_179 = arith.constant 0 : i32
      %sign3A_180 = arith.cmpi slt, %add3A_176, %sign3A_179 : i32
      %sign3A_181 = arith.extui %sign3A_180 : i1 to i32
      %sign3A_182 = arith.subi %sign3A_178, %sign3A_181 : i32
      %sign3A_183 = arith.constant 0 : i32
      %sign3A_184 = arith.cmpi sgt, %jit3A, %sign3A_183 : i32
      %sign3A_185 = arith.extui %sign3A_184 : i1 to i32
      %sign3A_186 = arith.constant 0 : i32
      %sign3A_187 = arith.cmpi slt, %jit3A, %sign3A_186 : i32
      %sign3A_188 = arith.extui %sign3A_187 : i1 to i32
      %sign3A_189 = arith.subi %sign3A_185, %sign3A_188 : i32
      %ne3A = arith.cmpi ne, %sign3A_182, %sign3A_189 : i32
      %rem3A = arith.remsi %add3A_176, %jit3A : i32
      %ne3A_190 = arith.constant 0 : i32
      %ne3A_191 = arith.cmpi ne, %rem3A, %ne3A_190 : i32
      %and3A = arith.andi %ne3A, %ne3A_191 : i1
      %sub3A = arith.constant 1 : i32
      %sub3A_192 = arith.subi %div3A, %sub3A : i32
      %select_n3A = arith.select %and3A, %sub3A_192, %div3A : i32
      %jit3A_193 = arith.constant 8 : i32
      %eq3A = arith.constant 0 : i32
      %eq3A_194 = arith.cmpi eq, %jit3A_193, %eq3A : i32
      %jit3A_195 = arith.constant 1 : i32
      %select_n3A_196 = arith.select %eq3A_194, %jit3A_195, %jit3A_193 : i32
      %rem3A_197 = arith.remsi %add3A_176, %select_n3A_196 : i32
      %ne3A_198 = arith.constant 0 : i32
      %ne3A_199 = arith.cmpi ne, %rem3A_197, %ne3A_198 : i32
      %lt3A = arith.constant 0 : i32
      %lt3A_200 = arith.cmpi slt, %rem3A_197, %lt3A : i32
      %lt3A_201 = arith.constant 0 : i32
      %lt3A_202 = arith.cmpi slt, %select_n3A_196, %lt3A_201 : i32
      %ne3A_203 = arith.xori %lt3A_200, %lt3A_202 : i1
      %and3A_204 = arith.andi %ne3A_203, %ne3A_199 : i1
      %add3A_205 = arith.addi %rem3A_197, %select_n3A_196 : i32
      %select_n3A_206 = arith.select %and3A_204, %add3A_205, %rem3A_197 : i32
      %dma_start3A_207 = arith.constant 0 : i32
      %dma_start3A_208 = tpu.memref_slice %arg7[%select_n3A, %select_n3A_206, %dma_start3A_207] : memref<6x8x128xi32, #tpu.memory_space<vmem>> -> memref<1x1x128xi32, #tpu.memory_space<vmem>>
      %dma_start3A_209 = tpu.memref_squeeze %dma_start3A_208 : memref<1x1x128xi32, #tpu.memory_space<vmem>> -> memref<128xi32, #tpu.memory_space<vmem>>
      %dma_start3A_210 = arith.constant 0 : i32
      %dma_start3A_211 = arith.constant 0 : i32
      %dma_start3A_212 = tpu.memref_slice %arg14[%dma_start3A_210, %dma_start3A_211] : memref<10240x128xf32, #tpu.memory_space<vmem_shared>> -> memref<10240x128xf32, #tpu.memory_space<vmem_shared>>
      tpu.enqueue_indirect_dma source(%arg8 : memref<128x128xf32, #tpu.memory_space<vmem>>) target(%dma_start3A_212 : memref<10240x128xf32, #tpu.memory_space<vmem_shared>>) offsets(%dma_start3A_209 : memref<128xi32, #tpu.memory_space<vmem>>) semaphore(%arg12 : memref<!tpu.dma_semaphore, #tpu.memory_space<semaphore_mem>>) {add = true}
      %dma_wait3A_213 = arith.constant 0 : i32
      %dma_wait3A_214 = arith.constant 0 : i32
      %dma_wait3A_215 = arith.constant 0 : i32
      %dma_wait3A_216 = tpu.memref_slice %arg6[%dma_wait3A_213, %dma_wait3A_214, %dma_wait3A_215] : memref<6x8x128xi32, #tpu.memory_space<vmem>> -> memref<1x1x128xi32, #tpu.memory_space<vmem>>
      %dma_wait3A_217 = tpu.memref_squeeze %dma_wait3A_216 : memref<1x1x128xi32, #tpu.memory_space<vmem>> -> memref<128xi32, #tpu.memory_space<vmem>>
      %dma_wait3A_218 = arith.constant 0 : i32
      %dma_wait3A_219 = arith.constant 0 : i32
      %dma_wait3A_220 = tpu.memref_slice %arg2[%dma_wait3A_218, %dma_wait3A_219] : memref<10000x128xf32, #tpu.memory_space<hbm>> -> memref<10000x128xf32, #tpu.memory_space<hbm>>
      tpu.wait_indirect_dma semaphore(%arg11 : memref<!tpu.dma_semaphore, #tpu.memory_space<semaphore_mem>>) src(%dma_wait3A_220 : memref<10000x128xf32, #tpu.memory_space<hbm>>) dst(%arg9 : memref<128x128xf32, #tpu.memory_space<vmem>>)
      %add3A_221 = arith.constant 1 : i32
      %add3A_222 = arith.addi %mul3A_166, %add3A_221 : i32
      %jit3A_223 = arith.constant 8 : i32
      %div3A_224 = arith.divsi %add3A_222, %jit3A_223 : i32
      %sign3A_225 = arith.constant 0 : i32
      %sign3A_226 = arith.cmpi sgt, %add3A_222, %sign3A_225 : i32
      %sign3A_227 = arith.extui %sign3A_226 : i1 to i32
      %sign3A_228 = arith.constant 0 : i32
      %sign3A_229 = arith.cmpi slt, %add3A_222, %sign3A_228 : i32
      %sign3A_230 = arith.extui %sign3A_229 : i1 to i32
      %sign3A_231 = arith.subi %sign3A_227, %sign3A_230 : i32
      %sign3A_232 = arith.constant 0 : i32
      %sign3A_233 = arith.cmpi sgt, %jit3A_223, %sign3A_232 : i32
      %sign3A_234 = arith.extui %sign3A_233 : i1 to i32
      %sign3A_235 = arith.constant 0 : i32
      %sign3A_236 = arith.cmpi slt, %jit3A_223, %sign3A_235 : i32
      %sign3A_237 = arith.extui %sign3A_236 : i1 to i32
      %sign3A_238 = arith.subi %sign3A_234, %sign3A_237 : i32
      %ne3A_239 = arith.cmpi ne, %sign3A_231, %sign3A_238 : i32
      %rem3A_240 = arith.remsi %add3A_222, %jit3A_223 : i32
      %ne3A_241 = arith.constant 0 : i32
      %ne3A_242 = arith.cmpi ne, %rem3A_240, %ne3A_241 : i32
      %and3A_243 = arith.andi %ne3A_239, %ne3A_242 : i1
      %sub3A_244 = arith.constant 1 : i32
      %sub3A_245 = arith.subi %div3A_224, %sub3A_244 : i32
      %select_n3A_246 = arith.select %and3A_243, %sub3A_245, %div3A_224 : i32
      %jit3A_247 = arith.constant 8 : i32
      %eq3A_248 = arith.constant 0 : i32
      %eq3A_249 = arith.cmpi eq, %jit3A_247, %eq3A_248 : i32
      %jit3A_250 = arith.constant 1 : i32
      %select_n3A_251 = arith.select %eq3A_249, %jit3A_250, %jit3A_247 : i32
      %rem3A_252 = arith.remsi %add3A_222, %select_n3A_251 : i32
      %ne3A_253 = arith.constant 0 : i32
      %ne3A_254 = arith.cmpi ne, %rem3A_252, %ne3A_253 : i32
      %lt3A_255 = arith.constant 0 : i32
      %lt3A_256 = arith.cmpi slt, %rem3A_252, %lt3A_255 : i32
      %lt3A_257 = arith.constant 0 : i32
      %lt3A_258 = arith.cmpi slt, %select_n3A_251, %lt3A_257 : i32
      %ne3A_259 = arith.xori %lt3A_256, %lt3A_258 : i1
      %and3A_260 = arith.andi %ne3A_259, %ne3A_254 : i1
      %add3A_261 = arith.addi %rem3A_252, %select_n3A_251 : i32
      %select_n3A_262 = arith.select %and3A_260, %add3A_261, %rem3A_252 : i32
      %dma_start3A_263 = arith.constant 0 : i32
      %dma_start3A_264 = tpu.memref_slice %arg7[%select_n3A_246, %select_n3A_262, %dma_start3A_263] : memref<6x8x128xi32, #tpu.memory_space<vmem>> -> memref<1x1x128xi32, #tpu.memory_space<vmem>>
      %dma_start3A_265 = tpu.memref_squeeze %dma_start3A_264 : memref<1x1x128xi32, #tpu.memory_space<vmem>> -> memref<128xi32, #tpu.memory_space<vmem>>
      %dma_start3A_266 = arith.constant 0 : i32
      %dma_start3A_267 = arith.constant 0 : i32
      %dma_start3A_268 = tpu.memref_slice %arg14[%dma_start3A_266, %dma_start3A_267] : memref<10240x128xf32, #tpu.memory_space<vmem_shared>> -> memref<10240x128xf32, #tpu.memory_space<vmem_shared>>
      tpu.enqueue_indirect_dma source(%arg9 : memref<128x128xf32, #tpu.memory_space<vmem>>) target(%dma_start3A_268 : memref<10240x128xf32, #tpu.memory_space<vmem_shared>>) offsets(%dma_start3A_265 : memref<128xi32, #tpu.memory_space<vmem>>) semaphore(%arg13 : memref<!tpu.dma_semaphore, #tpu.memory_space<semaphore_mem>>) {add = true}
      %lt3A_269 = arith.constant 23 : i32
      %lt3A_270 = arith.cmpi slt, %scan3A_163, %lt3A_269 : i32
      %convert_element_type3A = arith.extui %lt3A_270 : i1 to i32
      %cond3A = arith.constant 0 : i32
      %cond3A_271 = arith.cmpi ne, %convert_element_type3A, %cond3A : i32
      scf.if %cond3A_271 {
        %dma_wait3A_273 = arith.constant 0 : i32
        %dma_wait3A_274 = arith.constant 0 : i32
        %dma_wait3A_275 = arith.constant 0 : i32
        %dma_wait3A_276 = tpu.memref_slice %arg7[%dma_wait3A_273, %dma_wait3A_274, %dma_wait3A_275] : memref<6x8x128xi32, #tpu.memory_space<vmem>> -> memref<1x1x128xi32, #tpu.memory_space<vmem>>
        %dma_wait3A_277 = tpu.memref_squeeze %dma_wait3A_276 : memref<1x1x128xi32, #tpu.memory_space<vmem>> -> memref<128xi32, #tpu.memory_space<vmem>>
        %dma_wait3A_278 = arith.constant 0 : i32
        %dma_wait3A_279 = arith.constant 0 : i32
        %dma_wait3A_280 = tpu.memref_slice %arg14[%dma_wait3A_278, %dma_wait3A_279] : memref<10240x128xf32, #tpu.memory_space<vmem_shared>> -> memref<10240x128xf32, #tpu.memory_space<vmem_shared>>
        tpu.wait_indirect_dma semaphore(%arg12 : memref<!tpu.dma_semaphore, #tpu.memory_space<semaphore_mem>>) src(%arg8 : memref<128x128xf32, #tpu.memory_space<vmem>>) dst(%dma_wait3A_280 : memref<10240x128xf32, #tpu.memory_space<vmem_shared>>)
        %add3A_281 = arith.constant 2 : i32
        %add3A_282 = arith.addi %mul3A_166, %add3A_281 : i32
        %add3A_283 = arith.constant 0 : i32
        %add3A_284 = arith.addi %add3A_282, %add3A_283 : i32
        %jit3A_285 = arith.constant 8 : i32
        %div3A_286 = arith.divsi %add3A_284, %jit3A_285 : i32
        %sign3A_287 = arith.constant 0 : i32
        %sign3A_288 = arith.cmpi sgt, %add3A_284, %sign3A_287 : i32
        %sign3A_289 = arith.extui %sign3A_288 : i1 to i32
        %sign3A_290 = arith.constant 0 : i32
        %sign3A_291 = arith.cmpi slt, %add3A_284, %sign3A_290 : i32
        %sign3A_292 = arith.extui %sign3A_291 : i1 to i32
        %sign3A_293 = arith.subi %sign3A_289, %sign3A_292 : i32
        %sign3A_294 = arith.constant 0 : i32
        %sign3A_295 = arith.cmpi sgt, %jit3A_285, %sign3A_294 : i32
        %sign3A_296 = arith.extui %sign3A_295 : i1 to i32
        %sign3A_297 = arith.constant 0 : i32
        %sign3A_298 = arith.cmpi slt, %jit3A_285, %sign3A_297 : i32
        %sign3A_299 = arith.extui %sign3A_298 : i1 to i32
        %sign3A_300 = arith.subi %sign3A_296, %sign3A_299 : i32
        %ne3A_301 = arith.cmpi ne, %sign3A_293, %sign3A_300 : i32
        %rem3A_302 = arith.remsi %add3A_284, %jit3A_285 : i32
        %ne3A_303 = arith.constant 0 : i32
        %ne3A_304 = arith.cmpi ne, %rem3A_302, %ne3A_303 : i32
        %and3A_305 = arith.andi %ne3A_301, %ne3A_304 : i1
        %sub3A_306 = arith.constant 1 : i32
        %sub3A_307 = arith.subi %div3A_286, %sub3A_306 : i32
        %select_n3A_308 = arith.select %and3A_305, %sub3A_307, %div3A_286 : i32
        %jit3A_309 = arith.constant 8 : i32
        %eq3A_310 = arith.constant 0 : i32
        %eq3A_311 = arith.cmpi eq, %jit3A_309, %eq3A_310 : i32
        %jit3A_312 = arith.constant 1 : i32
        %select_n3A_313 = arith.select %eq3A_311, %jit3A_312, %jit3A_309 : i32
        %rem3A_314 = arith.remsi %add3A_284, %select_n3A_313 : i32
        %ne3A_315 = arith.constant 0 : i32
        %ne3A_316 = arith.cmpi ne, %rem3A_314, %ne3A_315 : i32
        %lt3A_317 = arith.constant 0 : i32
        %lt3A_318 = arith.cmpi slt, %rem3A_314, %lt3A_317 : i32
        %lt3A_319 = arith.constant 0 : i32
        %lt3A_320 = arith.cmpi slt, %select_n3A_313, %lt3A_319 : i32
        %ne3A_321 = arith.xori %lt3A_318, %lt3A_320 : i1
        %and3A_322 = arith.andi %ne3A_321, %ne3A_316 : i1
        %add3A_323 = arith.addi %rem3A_314, %select_n3A_313 : i32
        %select_n3A_324 = arith.select %and3A_322, %add3A_323, %rem3A_314 : i32
        %dma_start3A_325 = arith.constant 0 : i32
        %dma_start3A_326 = tpu.memref_slice %arg6[%select_n3A_308, %select_n3A_324, %dma_start3A_325] : memref<6x8x128xi32, #tpu.memory_space<vmem>> -> memref<1x1x128xi32, #tpu.memory_space<vmem>>
        %dma_start3A_327 = tpu.memref_squeeze %dma_start3A_326 : memref<1x1x128xi32, #tpu.memory_space<vmem>> -> memref<128xi32, #tpu.memory_space<vmem>>
        %dma_start3A_328 = arith.constant 0 : i32
        %dma_start3A_329 = arith.constant 0 : i32
        %dma_start3A_330 = tpu.memref_slice %arg2[%dma_start3A_328, %dma_start3A_329] : memref<10000x128xf32, #tpu.memory_space<hbm>> -> memref<10000x128xf32, #tpu.memory_space<hbm>>
        tpu.enqueue_indirect_dma source(%dma_start3A_330 : memref<10000x128xf32, #tpu.memory_space<hbm>>) target(%arg8 : memref<128x128xf32, #tpu.memory_space<vmem>>) offsets(%dma_start3A_327 : memref<128xi32, #tpu.memory_space<vmem>>) semaphore(%arg10 : memref<!tpu.dma_semaphore, #tpu.memory_space<semaphore_mem>>)
        %dma_wait3A_331 = arith.constant 0 : i32
        %dma_wait3A_332 = arith.constant 0 : i32
        %dma_wait3A_333 = arith.constant 0 : i32
        %dma_wait3A_334 = tpu.memref_slice %arg7[%dma_wait3A_331, %dma_wait3A_332, %dma_wait3A_333] : memref<6x8x128xi32, #tpu.memory_space<vmem>> -> memref<1x1x128xi32, #tpu.memory_space<vmem>>
        %dma_wait3A_335 = tpu.memref_squeeze %dma_wait3A_334 : memref<1x1x128xi32, #tpu.memory_space<vmem>> -> memref<128xi32, #tpu.memory_space<vmem>>
        %dma_wait3A_336 = arith.constant 0 : i32
        %dma_wait3A_337 = arith.constant 0 : i32
        %dma_wait3A_338 = tpu.memref_slice %arg14[%dma_wait3A_336, %dma_wait3A_337] : memref<10240x128xf32, #tpu.memory_space<vmem_shared>> -> memref<10240x128xf32, #tpu.memory_space<vmem_shared>>
        tpu.wait_indirect_dma semaphore(%arg13 : memref<!tpu.dma_semaphore, #tpu.memory_space<semaphore_mem>>) src(%arg9 : memref<128x128xf32, #tpu.memory_space<vmem>>) dst(%dma_wait3A_338 : memref<10240x128xf32, #tpu.memory_space<vmem_shared>>)
        %add3A_339 = arith.constant 2 : i32
        %add3A_340 = arith.addi %mul3A_166, %add3A_339 : i32
        %add3A_341 = arith.constant 1 : i32
        %add3A_342 = arith.addi %add3A_340, %add3A_341 : i32
        %jit3A_343 = arith.constant 8 : i32
        %div3A_344 = arith.divsi %add3A_342, %jit3A_343 : i32
        %sign3A_345 = arith.constant 0 : i32
        %sign3A_346 = arith.cmpi sgt, %add3A_342, %sign3A_345 : i32
        %sign3A_347 = arith.extui %sign3A_346 : i1 to i32
        %sign3A_348 = arith.constant 0 : i32
        %sign3A_349 = arith.cmpi slt, %add3A_342, %sign3A_348 : i32
        %sign3A_350 = arith.extui %sign3A_349 : i1 to i32
        %sign3A_351 = arith.subi %sign3A_347, %sign3A_350 : i32
        %sign3A_352 = arith.constant 0 : i32
        %sign3A_353 = arith.cmpi sgt, %jit3A_343, %sign3A_352 : i32
        %sign3A_354 = arith.extui %sign3A_353 : i1 to i32
        %sign3A_355 = arith.constant 0 : i32
        %sign3A_356 = arith.cmpi slt, %jit3A_343, %sign3A_355 : i32
        %sign3A_357 = arith.extui %sign3A_356 : i1 to i32
        %sign3A_358 = arith.subi %sign3A_354, %sign3A_357 : i32
        %ne3A_359 = arith.cmpi ne, %sign3A_351, %sign3A_358 : i32
        %rem3A_360 = arith.remsi %add3A_342, %jit3A_343 : i32
        %ne3A_361 = arith.constant 0 : i32
        %ne3A_362 = arith.cmpi ne, %rem3A_360, %ne3A_361 : i32
        %and3A_363 = arith.andi %ne3A_359, %ne3A_362 : i1
        %sub3A_364 = arith.constant 1 : i32
        %sub3A_365 = arith.subi %div3A_344, %sub3A_364 : i32
        %select_n3A_366 = arith.select %and3A_363, %sub3A_365, %div3A_344 : i32
        %jit3A_367 = arith.constant 8 : i32
        %eq3A_368 = arith.constant 0 : i32
        %eq3A_369 = arith.cmpi eq, %jit3A_367, %eq3A_368 : i32
        %jit3A_370 = arith.constant 1 : i32
        %select_n3A_371 = arith.select %eq3A_369, %jit3A_370, %jit3A_367 : i32
        %rem3A_372 = arith.remsi %add3A_342, %select_n3A_371 : i32
        %ne3A_373 = arith.constant 0 : i32
        %ne3A_374 = arith.cmpi ne, %rem3A_372, %ne3A_373 : i32
        %lt3A_375 = arith.constant 0 : i32
        %lt3A_376 = arith.cmpi slt, %rem3A_372, %lt3A_375 : i32
        %lt3A_377 = arith.constant 0 : i32
        %lt3A_378 = arith.cmpi slt, %select_n3A_371, %lt3A_377 : i32
        %ne3A_379 = arith.xori %lt3A_376, %lt3A_378 : i1
        %and3A_380 = arith.andi %ne3A_379, %ne3A_374 : i1
        %add3A_381 = arith.addi %rem3A_372, %select_n3A_371 : i32
        %select_n3A_382 = arith.select %and3A_380, %add3A_381, %rem3A_372 : i32
        %dma_start3A_383 = arith.constant 0 : i32
        %dma_start3A_384 = tpu.memref_slice %arg6[%select_n3A_366, %select_n3A_382, %dma_start3A_383] : memref<6x8x128xi32, #tpu.memory_space<vmem>> -> memref<1x1x128xi32, #tpu.memory_space<vmem>>
        %dma_start3A_385 = tpu.memref_squeeze %dma_start3A_384 : memref<1x1x128xi32, #tpu.memory_space<vmem>> -> memref<128xi32, #tpu.memory_space<vmem>>
        %dma_start3A_386 = arith.constant 0 : i32
        %dma_start3A_387 = arith.constant 0 : i32
        %dma_start3A_388 = tpu.memref_slice %arg2[%dma_start3A_386, %dma_start3A_387] : memref<10000x128xf32, #tpu.memory_space<hbm>> -> memref<10000x128xf32, #tpu.memory_space<hbm>>
        tpu.enqueue_indirect_dma source(%dma_start3A_388 : memref<10000x128xf32, #tpu.memory_space<hbm>>) target(%arg9 : memref<128x128xf32, #tpu.memory_space<vmem>>) offsets(%dma_start3A_385 : memref<128xi32, #tpu.memory_space<vmem>>) semaphore(%arg11 : memref<!tpu.dma_semaphore, #tpu.memory_space<semaphore_mem>>)
      } else {
      }
      %scan3A_272 = arith.constant 0 : i32
      scf.yield %scan3A_272 : i32
    }
    %scan3A_102 = arith.constant 24 : i32
    %dma_wait3A_103 = arith.constant 0 : i32
    %dma_wait3A_104 = arith.constant 0 : i32
    %dma_wait3A_105 = arith.constant 0 : i32
    %dma_wait3A_106 = tpu.memref_slice %arg7[%dma_wait3A_103, %dma_wait3A_104, %dma_wait3A_105] : memref<6x8x128xi32, #tpu.memory_space<vmem>> -> memref<1x1x128xi32, #tpu.memory_space<vmem>>
    %dma_wait3A_107 = tpu.memref_squeeze %dma_wait3A_106 : memref<1x1x128xi32, #tpu.memory_space<vmem>> -> memref<128xi32, #tpu.memory_space<vmem>>
    %dma_wait3A_108 = arith.constant 0 : i32
    %dma_wait3A_109 = arith.constant 0 : i32
    %dma_wait3A_110 = tpu.memref_slice %arg14[%dma_wait3A_108, %dma_wait3A_109] : memref<10240x128xf32, #tpu.memory_space<vmem_shared>> -> memref<10240x128xf32, #tpu.memory_space<vmem_shared>>
    tpu.wait_indirect_dma semaphore(%arg12 : memref<!tpu.dma_semaphore, #tpu.memory_space<semaphore_mem>>) src(%arg8 : memref<128x128xf32, #tpu.memory_space<vmem>>) dst(%dma_wait3A_110 : memref<10240x128xf32, #tpu.memory_space<vmem_shared>>)
    %dma_wait3A_111 = arith.constant 0 : i32
    %dma_wait3A_112 = arith.constant 0 : i32
    %dma_wait3A_113 = arith.constant 0 : i32
    %dma_wait3A_114 = tpu.memref_slice %arg7[%dma_wait3A_111, %dma_wait3A_112, %dma_wait3A_113] : memref<6x8x128xi32, #tpu.memory_space<vmem>> -> memref<1x1x128xi32, #tpu.memory_space<vmem>>
    %dma_wait3A_115 = tpu.memref_squeeze %dma_wait3A_114 : memref<1x1x128xi32, #tpu.memory_space<vmem>> -> memref<128xi32, #tpu.memory_space<vmem>>
    %dma_wait3A_116 = arith.constant 0 : i32
    %dma_wait3A_117 = arith.constant 0 : i32
    %dma_wait3A_118 = tpu.memref_slice %arg14[%dma_wait3A_116, %dma_wait3A_117] : memref<10240x128xf32, #tpu.memory_space<vmem_shared>> -> memref<10240x128xf32, #tpu.memory_space<vmem_shared>>
    tpu.wait_indirect_dma semaphore(%arg13 : memref<!tpu.dma_semaphore, #tpu.memory_space<semaphore_mem>>) src(%arg9 : memref<128x128xf32, #tpu.memory_space<vmem>>) dst(%dma_wait3A_118 : memref<10240x128xf32, #tpu.memory_space<vmem_shared>>)
    %mul3A_119 = arith.constant 11 : i32
    %mul3A_120 = arith.muli %add3A, %mul3A_119 : i32
    %add3A_121 = arith.constant 6 : i32
    %add3A_122 = arith.addi %mul3A_120, %add3A_121 : i32
    "tpu.region"() ({
      %run_scoped3A = tpu.sem_alloc : memref<!tpu.dma_semaphore, #tpu.memory_space<semaphore_mem>>
      %dma_start3A_163 = arith.constant 0 : i32
      %dma_start3A_164 = arith.constant 0 : i32
      %dma_start3A_165 = arith.constant 0 : i32
      %dma_start3A_166 = tpu.memref_slice %arg6[%dma_start3A_163, %dma_start3A_164, %dma_start3A_165] : memref<6x8x128xi32, #tpu.memory_space<vmem>> -> memref<5x8x128xi32, #tpu.memory_space<vmem>>
      %dma_start3A_167 = arith.constant 0 : i32
      %dma_start3A_168 = arith.constant 0 : i32
      %dma_start3A_169 = tpu.memref_slice %arg3[%add3A_122, %dma_start3A_167, %dma_start3A_168] : memref<352x8x128xi32, #tpu.memory_space<hbm>> -> memref<5x8x128xi32, #tpu.memory_space<hbm>>
      %dma_start3A_170 = arith.constant 0 : i32
      %dma_start3A_171 = arith.constant 0 : i32
      %dma_start3A_172 = arith.constant 0 : i32
      %dma_start3A_173 = tpu.memref_slice %arg6[%dma_start3A_170, %dma_start3A_171, %dma_start3A_172] : memref<6x8x128xi32, #tpu.memory_space<vmem>> -> memref<5x8x128xi32, #tpu.memory_space<vmem>>
      %dma_start3A_174 = arith.constant 0 : i32
      %dma_start3A_175 = arith.constant 0 : i32
      %dma_start3A_176 = tpu.memref_slice %arg3[%add3A_122, %dma_start3A_174, %dma_start3A_175] : memref<352x8x128xi32, #tpu.memory_space<hbm>> -> memref<5x8x128xi32, #tpu.memory_space<hbm>>
      tpu.enqueue_dma source(%dma_start3A_176 : memref<5x8x128xi32, #tpu.memory_space<hbm>>) target(%dma_start3A_173 : memref<5x8x128xi32, #tpu.memory_space<vmem>>) target_semaphore(%run_scoped3A : memref<!tpu.dma_semaphore, #tpu.memory_space<semaphore_mem>>)
      %dma_wait3A_177 = arith.constant 0 : i32
      %dma_wait3A_178 = arith.constant 0 : i32
      %dma_wait3A_179 = arith.constant 0 : i32
      %dma_wait3A_180 = tpu.memref_slice %arg6[%dma_wait3A_177, %dma_wait3A_178, %dma_wait3A_179] : memref<6x8x128xi32, #tpu.memory_space<vmem>> -> memref<5x8x128xi32, #tpu.memory_space<vmem>>
      %dma_wait3A_181 = arith.constant 0 : i32
      %dma_wait3A_182 = arith.constant 0 : i32
      %dma_wait3A_183 = tpu.memref_slice %arg3[%add3A_122, %dma_wait3A_181, %dma_wait3A_182] : memref<352x8x128xi32, #tpu.memory_space<hbm>> -> memref<5x8x128xi32, #tpu.memory_space<hbm>>
      %dma_wait3A_184 = arith.constant 0 : i32
      %dma_wait3A_185 = arith.constant 0 : i32
      %dma_wait3A_186 = arith.constant 0 : i32
      %dma_wait3A_187 = tpu.memref_slice %arg6[%dma_wait3A_184, %dma_wait3A_185, %dma_wait3A_186] : memref<6x8x128xi32, #tpu.memory_space<vmem>> -> memref<5x8x128xi32, #tpu.memory_space<vmem>>
      %dma_wait3A_188 = arith.constant 0 : i32
      %dma_wait3A_189 = arith.constant 0 : i32
      %dma_wait3A_190 = tpu.memref_slice %arg3[%add3A_122, %dma_wait3A_188, %dma_wait3A_189] : memref<352x8x128xi32, #tpu.memory_space<hbm>> -> memref<5x8x128xi32, #tpu.memory_space<hbm>>
      tpu.wait_dma2 semaphore(%run_scoped3A : memref<!tpu.dma_semaphore, #tpu.memory_space<semaphore_mem>>) src(%dma_wait3A_190 : memref<5x8x128xi32, #tpu.memory_space<hbm>>) dst(%dma_wait3A_187 : memref<5x8x128xi32, #tpu.memory_space<vmem>>)
      tpu.yield
    }) : () -> ()
    "tpu.region"() ({
      %run_scoped3A = tpu.sem_alloc : memref<!tpu.dma_semaphore, #tpu.memory_space<semaphore_mem>>
      %dma_start3A_163 = arith.constant 0 : i32
      %dma_start3A_164 = arith.constant 0 : i32
      %dma_start3A_165 = arith.constant 0 : i32
      %dma_start3A_166 = tpu.memref_slice %arg7[%dma_start3A_163, %dma_start3A_164, %dma_start3A_165] : memref<6x8x128xi32, #tpu.memory_space<vmem>> -> memref<5x8x128xi32, #tpu.memory_space<vmem>>
      %dma_start3A_167 = arith.constant 0 : i32
      %dma_start3A_168 = arith.constant 0 : i32
      %dma_start3A_169 = tpu.memref_slice %arg4[%add3A_122, %dma_start3A_167, %dma_start3A_168] : memref<352x8x128xi32, #tpu.memory_space<hbm>> -> memref<5x8x128xi32, #tpu.memory_space<hbm>>
      %dma_start3A_170 = arith.constant 0 : i32
      %dma_start3A_171 = arith.constant 0 : i32
      %dma_start3A_172 = arith.constant 0 : i32
      %dma_start3A_173 = tpu.memref_slice %arg7[%dma_start3A_170, %dma_start3A_171, %dma_start3A_172] : memref<6x8x128xi32, #tpu.memory_space<vmem>> -> memref<5x8x128xi32, #tpu.memory_space<vmem>>
      %dma_start3A_174 = arith.constant 0 : i32
      %dma_start3A_175 = arith.constant 0 : i32
      %dma_start3A_176 = tpu.memref_slice %arg4[%add3A_122, %dma_start3A_174, %dma_start3A_175] : memref<352x8x128xi32, #tpu.memory_space<hbm>> -> memref<5x8x128xi32, #tpu.memory_space<hbm>>
      tpu.enqueue_dma source(%dma_start3A_176 : memref<5x8x128xi32, #tpu.memory_space<hbm>>) target(%dma_start3A_173 : memref<5x8x128xi32, #tpu.memory_space<vmem>>) target_semaphore(%run_scoped3A : memref<!tpu.dma_semaphore, #tpu.memory_space<semaphore_mem>>)
      %dma_wait3A_177 = arith.constant 0 : i32
      %dma_wait3A_178 = arith.constant 0 : i32
      %dma_wait3A_179 = arith.constant 0 : i32
      %dma_wait3A_180 = tpu.memref_slice %arg7[%dma_wait3A_177, %dma_wait3A_178, %dma_wait3A_179] : memref<6x8x128xi32, #tpu.memory_space<vmem>> -> memref<5x8x128xi32, #tpu.memory_space<vmem>>
      %dma_wait3A_181 = arith.constant 0 : i32
      %dma_wait3A_182 = arith.constant 0 : i32
      %dma_wait3A_183 = tpu.memref_slice %arg4[%add3A_122, %dma_wait3A_181, %dma_wait3A_182] : memref<352x8x128xi32, #tpu.memory_space<hbm>> -> memref<5x8x128xi32, #tpu.memory_space<hbm>>
      %dma_wait3A_184 = arith.constant 0 : i32
      %dma_wait3A_185 = arith.constant 0 : i32
      %dma_wait3A_186 = arith.constant 0 : i32
      %dma_wait3A_187 = tpu.memref_slice %arg7[%dma_wait3A_184, %dma_wait3A_185, %dma_wait3A_186] : memref<6x8x128xi32, #tpu.memory_space<vmem>> -> memref<5x8x128xi32, #tpu.memory_space<vmem>>
      %dma_wait3A_188 = arith.constant 0 : i32
      %dma_wait3A_189 = arith.constant 0 : i32
      %dma_wait3A_190 = tpu.memref_slice %arg4[%add3A_122, %dma_wait3A_188, %dma_wait3A_189] : memref<352x8x128xi32, #tpu.memory_space<hbm>> -> memref<5x8x128xi32, #tpu.memory_space<hbm>>
      tpu.wait_dma2 semaphore(%run_scoped3A : memref<!tpu.dma_semaphore, #tpu.memory_space<semaphore_mem>>) src(%dma_wait3A_190 : memref<5x8x128xi32, #tpu.memory_space<hbm>>) dst(%dma_wait3A_187 : memref<5x8x128xi32, #tpu.memory_space<vmem>>)
      tpu.yield
    }) : () -> ()
    %dma_start3A_123 = arith.constant 0 : i32
    %dma_start3A_124 = arith.constant 0 : i32
    %dma_start3A_125 = arith.constant 0 : i32
    %dma_start3A_126 = tpu.memref_slice %arg6[%dma_start3A_123, %dma_start3A_124, %dma_start3A_125] : memref<6x8x128xi32, #tpu.memory_space<vmem>> -> memref<1x1x128xi32, #tpu.memory_space<vmem>>
    %dma_start3A_127 = tpu.memref_squeeze %dma_start3A_126 : memref<1x1x128xi32, #tpu.memory_space<vmem>> -> memref<128xi32, #tpu.memory_space<vmem>>
    %dma_start3A_128 = arith.constant 0 : i32
    %dma_start3A_129 = arith.constant 0 : i32
    %dma_start3A_130 = tpu.memref_slice %arg2[%dma_start3A_128, %dma_start3A_129] : memref<10000x128xf32, #tpu.memory_space<hbm>> -> memref<10000x128xf32, #tpu.memory_space<hbm>>
    tpu.enqueue_indirect_dma source(%dma_start3A_130 : memref<10000x128xf32, #tpu.memory_space<hbm>>) target(%arg8 : memref<128x128xf32, #tpu.memory_space<vmem>>) offsets(%dma_start3A_127 : memref<128xi32, #tpu.memory_space<vmem>>) semaphore(%arg10 : memref<!tpu.dma_semaphore, #tpu.memory_space<semaphore_mem>>)
    %dma_start3A_131 = arith.constant 0 : i32
    %dma_start3A_132 = arith.constant 1 : i32
    %dma_start3A_133 = arith.constant 0 : i32
    %dma_start3A_134 = tpu.memref_slice %arg6[%dma_start3A_131, %dma_start3A_132, %dma_start3A_133] : memref<6x8x128xi32, #tpu.memory_space<vmem>> -> memref<1x1x128xi32, #tpu.memory_space<vmem>>
    %dma_start3A_135 = tpu.memref_squeeze %dma_start3A_134 : memref<1x1x128xi32, #tpu.memory_space<vmem>> -> memref<128xi32, #tpu.memory_space<vmem>>
    %dma_start3A_136 = arith.constant 0 : i32
    %dma_start3A_137 = arith.constant 0 : i32
    %dma_start3A_138 = tpu.memref_slice %arg2[%dma_start3A_136, %dma_start3A_137] : memref<10000x128xf32, #tpu.memory_space<hbm>> -> memref<10000x128xf32, #tpu.memory_space<hbm>>
    tpu.enqueue_indirect_dma source(%dma_start3A_138 : memref<10000x128xf32, #tpu.memory_space<hbm>>) target(%arg9 : memref<128x128xf32, #tpu.memory_space<vmem>>) offsets(%dma_start3A_135 : memref<128xi32, #tpu.memory_space<vmem>>) semaphore(%arg11 : memref<!tpu.dma_semaphore, #tpu.memory_space<semaphore_mem>>)
    %scan3A_139 = arith.constant 0 : i32
    %scan3A_140 = arith.constant 0 : i32
    %scan3A_141 = arith.constant 20 : i32
    %scan3A_142 = arith.addi %scan3A_140, %scan3A_141 : i32
    %scan3A_143 = arith.constant 1 : i32
    %scan3A_144 = scf.for %scan3A_163 = %scan3A_140 to %scan3A_142 step %scan3A_143 iter_args(%scan3A_164 = %scan3A_139) -> (i32)  : i32 {
      %mul3A_165 = arith.constant 2 : i32
      %mul3A_166 = arith.muli %scan3A_163, %mul3A_165 : i32
      %dma_wait3A_167 = arith.constant 0 : i32
      %dma_wait3A_168 = arith.constant 0 : i32
      %dma_wait3A_169 = arith.constant 0 : i32
      %dma_wait3A_170 = tpu.memref_slice %arg6[%dma_wait3A_167, %dma_wait3A_168, %dma_wait3A_169] : memref<6x8x128xi32, #tpu.memory_space<vmem>> -> memref<1x1x128xi32, #tpu.memory_space<vmem>>
      %dma_wait3A_171 = tpu.memref_squeeze %dma_wait3A_170 : memref<1x1x128xi32, #tpu.memory_space<vmem>> -> memref<128xi32, #tpu.memory_space<vmem>>
      %dma_wait3A_172 = arith.constant 0 : i32
      %dma_wait3A_173 = arith.constant 0 : i32
      %dma_wait3A_174 = tpu.memref_slice %arg2[%dma_wait3A_172, %dma_wait3A_173] : memref<10000x128xf32, #tpu.memory_space<hbm>> -> memref<10000x128xf32, #tpu.memory_space<hbm>>
      tpu.wait_indirect_dma semaphore(%arg10 : memref<!tpu.dma_semaphore, #tpu.memory_space<semaphore_mem>>) src(%dma_wait3A_174 : memref<10000x128xf32, #tpu.memory_space<hbm>>) dst(%arg8 : memref<128x128xf32, #tpu.memory_space<vmem>>)
      %add3A_175 = arith.constant 0 : i32
      %add3A_176 = arith.addi %mul3A_166, %add3A_175 : i32
      %jit3A = arith.constant 8 : i32
      %div3A = arith.divsi %add3A_176, %jit3A : i32
      %sign3A = arith.constant 0 : i32
      %sign3A_177 = arith.cmpi sgt, %add3A_176, %sign3A : i32
      %sign3A_178 = arith.extui %sign3A_177 : i1 to i32
      %sign3A_179 = arith.constant 0 : i32
      %sign3A_180 = arith.cmpi slt, %add3A_176, %sign3A_179 : i32
      %sign3A_181 = arith.extui %sign3A_180 : i1 to i32
      %sign3A_182 = arith.subi %sign3A_178, %sign3A_181 : i32
      %sign3A_183 = arith.constant 0 : i32
      %sign3A_184 = arith.cmpi sgt, %jit3A, %sign3A_183 : i32
      %sign3A_185 = arith.extui %sign3A_184 : i1 to i32
      %sign3A_186 = arith.constant 0 : i32
      %sign3A_187 = arith.cmpi slt, %jit3A, %sign3A_186 : i32
      %sign3A_188 = arith.extui %sign3A_187 : i1 to i32
      %sign3A_189 = arith.subi %sign3A_185, %sign3A_188 : i32
      %ne3A = arith.cmpi ne, %sign3A_182, %sign3A_189 : i32
      %rem3A = arith.remsi %add3A_176, %jit3A : i32
      %ne3A_190 = arith.constant 0 : i32
      %ne3A_191 = arith.cmpi ne, %rem3A, %ne3A_190 : i32
      %and3A = arith.andi %ne3A, %ne3A_191 : i1
      %sub3A = arith.constant 1 : i32
      %sub3A_192 = arith.subi %div3A, %sub3A : i32
      %select_n3A = arith.select %and3A, %sub3A_192, %div3A : i32
      %jit3A_193 = arith.constant 8 : i32
      %eq3A = arith.constant 0 : i32
      %eq3A_194 = arith.cmpi eq, %jit3A_193, %eq3A : i32
      %jit3A_195 = arith.constant 1 : i32
      %select_n3A_196 = arith.select %eq3A_194, %jit3A_195, %jit3A_193 : i32
      %rem3A_197 = arith.remsi %add3A_176, %select_n3A_196 : i32
      %ne3A_198 = arith.constant 0 : i32
      %ne3A_199 = arith.cmpi ne, %rem3A_197, %ne3A_198 : i32
      %lt3A = arith.constant 0 : i32
      %lt3A_200 = arith.cmpi slt, %rem3A_197, %lt3A : i32
      %lt3A_201 = arith.constant 0 : i32
      %lt3A_202 = arith.cmpi slt, %select_n3A_196, %lt3A_201 : i32
      %ne3A_203 = arith.xori %lt3A_200, %lt3A_202 : i1
      %and3A_204 = arith.andi %ne3A_203, %ne3A_199 : i1
      %add3A_205 = arith.addi %rem3A_197, %select_n3A_196 : i32
      %select_n3A_206 = arith.select %and3A_204, %add3A_205, %rem3A_197 : i32
      %dma_start3A_207 = arith.constant 0 : i32
      %dma_start3A_208 = tpu.memref_slice %arg7[%select_n3A, %select_n3A_206, %dma_start3A_207] : memref<6x8x128xi32, #tpu.memory_space<vmem>> -> memref<1x1x128xi32, #tpu.memory_space<vmem>>
      %dma_start3A_209 = tpu.memref_squeeze %dma_start3A_208 : memref<1x1x128xi32, #tpu.memory_space<vmem>> -> memref<128xi32, #tpu.memory_space<vmem>>
      %dma_start3A_210 = arith.constant 0 : i32
      %dma_start3A_211 = arith.constant 0 : i32
      %dma_start3A_212 = tpu.memref_slice %arg14[%dma_start3A_210, %dma_start3A_211] : memref<10240x128xf32, #tpu.memory_space<vmem_shared>> -> memref<10240x128xf32, #tpu.memory_space<vmem_shared>>
      tpu.enqueue_indirect_dma source(%arg8 : memref<128x128xf32, #tpu.memory_space<vmem>>) target(%dma_start3A_212 : memref<10240x128xf32, #tpu.memory_space<vmem_shared>>) offsets(%dma_start3A_209 : memref<128xi32, #tpu.memory_space<vmem>>) semaphore(%arg12 : memref<!tpu.dma_semaphore, #tpu.memory_space<semaphore_mem>>) {add = true}
      %dma_wait3A_213 = arith.constant 0 : i32
      %dma_wait3A_214 = arith.constant 0 : i32
      %dma_wait3A_215 = arith.constant 0 : i32
      %dma_wait3A_216 = tpu.memref_slice %arg6[%dma_wait3A_213, %dma_wait3A_214, %dma_wait3A_215] : memref<6x8x128xi32, #tpu.memory_space<vmem>> -> memref<1x1x128xi32, #tpu.memory_space<vmem>>
      %dma_wait3A_217 = tpu.memref_squeeze %dma_wait3A_216 : memref<1x1x128xi32, #tpu.memory_space<vmem>> -> memref<128xi32, #tpu.memory_space<vmem>>
      %dma_wait3A_218 = arith.constant 0 : i32
      %dma_wait3A_219 = arith.constant 0 : i32
      %dma_wait3A_220 = tpu.memref_slice %arg2[%dma_wait3A_218, %dma_wait3A_219] : memref<10000x128xf32, #tpu.memory_space<hbm>> -> memref<10000x128xf32, #tpu.memory_space<hbm>>
      tpu.wait_indirect_dma semaphore(%arg11 : memref<!tpu.dma_semaphore, #tpu.memory_space<semaphore_mem>>) src(%dma_wait3A_220 : memref<10000x128xf32, #tpu.memory_space<hbm>>) dst(%arg9 : memref<128x128xf32, #tpu.memory_space<vmem>>)
      %add3A_221 = arith.constant 1 : i32
      %add3A_222 = arith.addi %mul3A_166, %add3A_221 : i32
      %jit3A_223 = arith.constant 8 : i32
      %div3A_224 = arith.divsi %add3A_222, %jit3A_223 : i32
      %sign3A_225 = arith.constant 0 : i32
      %sign3A_226 = arith.cmpi sgt, %add3A_222, %sign3A_225 : i32
      %sign3A_227 = arith.extui %sign3A_226 : i1 to i32
      %sign3A_228 = arith.constant 0 : i32
      %sign3A_229 = arith.cmpi slt, %add3A_222, %sign3A_228 : i32
      %sign3A_230 = arith.extui %sign3A_229 : i1 to i32
      %sign3A_231 = arith.subi %sign3A_227, %sign3A_230 : i32
      %sign3A_232 = arith.constant 0 : i32
      %sign3A_233 = arith.cmpi sgt, %jit3A_223, %sign3A_232 : i32
      %sign3A_234 = arith.extui %sign3A_233 : i1 to i32
      %sign3A_235 = arith.constant 0 : i32
      %sign3A_236 = arith.cmpi slt, %jit3A_223, %sign3A_235 : i32
      %sign3A_237 = arith.extui %sign3A_236 : i1 to i32
      %sign3A_238 = arith.subi %sign3A_234, %sign3A_237 : i32
      %ne3A_239 = arith.cmpi ne, %sign3A_231, %sign3A_238 : i32
      %rem3A_240 = arith.remsi %add3A_222, %jit3A_223 : i32
      %ne3A_241 = arith.constant 0 : i32
      %ne3A_242 = arith.cmpi ne, %rem3A_240, %ne3A_241 : i32
      %and3A_243 = arith.andi %ne3A_239, %ne3A_242 : i1
      %sub3A_244 = arith.constant 1 : i32
      %sub3A_245 = arith.subi %div3A_224, %sub3A_244 : i32
      %select_n3A_246 = arith.select %and3A_243, %sub3A_245, %div3A_224 : i32
      %jit3A_247 = arith.constant 8 : i32
      %eq3A_248 = arith.constant 0 : i32
      %eq3A_249 = arith.cmpi eq, %jit3A_247, %eq3A_248 : i32
      %jit3A_250 = arith.constant 1 : i32
      %select_n3A_251 = arith.select %eq3A_249, %jit3A_250, %jit3A_247 : i32
      %rem3A_252 = arith.remsi %add3A_222, %select_n3A_251 : i32
      %ne3A_253 = arith.constant 0 : i32
      %ne3A_254 = arith.cmpi ne, %rem3A_252, %ne3A_253 : i32
      %lt3A_255 = arith.constant 0 : i32
      %lt3A_256 = arith.cmpi slt, %rem3A_252, %lt3A_255 : i32
      %lt3A_257 = arith.constant 0 : i32
      %lt3A_258 = arith.cmpi slt, %select_n3A_251, %lt3A_257 : i32
      %ne3A_259 = arith.xori %lt3A_256, %lt3A_258 : i1
      %and3A_260 = arith.andi %ne3A_259, %ne3A_254 : i1
      %add3A_261 = arith.addi %rem3A_252, %select_n3A_251 : i32
      %select_n3A_262 = arith.select %and3A_260, %add3A_261, %rem3A_252 : i32
      %dma_start3A_263 = arith.constant 0 : i32
      %dma_start3A_264 = tpu.memref_slice %arg7[%select_n3A_246, %select_n3A_262, %dma_start3A_263] : memref<6x8x128xi32, #tpu.memory_space<vmem>> -> memref<1x1x128xi32, #tpu.memory_space<vmem>>
      %dma_start3A_265 = tpu.memref_squeeze %dma_start3A_264 : memref<1x1x128xi32, #tpu.memory_space<vmem>> -> memref<128xi32, #tpu.memory_space<vmem>>
      %dma_start3A_266 = arith.constant 0 : i32
      %dma_start3A_267 = arith.constant 0 : i32
      %dma_start3A_268 = tpu.memref_slice %arg14[%dma_start3A_266, %dma_start3A_267] : memref<10240x128xf32, #tpu.memory_space<vmem_shared>> -> memref<10240x128xf32, #tpu.memory_space<vmem_shared>>
      tpu.enqueue_indirect_dma source(%arg9 : memref<128x128xf32, #tpu.memory_space<vmem>>) target(%dma_start3A_268 : memref<10240x128xf32, #tpu.memory_space<vmem_shared>>) offsets(%dma_start3A_265 : memref<128xi32, #tpu.memory_space<vmem>>) semaphore(%arg13 : memref<!tpu.dma_semaphore, #tpu.memory_space<semaphore_mem>>) {add = true}
      %lt3A_269 = arith.constant 19 : i32
      %lt3A_270 = arith.cmpi slt, %scan3A_163, %lt3A_269 : i32
      %convert_element_type3A = arith.extui %lt3A_270 : i1 to i32
      %cond3A = arith.constant 0 : i32
      %cond3A_271 = arith.cmpi ne, %convert_element_type3A, %cond3A : i32
      scf.if %cond3A_271 {
        %dma_wait3A_273 = arith.constant 0 : i32
        %dma_wait3A_274 = arith.constant 0 : i32
        %dma_wait3A_275 = arith.constant 0 : i32
        %dma_wait3A_276 = tpu.memref_slice %arg7[%dma_wait3A_273, %dma_wait3A_274, %dma_wait3A_275] : memref<6x8x128xi32, #tpu.memory_space<vmem>> -> memref<1x1x128xi32, #tpu.memory_space<vmem>>
        %dma_wait3A_277 = tpu.memref_squeeze %dma_wait3A_276 : memref<1x1x128xi32, #tpu.memory_space<vmem>> -> memref<128xi32, #tpu.memory_space<vmem>>
        %dma_wait3A_278 = arith.constant 0 : i32
        %dma_wait3A_279 = arith.constant 0 : i32
        %dma_wait3A_280 = tpu.memref_slice %arg14[%dma_wait3A_278, %dma_wait3A_279] : memref<10240x128xf32, #tpu.memory_space<vmem_shared>> -> memref<10240x128xf32, #tpu.memory_space<vmem_shared>>
        tpu.wait_indirect_dma semaphore(%arg12 : memref<!tpu.dma_semaphore, #tpu.memory_space<semaphore_mem>>) src(%arg8 : memref<128x128xf32, #tpu.memory_space<vmem>>) dst(%dma_wait3A_280 : memref<10240x128xf32, #tpu.memory_space<vmem_shared>>)
        %add3A_281 = arith.constant 2 : i32
        %add3A_282 = arith.addi %mul3A_166, %add3A_281 : i32
        %add3A_283 = arith.constant 0 : i32
        %add3A_284 = arith.addi %add3A_282, %add3A_283 : i32
        %jit3A_285 = arith.constant 8 : i32
        %div3A_286 = arith.divsi %add3A_284, %jit3A_285 : i32
        %sign3A_287 = arith.constant 0 : i32
        %sign3A_288 = arith.cmpi sgt, %add3A_284, %sign3A_287 : i32
        %sign3A_289 = arith.extui %sign3A_288 : i1 to i32
        %sign3A_290 = arith.constant 0 : i32
        %sign3A_291 = arith.cmpi slt, %add3A_284, %sign3A_290 : i32
        %sign3A_292 = arith.extui %sign3A_291 : i1 to i32
        %sign3A_293 = arith.subi %sign3A_289, %sign3A_292 : i32
        %sign3A_294 = arith.constant 0 : i32
        %sign3A_295 = arith.cmpi sgt, %jit3A_285, %sign3A_294 : i32
        %sign3A_296 = arith.extui %sign3A_295 : i1 to i32
        %sign3A_297 = arith.constant 0 : i32
        %sign3A_298 = arith.cmpi slt, %jit3A_285, %sign3A_297 : i32
        %sign3A_299 = arith.extui %sign3A_298 : i1 to i32
        %sign3A_300 = arith.subi %sign3A_296, %sign3A_299 : i32
        %ne3A_301 = arith.cmpi ne, %sign3A_293, %sign3A_300 : i32
        %rem3A_302 = arith.remsi %add3A_284, %jit3A_285 : i32
        %ne3A_303 = arith.constant 0 : i32
        %ne3A_304 = arith.cmpi ne, %rem3A_302, %ne3A_303 : i32
        %and3A_305 = arith.andi %ne3A_301, %ne3A_304 : i1
        %sub3A_306 = arith.constant 1 : i32
        %sub3A_307 = arith.subi %div3A_286, %sub3A_306 : i32
        %select_n3A_308 = arith.select %and3A_305, %sub3A_307, %div3A_286 : i32
        %jit3A_309 = arith.constant 8 : i32
        %eq3A_310 = arith.constant 0 : i32
        %eq3A_311 = arith.cmpi eq, %jit3A_309, %eq3A_310 : i32
        %jit3A_312 = arith.constant 1 : i32
        %select_n3A_313 = arith.select %eq3A_311, %jit3A_312, %jit3A_309 : i32
        %rem3A_314 = arith.remsi %add3A_284, %select_n3A_313 : i32
        %ne3A_315 = arith.constant 0 : i32
        %ne3A_316 = arith.cmpi ne, %rem3A_314, %ne3A_315 : i32
        %lt3A_317 = arith.constant 0 : i32
        %lt3A_318 = arith.cmpi slt, %rem3A_314, %lt3A_317 : i32
        %lt3A_319 = arith.constant 0 : i32
        %lt3A_320 = arith.cmpi slt, %select_n3A_313, %lt3A_319 : i32
        %ne3A_321 = arith.xori %lt3A_318, %lt3A_320 : i1
        %and3A_322 = arith.andi %ne3A_321, %ne3A_316 : i1
        %add3A_323 = arith.addi %rem3A_314, %select_n3A_313 : i32
        %select_n3A_324 = arith.select %and3A_322, %add3A_323, %rem3A_314 : i32
        %dma_start3A_325 = arith.constant 0 : i32
        %dma_start3A_326 = tpu.memref_slice %arg6[%select_n3A_308, %select_n3A_324, %dma_start3A_325] : memref<6x8x128xi32, #tpu.memory_space<vmem>> -> memref<1x1x128xi32, #tpu.memory_space<vmem>>
        %dma_start3A_327 = tpu.memref_squeeze %dma_start3A_326 : memref<1x1x128xi32, #tpu.memory_space<vmem>> -> memref<128xi32, #tpu.memory_space<vmem>>
        %dma_start3A_328 = arith.constant 0 : i32
        %dma_start3A_329 = arith.constant 0 : i32
        %dma_start3A_330 = tpu.memref_slice %arg2[%dma_start3A_328, %dma_start3A_329] : memref<10000x128xf32, #tpu.memory_space<hbm>> -> memref<10000x128xf32, #tpu.memory_space<hbm>>
        tpu.enqueue_indirect_dma source(%dma_start3A_330 : memref<10000x128xf32, #tpu.memory_space<hbm>>) target(%arg8 : memref<128x128xf32, #tpu.memory_space<vmem>>) offsets(%dma_start3A_327 : memref<128xi32, #tpu.memory_space<vmem>>) semaphore(%arg10 : memref<!tpu.dma_semaphore, #tpu.memory_space<semaphore_mem>>)
        %dma_wait3A_331 = arith.constant 0 : i32
        %dma_wait3A_332 = arith.constant 0 : i32
        %dma_wait3A_333 = arith.constant 0 : i32
        %dma_wait3A_334 = tpu.memref_slice %arg7[%dma_wait3A_331, %dma_wait3A_332, %dma_wait3A_333] : memref<6x8x128xi32, #tpu.memory_space<vmem>> -> memref<1x1x128xi32, #tpu.memory_space<vmem>>
        %dma_wait3A_335 = tpu.memref_squeeze %dma_wait3A_334 : memref<1x1x128xi32, #tpu.memory_space<vmem>> -> memref<128xi32, #tpu.memory_space<vmem>>
        %dma_wait3A_336 = arith.constant 0 : i32
        %dma_wait3A_337 = arith.constant 0 : i32
        %dma_wait3A_338 = tpu.memref_slice %arg14[%dma_wait3A_336, %dma_wait3A_337] : memref<10240x128xf32, #tpu.memory_space<vmem_shared>> -> memref<10240x128xf32, #tpu.memory_space<vmem_shared>>
        tpu.wait_indirect_dma semaphore(%arg13 : memref<!tpu.dma_semaphore, #tpu.memory_space<semaphore_mem>>) src(%arg9 : memref<128x128xf32, #tpu.memory_space<vmem>>) dst(%dma_wait3A_338 : memref<10240x128xf32, #tpu.memory_space<vmem_shared>>)
        %add3A_339 = arith.constant 2 : i32
        %add3A_340 = arith.addi %mul3A_166, %add3A_339 : i32
        %add3A_341 = arith.constant 1 : i32
        %add3A_342 = arith.addi %add3A_340, %add3A_341 : i32
        %jit3A_343 = arith.constant 8 : i32
        %div3A_344 = arith.divsi %add3A_342, %jit3A_343 : i32
        %sign3A_345 = arith.constant 0 : i32
        %sign3A_346 = arith.cmpi sgt, %add3A_342, %sign3A_345 : i32
        %sign3A_347 = arith.extui %sign3A_346 : i1 to i32
        %sign3A_348 = arith.constant 0 : i32
        %sign3A_349 = arith.cmpi slt, %add3A_342, %sign3A_348 : i32
        %sign3A_350 = arith.extui %sign3A_349 : i1 to i32
        %sign3A_351 = arith.subi %sign3A_347, %sign3A_350 : i32
        %sign3A_352 = arith.constant 0 : i32
        %sign3A_353 = arith.cmpi sgt, %jit3A_343, %sign3A_352 : i32
        %sign3A_354 = arith.extui %sign3A_353 : i1 to i32
        %sign3A_355 = arith.constant 0 : i32
        %sign3A_356 = arith.cmpi slt, %jit3A_343, %sign3A_355 : i32
        %sign3A_357 = arith.extui %sign3A_356 : i1 to i32
        %sign3A_358 = arith.subi %sign3A_354, %sign3A_357 : i32
        %ne3A_359 = arith.cmpi ne, %sign3A_351, %sign3A_358 : i32
        %rem3A_360 = arith.remsi %add3A_342, %jit3A_343 : i32
        %ne3A_361 = arith.constant 0 : i32
        %ne3A_362 = arith.cmpi ne, %rem3A_360, %ne3A_361 : i32
        %and3A_363 = arith.andi %ne3A_359, %ne3A_362 : i1
        %sub3A_364 = arith.constant 1 : i32
        %sub3A_365 = arith.subi %div3A_344, %sub3A_364 : i32
        %select_n3A_366 = arith.select %and3A_363, %sub3A_365, %div3A_344 : i32
        %jit3A_367 = arith.constant 8 : i32
        %eq3A_368 = arith.constant 0 : i32
        %eq3A_369 = arith.cmpi eq, %jit3A_367, %eq3A_368 : i32
        %jit3A_370 = arith.constant 1 : i32
        %select_n3A_371 = arith.select %eq3A_369, %jit3A_370, %jit3A_367 : i32
        %rem3A_372 = arith.remsi %add3A_342, %select_n3A_371 : i32
        %ne3A_373 = arith.constant 0 : i32
        %ne3A_374 = arith.cmpi ne, %rem3A_372, %ne3A_373 : i32
        %lt3A_375 = arith.constant 0 : i32
        %lt3A_376 = arith.cmpi slt, %rem3A_372, %lt3A_375 : i32
        %lt3A_377 = arith.constant 0 : i32
        %lt3A_378 = arith.cmpi slt, %select_n3A_371, %lt3A_377 : i32
        %ne3A_379 = arith.xori %lt3A_376, %lt3A_378 : i1
        %and3A_380 = arith.andi %ne3A_379, %ne3A_374 : i1
        %add3A_381 = arith.addi %rem3A_372, %select_n3A_371 : i32
        %select_n3A_382 = arith.select %and3A_380, %add3A_381, %rem3A_372 : i32
        %dma_start3A_383 = arith.constant 0 : i32
        %dma_start3A_384 = tpu.memref_slice %arg6[%select_n3A_366, %select_n3A_382, %dma_start3A_383] : memref<6x8x128xi32, #tpu.memory_space<vmem>> -> memref<1x1x128xi32, #tpu.memory_space<vmem>>
        %dma_start3A_385 = tpu.memref_squeeze %dma_start3A_384 : memref<1x1x128xi32, #tpu.memory_space<vmem>> -> memref<128xi32, #tpu.memory_space<vmem>>
        %dma_start3A_386 = arith.constant 0 : i32
        %dma_start3A_387 = arith.constant 0 : i32
        %dma_start3A_388 = tpu.memref_slice %arg2[%dma_start3A_386, %dma_start3A_387] : memref<10000x128xf32, #tpu.memory_space<hbm>> -> memref<10000x128xf32, #tpu.memory_space<hbm>>
        tpu.enqueue_indirect_dma source(%dma_start3A_388 : memref<10000x128xf32, #tpu.memory_space<hbm>>) target(%arg9 : memref<128x128xf32, #tpu.memory_space<vmem>>) offsets(%dma_start3A_385 : memref<128xi32, #tpu.memory_space<vmem>>) semaphore(%arg11 : memref<!tpu.dma_semaphore, #tpu.memory_space<semaphore_mem>>)
      } else {
      }
      %scan3A_272 = arith.constant 0 : i32
      scf.yield %scan3A_272 : i32
    }
    %scan3A_145 = arith.constant 20 : i32
    %dma_wait3A_146 = arith.constant 0 : i32
    %dma_wait3A_147 = arith.constant 0 : i32
    %dma_wait3A_148 = arith.constant 0 : i32
    %dma_wait3A_149 = tpu.memref_slice %arg7[%dma_wait3A_146, %dma_wait3A_147, %dma_wait3A_148] : memref<6x8x128xi32, #tpu.memory_space<vmem>> -> memref<1x1x128xi32, #tpu.memory_space<vmem>>
    %dma_wait3A_150 = tpu.memref_squeeze %dma_wait3A_149 : memref<1x1x128xi32, #tpu.memory_space<vmem>> -> memref<128xi32, #tpu.memory_space<vmem>>
    %dma_wait3A_151 = arith.constant 0 : i32
    %dma_wait3A_152 = arith.constant 0 : i32
    %dma_wait3A_153 = tpu.memref_slice %arg14[%dma_wait3A_151, %dma_wait3A_152] : memref<10240x128xf32, #tpu.memory_space<vmem_shared>> -> memref<10240x128xf32, #tpu.memory_space<vmem_shared>>
    tpu.wait_indirect_dma semaphore(%arg12 : memref<!tpu.dma_semaphore, #tpu.memory_space<semaphore_mem>>) src(%arg8 : memref<128x128xf32, #tpu.memory_space<vmem>>) dst(%dma_wait3A_153 : memref<10240x128xf32, #tpu.memory_space<vmem_shared>>)
    %dma_wait3A_154 = arith.constant 0 : i32
    %dma_wait3A_155 = arith.constant 0 : i32
    %dma_wait3A_156 = arith.constant 0 : i32
    %dma_wait3A_157 = tpu.memref_slice %arg7[%dma_wait3A_154, %dma_wait3A_155, %dma_wait3A_156] : memref<6x8x128xi32, #tpu.memory_space<vmem>> -> memref<1x1x128xi32, #tpu.memory_space<vmem>>
    %dma_wait3A_158 = tpu.memref_squeeze %dma_wait3A_157 : memref<1x1x128xi32, #tpu.memory_space<vmem>> -> memref<128xi32, #tpu.memory_space<vmem>>
    %dma_wait3A_159 = arith.constant 0 : i32
    %dma_wait3A_160 = arith.constant 0 : i32
    %dma_wait3A_161 = tpu.memref_slice %arg14[%dma_wait3A_159, %dma_wait3A_160] : memref<10240x128xf32, #tpu.memory_space<vmem_shared>> -> memref<10240x128xf32, #tpu.memory_space<vmem_shared>>
    tpu.wait_indirect_dma semaphore(%arg13 : memref<!tpu.dma_semaphore, #tpu.memory_space<semaphore_mem>>) src(%arg9 : memref<128x128xf32, #tpu.memory_space<vmem>>) dst(%dma_wait3A_161 : memref<10240x128xf32, #tpu.memory_space<vmem_shared>>)
    %barrier3A_162 = arith.constant 0 : index
    tpu.barrier barrier_id(%barrier3A_162)
    "tpu.region"() ({
      %run_scoped3A = tpu.sem_alloc : memref<!tpu.dma_semaphore, #tpu.memory_space<semaphore_mem>>
      %dma_start3A_163 = arith.constant 0 : i32
      %dma_start3A_164 = tpu.memref_slice %arg5[%arg0, %mul3A_38, %dma_start3A_163] : memref<2x10240x128xf32, #tpu.memory_space<hbm>> -> memref<1x640x128xf32, #tpu.memory_space<hbm>>
      %dma_start3A_165 = tpu.memref_squeeze %dma_start3A_164 : memref<1x640x128xf32, #tpu.memory_space<hbm>> -> memref<640x128xf32, #tpu.memory_space<hbm>>
      %dma_start3A_166 = arith.constant 0 : i32
      %dma_start3A_167 = tpu.memref_slice %arg14[%mul3A_38, %dma_start3A_166] : memref<10240x128xf32, #tpu.memory_space<vmem_shared>> -> memref<640x128xf32, #tpu.memory_space<vmem_shared>>
      tpu.enqueue_dma source(%dma_start3A_167 : memref<640x128xf32, #tpu.memory_space<vmem_shared>>) target(%dma_start3A_165 : memref<640x128xf32, #tpu.memory_space<hbm>>) target_semaphore(%run_scoped3A : memref<!tpu.dma_semaphore, #tpu.memory_space<semaphore_mem>>)
      %dma_wait3A_168 = arith.constant 0 : i32
      %dma_wait3A_169 = tpu.memref_slice %arg5[%arg0, %mul3A_38, %dma_wait3A_168] : memref<2x10240x128xf32, #tpu.memory_space<hbm>> -> memref<1x640x128xf32, #tpu.memory_space<hbm>>
      %dma_wait3A_170 = tpu.memref_squeeze %dma_wait3A_169 : memref<1x640x128xf32, #tpu.memory_space<hbm>> -> memref<640x128xf32, #tpu.memory_space<hbm>>
      %dma_wait3A_171 = arith.constant 0 : i32
      %dma_wait3A_172 = tpu.memref_slice %arg14[%mul3A_38, %dma_wait3A_171] : memref<10240x128xf32, #tpu.memory_space<vmem_shared>> -> memref<640x128xf32, #tpu.memory_space<vmem_shared>>
      tpu.wait_dma2 semaphore(%run_scoped3A : memref<!tpu.dma_semaphore, #tpu.memory_space<semaphore_mem>>) src(%dma_wait3A_172 : memref<640x128xf32, #tpu.memory_space<vmem_shared>>) dst(%dma_wait3A_170 : memref<640x128xf32, #tpu.memory_space<hbm>>)
      tpu.yield
    }) : () -> ()
    return
  }
}

module attributes {stable_mosaic.version = 14 : i64} {
  func.func @_tc1_body(%arg0: i32, %arg1: memref<2048x128xf32, #tpu.memory_space<vmem>>, %arg2: memref<128x128xf32, #tpu.memory_space<vmem>>, %arg3: memref<2x2048x1xf32, #tpu.memory_space<vmem>>, %arg4: memref<2048x128xf32, #tpu.memory_space<vmem>>) attributes {dimension_semantics = [#tpu.dimension_semantics<arbitrary>], iteration_bounds = array<i64: 5>, scalar_prefetch = 0 : i64, scratch_operands = 0 : i64, tpu.core_type = #tpu.core_type<tc>, window_params = [{transform_indices = @transform_0, window_bounds = array<i64: 2048, 128>}, {pipeline_mode = #tpu.pipeline_mode<synchronous>, transform_indices = @transform_1, window_bounds = array<i64: 128, 128>}, {transform_indices = @transform_2, window_bounds = array<i64: 2, 2048, 1>}, {transform_indices = @transform_3, window_bounds = array<i64: 2048, 128>}]} {
    %get3A = arith.constant 0 : index
    %get3A_0 = arith.constant 0 : index
    %get3A_1 = arith.constant 0 : index
    %get3A_2 = vector.load %arg3[%get3A, %get3A_0, %get3A_1] : memref<2x2048x1xf32, #tpu.memory_space<vmem>>, vector<1x2048x1xf32>
    %get3A_3 = vector.shape_cast %get3A_2 : vector<1x2048x1xf32> to vector<2048x1xf32>
    %get3A_4 = arith.constant 1 : index
    %get3A_5 = arith.constant 0 : index
    %get3A_6 = arith.constant 0 : index
    %get3A_7 = vector.load %arg3[%get3A_4, %get3A_5, %get3A_6] : memref<2x2048x1xf32, #tpu.memory_space<vmem>>, vector<1x2048x1xf32>
    %get3A_8 = vector.shape_cast %get3A_7 : vector<1x2048x1xf32> to vector<2048x1xf32>
    %add3A = arith.addf %get3A_3, %get3A_8 : vector<2048x1xf32>
    %mul3A = arith.constant 5.000000e-01 : f32
    %mul3A_9 = vector.broadcast %mul3A : f32 to vector<2048x1xf32>
    %mul3A_10 = arith.mulf %add3A, %mul3A_9 : vector<2048x1xf32>
    %rsqrt3A = math.rsqrt %mul3A_10 : vector<2048x1xf32>
    %get3A_11 = arith.constant 0 : index
    %get3A_12 = arith.constant 0 : index
    %get3A_13 = vector.load %arg1[%get3A_11, %get3A_12] : memref<2048x128xf32, #tpu.memory_space<vmem>>, vector<2048x128xf32>
    %mul3A_14 = vector.broadcast %rsqrt3A : vector<2048x1xf32> to vector<2048x128xf32>
    %mul3A_15 = arith.mulf %get3A_13, %mul3A_14 : vector<2048x128xf32>
    %get3A_16 = arith.constant 0 : index
    %get3A_17 = arith.constant 0 : index
    %get3A_18 = vector.load %arg2[%get3A_16, %get3A_17] : memref<128x128xf32, #tpu.memory_space<vmem>>, vector<128x128xf32>
    %dot_general3A = arith.constant dense<0.000000e+00> : vector<2048x128xf32>
    %dot_general3A_19 = tpu.matmul %mul3A_15, %get3A_18, %dot_general3A {dimension_numbers = #tpu.dot_dimension_numbers<[1], [0], [0], [1], [0, 0, 1, 1], [], []>, transpose_lhs_hint = false} : vector<2048x128xf32>, vector<128x128xf32>, vector<2048x128xf32> -> vector<2048x128xf32>
    %swap3A = arith.constant 0 : index
    %swap3A_20 = arith.constant 0 : index
    %swap3A_21 = vector.load %arg4[%swap3A, %swap3A_20] : memref<2048x128xf32, #tpu.memory_space<vmem>>, vector<2048x128xf32>
    tpu.vector_store %arg4[%swap3A, %swap3A_20], %dot_general3A_19 {strides = array<i32>} : memref<2048x128xf32, #tpu.memory_space<vmem>>, vector<2048x128xf32>,
    return
  }
  func.func @transform_0(%arg0: i32) -> (i32, i32) {
    %c0_i32 = arith.constant 0 : i32
    %c0_i32_0 = arith.constant 0 : i32
    return %arg0, %c0_i32 : i32, i32
  }
  func.func @transform_1(%arg0: i32) -> (i32, i32) {
    %c0_i32 = arith.constant 0 : i32
    %c0_i32_0 = arith.constant 0 : i32
    %c0_i32_1 = arith.constant 0 : i32
    return %c0_i32, %c0_i32_0 : i32, i32
  }
  func.func @transform_2(%arg0: i32) -> (i32, i32, i32) {
    %c0_i32 = arith.constant 0 : i32
    %c0_i32_0 = arith.constant 0 : i32
    %c0_i32_1 = arith.constant 0 : i32
    return %c0_i32, %arg0, %c0_i32_0 : i32, i32, i32
  }
  func.func @transform_3(%arg0: i32) -> (i32, i32) {
    %c0_i32 = arith.constant 0 : i32
    %c0_i32_0 = arith.constant 0 : i32
    return %arg0, %c0_i32 : i32, i32
  }
}

module attributes {stable_mosaic.version = 14 : i64} {
  func.func @_tc2_body(%arg0: i32, %arg1: memref<2x2048x128xf32, #tpu.memory_space<vmem>>, %arg2: memref<2x2048x1xf32, #tpu.memory_space<vmem>>, %arg3: memref<128x128xf32, #tpu.memory_space<vmem>>, %arg4: memref<1x128xf32, #tpu.memory_space<vmem>>, %arg5: memref<2048x128xf32, #tpu.memory_space<vmem>>) attributes {dimension_semantics = [#tpu.dimension_semantics<arbitrary>], iteration_bounds = array<i64: 5>, scalar_prefetch = 0 : i64, scratch_operands = 0 : i64, tpu.core_type = #tpu.core_type<tc>, window_params = [{transform_indices = @transform_0, window_bounds = array<i64: 2, 2048, 128>}, {transform_indices = @transform_1, window_bounds = array<i64: 2, 2048, 1>}, {pipeline_mode = #tpu.pipeline_mode<synchronous>, transform_indices = @transform_2, window_bounds = array<i64: 128, 128>}, {pipeline_mode = #tpu.pipeline_mode<synchronous>, transform_indices = @transform_3, window_bounds = array<i64: 1, 128>}, {transform_indices = @transform_4, window_bounds = array<i64: 2048, 128>}]} {
    %get3A = arith.constant 0 : index
    %get3A_0 = arith.constant 0 : index
    %get3A_1 = arith.constant 0 : index
    %get3A_2 = vector.load %arg2[%get3A, %get3A_0, %get3A_1] : memref<2x2048x1xf32, #tpu.memory_space<vmem>>, vector<1x2048x1xf32>
    %get3A_3 = vector.shape_cast %get3A_2 : vector<1x2048x1xf32> to vector<2048x1xf32>
    %get3A_4 = arith.constant 1 : index
    %get3A_5 = arith.constant 0 : index
    %get3A_6 = arith.constant 0 : index
    %get3A_7 = vector.load %arg2[%get3A_4, %get3A_5, %get3A_6] : memref<2x2048x1xf32, #tpu.memory_space<vmem>>, vector<1x2048x1xf32>
    %get3A_8 = vector.shape_cast %get3A_7 : vector<1x2048x1xf32> to vector<2048x1xf32>
    %add3A = arith.addf %get3A_3, %get3A_8 : vector<2048x1xf32>
    %mul3A = arith.constant 5.000000e-01 : f32
    %mul3A_9 = vector.broadcast %mul3A : f32 to vector<2048x1xf32>
    %mul3A_10 = arith.mulf %add3A, %mul3A_9 : vector<2048x1xf32>
    %rsqrt3A = math.rsqrt %mul3A_10 : vector<2048x1xf32>
    %get3A_11 = arith.constant 0 : index
    %get3A_12 = arith.constant 0 : index
    %get3A_13 = arith.constant 0 : index
    %get3A_14 = vector.load %arg1[%get3A_11, %get3A_12, %get3A_13] : memref<2x2048x128xf32, #tpu.memory_space<vmem>>, vector<1x2048x128xf32>
    %get3A_15 = vector.shape_cast %get3A_14 : vector<1x2048x128xf32> to vector<2048x128xf32>
    %get3A_16 = arith.constant 1 : index
    %get3A_17 = arith.constant 0 : index
    %get3A_18 = arith.constant 0 : index
    %get3A_19 = vector.load %arg1[%get3A_16, %get3A_17, %get3A_18] : memref<2x2048x128xf32, #tpu.memory_space<vmem>>, vector<1x2048x128xf32>
    %get3A_20 = vector.shape_cast %get3A_19 : vector<1x2048x128xf32> to vector<2048x128xf32>
    %add3A_21 = arith.addf %get3A_15, %get3A_20 : vector<2048x128xf32>
    %mul3A_22 = vector.broadcast %rsqrt3A : vector<2048x1xf32> to vector<2048x128xf32>
    %mul3A_23 = arith.mulf %add3A_21, %mul3A_22 : vector<2048x128xf32>
    %get3A_24 = arith.constant 0 : index
    %get3A_25 = arith.constant 0 : index
    %get3A_26 = vector.load %arg4[%get3A_24, %get3A_25] : memref<1x128xf32, #tpu.memory_space<vmem>>, vector<1x128xf32>
    %add3A_27 = vector.broadcast %get3A_26 : vector<1x128xf32> to vector<2048x128xf32>
    %add3A_28 = arith.addf %mul3A_23, %add3A_27 : vector<2048x128xf32>
    %max3A = arith.constant 0.000000e+00 : f32
    %max3A_29 = vector.broadcast %max3A : f32 to vector<2048x128xf32>
    %max3A_30 = arith.maximumf %add3A_28, %max3A_29 : vector<2048x128xf32>
    %mul3A_31 = vector.broadcast %rsqrt3A : vector<2048x1xf32> to vector<2048x128xf32>
    %mul3A_32 = arith.mulf %max3A_30, %mul3A_31 : vector<2048x128xf32>
    %get3A_33 = arith.constant 0 : index
    %get3A_34 = arith.constant 0 : index
    %get3A_35 = vector.load %arg3[%get3A_33, %get3A_34] : memref<128x128xf32, #tpu.memory_space<vmem>>, vector<128x128xf32>
    %dot_general3A = arith.constant dense<0.000000e+00> : vector<2048x128xf32>
    %dot_general3A_36 = tpu.matmul %mul3A_32, %get3A_35, %dot_general3A {dimension_numbers = #tpu.dot_dimension_numbers<[1], [0], [0], [1], [0, 0, 1, 1], [], []>, transpose_lhs_hint = false} : vector<2048x128xf32>, vector<128x128xf32>, vector<2048x128xf32> -> vector<2048x128xf32>
    %swap3A = arith.constant 0 : index
    %swap3A_37 = arith.constant 0 : index
    %swap3A_38 = vector.load %arg5[%swap3A, %swap3A_37] : memref<2048x128xf32, #tpu.memory_space<vmem>>, vector<2048x128xf32>
    tpu.vector_store %arg5[%swap3A, %swap3A_37], %dot_general3A_36 {strides = array<i32>} : memref<2048x128xf32, #tpu.memory_space<vmem>>, vector<2048x128xf32>,
    return
  }
  func.func @transform_0(%arg0: i32) -> (i32, i32, i32) {
    %c0_i32 = arith.constant 0 : i32
    %c0_i32_0 = arith.constant 0 : i32
    %c0_i32_1 = arith.constant 0 : i32
    return %c0_i32, %arg0, %c0_i32_0 : i32, i32, i32
  }
  func.func @transform_1(%arg0: i32) -> (i32, i32, i32) {
    %c0_i32 = arith.constant 0 : i32
    %c0_i32_0 = arith.constant 0 : i32
    %c0_i32_1 = arith.constant 0 : i32
    return %c0_i32, %arg0, %c0_i32_0 : i32, i32, i32
  }
  func.func @transform_2(%arg0: i32) -> (i32, i32) {
    %c0_i32 = arith.constant 0 : i32
    %c0_i32_0 = arith.constant 0 : i32
    %c0_i32_1 = arith.constant 0 : i32
    return %c0_i32, %c0_i32_0 : i32, i32
  }
  func.func @transform_3(%arg0: i32) -> (i32, i32) {
    %c0_i32 = arith.constant 0 : i32
    %c0_i32_0 = arith.constant 0 : i32
    %c0_i32_1 = arith.constant 0 : i32
    return %c0_i32, %c0_i32_0 : i32, i32
  }
  func.func @transform_4(%arg0: i32) -> (i32, i32) {
    %c0_i32 = arith.constant 0 : i32
    %c0_i32_0 = arith.constant 0 : i32
    return %arg0, %c0_i32 : i32, i32
  }
}

module attributes {stable_mosaic.version = 14 : i64} {
  func.func @_tc3_body(%arg0: i32, %arg1: memref<2x2048x128xf32, #tpu.memory_space<vmem>>, %arg2: memref<2x2048x1xf32, #tpu.memory_space<vmem>>, %arg3: memref<1x128xf32, #tpu.memory_space<vmem>>, %arg4: memref<128x1xf32, #tpu.memory_space<vmem>>, %arg5: memref<1x1xf32, #tpu.memory_space<vmem>>, %arg6: memref<2048x1xf32, #tpu.memory_space<vmem>>) attributes {dimension_semantics = [#tpu.dimension_semantics<arbitrary>], iteration_bounds = array<i64: 5>, scalar_prefetch = 0 : i64, scratch_operands = 0 : i64, tpu.core_type = #tpu.core_type<tc>, window_params = [{transform_indices = @transform_0, window_bounds = array<i64: 2, 2048, 128>}, {transform_indices = @transform_1, window_bounds = array<i64: 2, 2048, 1>}, {pipeline_mode = #tpu.pipeline_mode<synchronous>, transform_indices = @transform_2, window_bounds = array<i64: 1, 128>}, {pipeline_mode = #tpu.pipeline_mode<synchronous>, transform_indices = @transform_3, window_bounds = array<i64: 128, 1>}, {pipeline_mode = #tpu.pipeline_mode<synchronous>, transform_indices = @transform_4, window_bounds = array<i64: 1, 1>}, {transform_indices = @transform_5, window_bounds = array<i64: 2048, 1>}]} {
    %get3A = arith.constant 0 : index
    %get3A_0 = arith.constant 0 : index
    %get3A_1 = arith.constant 0 : index
    %get3A_2 = vector.load %arg2[%get3A, %get3A_0, %get3A_1] : memref<2x2048x1xf32, #tpu.memory_space<vmem>>, vector<1x2048x1xf32>
    %get3A_3 = vector.shape_cast %get3A_2 : vector<1x2048x1xf32> to vector<2048x1xf32>
    %get3A_4 = arith.constant 1 : index
    %get3A_5 = arith.constant 0 : index
    %get3A_6 = arith.constant 0 : index
    %get3A_7 = vector.load %arg2[%get3A_4, %get3A_5, %get3A_6] : memref<2x2048x1xf32, #tpu.memory_space<vmem>>, vector<1x2048x1xf32>
    %get3A_8 = vector.shape_cast %get3A_7 : vector<1x2048x1xf32> to vector<2048x1xf32>
    %add3A = arith.addf %get3A_3, %get3A_8 : vector<2048x1xf32>
    %mul3A = arith.constant 5.000000e-01 : f32
    %mul3A_9 = vector.broadcast %mul3A : f32 to vector<2048x1xf32>
    %mul3A_10 = arith.mulf %add3A, %mul3A_9 : vector<2048x1xf32>
    %rsqrt3A = math.rsqrt %mul3A_10 : vector<2048x1xf32>
    %get3A_11 = arith.constant 0 : index
    %get3A_12 = arith.constant 0 : index
    %get3A_13 = arith.constant 0 : index
    %get3A_14 = vector.load %arg1[%get3A_11, %get3A_12, %get3A_13] : memref<2x2048x128xf32, #tpu.memory_space<vmem>>, vector<1x2048x128xf32>
    %get3A_15 = vector.shape_cast %get3A_14 : vector<1x2048x128xf32> to vector<2048x128xf32>
    %get3A_16 = arith.constant 1 : index
    %get3A_17 = arith.constant 0 : index
    %get3A_18 = arith.constant 0 : index
    %get3A_19 = vector.load %arg1[%get3A_16, %get3A_17, %get3A_18] : memref<2x2048x128xf32, #tpu.memory_space<vmem>>, vector<1x2048x128xf32>
    %get3A_20 = vector.shape_cast %get3A_19 : vector<1x2048x128xf32> to vector<2048x128xf32>
    %add3A_21 = arith.addf %get3A_15, %get3A_20 : vector<2048x128xf32>
    %mul3A_22 = vector.broadcast %rsqrt3A : vector<2048x1xf32> to vector<2048x128xf32>
    %mul3A_23 = arith.mulf %add3A_21, %mul3A_22 : vector<2048x128xf32>
    %get3A_24 = arith.constant 0 : index
    %get3A_25 = arith.constant 0 : index
    %get3A_26 = vector.load %arg3[%get3A_24, %get3A_25] : memref<1x128xf32, #tpu.memory_space<vmem>>, vector<1x128xf32>
    %add3A_27 = vector.broadcast %get3A_26 : vector<1x128xf32> to vector<2048x128xf32>
    %add3A_28 = arith.addf %mul3A_23, %add3A_27 : vector<2048x128xf32>
    %max3A = arith.constant 0.000000e+00 : f32
    %max3A_29 = vector.broadcast %max3A : f32 to vector<2048x128xf32>
    %max3A_30 = arith.maximumf %add3A_28, %max3A_29 : vector<2048x128xf32>
    %get3A_31 = arith.constant 0 : index
    %get3A_32 = arith.constant 0 : index
    %get3A_33 = vector.load %arg4[%get3A_31, %get3A_32] : memref<128x1xf32, #tpu.memory_space<vmem>>, vector<128x1xf32>
    %dot_general3A = arith.constant dense<0.000000e+00> : vector<2048x1xf32>
    %dot_general3A_34 = tpu.matmul %max3A_30, %get3A_33, %dot_general3A {dimension_numbers = #tpu.dot_dimension_numbers<[1], [0], [0], [1], [0, 0, 1, 1], [], []>, transpose_lhs_hint = false} : vector<2048x128xf32>, vector<128x1xf32>, vector<2048x1xf32> -> vector<2048x1xf32>
    %get3A_35 = arith.constant 0 : index
    %get3A_36 = arith.constant 0 : index
    %get3A_37 = vector.load %arg5[%get3A_35, %get3A_36] : memref<1x1xf32, #tpu.memory_space<vmem>>, vector<1x1xf32>
    %add3A_38 = vector.broadcast %get3A_37 : vector<1x1xf32> to vector<2048x1xf32>
    %add3A_39 = arith.addf %dot_general3A_34, %add3A_38 : vector<2048x1xf32>
    %swap3A = arith.constant 0 : index
    %swap3A_40 = arith.constant 0 : index
    %swap3A_41 = vector.load %arg6[%swap3A, %swap3A_40] : memref<2048x1xf32, #tpu.memory_space<vmem>>, vector<2048x1xf32>
    tpu.vector_store %arg6[%swap3A, %swap3A_40], %add3A_39 {strides = array<i32>} : memref<2048x1xf32, #tpu.memory_space<vmem>>, vector<2048x1xf32>,
    return
  }
  func.func @transform_0(%arg0: i32) -> (i32, i32, i32) {
    %c0_i32 = arith.constant 0 : i32
    %c0_i32_0 = arith.constant 0 : i32
    %c0_i32_1 = arith.constant 0 : i32
    return %c0_i32, %arg0, %c0_i32_0 : i32, i32, i32
  }
  func.func @transform_1(%arg0: i32) -> (i32, i32, i32) {
    %c0_i32 = arith.constant 0 : i32
    %c0_i32_0 = arith.constant 0 : i32
    %c0_i32_1 = arith.constant 0 : i32
    return %c0_i32, %arg0, %c0_i32_0 : i32, i32, i32
  }
  func.func @transform_2(%arg0: i32) -> (i32, i32) {
    %c0_i32 = arith.constant 0 : i32
    %c0_i32_0 = arith.constant 0 : i32
    %c0_i32_1 = arith.constant 0 : i32
    return %c0_i32, %c0_i32_0 : i32, i32
  }
  func.func @transform_3(%arg0: i32) -> (i32, i32) {
    %c0_i32 = arith.constant 0 : i32
    %c0_i32_0 = arith.constant 0 : i32
    %c0_i32_1 = arith.constant 0 : i32
    return %c0_i32, %c0_i32_0 : i32, i32
  }
  func.func @transform_4(%arg0: i32) -> (i32, i32) {
    %c0_i32 = arith.constant 0 : i32
    %c0_i32_0 = arith.constant 0 : i32
    %c0_i32_1 = arith.constant 0 : i32
    return %c0_i32, %c0_i32_0 : i32, i32
  }
  func.func @transform_5(%arg0: i32) -> (i32, i32) {
    %c0_i32 = arith.constant 0 : i32
    %c0_i32_0 = arith.constant 0 : i32
    return %arg0, %c0_i32 : i32, i32
  }
}

</mosaic_0001>

<sc_bundles>
// kernel: kernel.11.cloned.1.call-start
scs
__scs_entry_jumppad:
0x0: {  	(pc) =	sbr.rel $0x88, $3  }
0x1: {  	(tag) =	ssettag $0x0;
	lr =	simm.s32 $0x1  }
0x2: {  	[smem:$0x3F95] =	sst lr;
	_ =	strace $0xD0000000  }
0x3: {  	_ = 	snop  }
0x4: {  	_ = 	snop  }
0x5: {  	_ = 	snop  }
0x6: {  	_ = 	snop  }
0x7: {  	_ = 	snop  }
__scs_overlays_trampoline_lowered:
0x8: {  	[smem:$0x3FA4] =	sst s0  }
0x9: {  	[smem:$0x3FA5] =	sst s1  }
0xa: {  	[smem:$0x3FA6] =	sst s2  }
0xb: {  	[smem:$0x3FA7] =	sst s3  }
0xc: {  	[smem:$0x3FA8] =	sst s4  }
0xd: {  	[smem:$0x3FA9] =	sst s5  }
0xe: {  	[smem:$0x3FAA] =	sst s6  }
0xf: {  	[smem:$0x3FAB] =	sst s7  }
0x10: {  	[smem:$0x3FAC] =	sst s8  }
0x11: {  	[smem:$0x3FAD] =	sst s9;
	s0 =	simm.s32 @!p0 $0x0  }
0x12: {  	s1 =	sld [smem:$0x3F93];
	s0 =	simm.s32 @p0 $0x1  }
0x13: {  	[smem:$0x3FAE] =	sst s0;
	s0 =	simm.s32 @!p1 $0x0  }
0x14: {  	s2 =	sld [smem:$0x3F92];
	s0 =	simm.s32 @p1 $0x1  }
0x15: {  	[smem:$0x3FAF] =	sst s0;
	s0 =	simm.s32 @!p2 $0x0  }
0x16: {  	s3 =	sld [smem:$0x3FDB];
	s0 =	simm.s32 @p2 $0x1  }
0x17: {  	s4 =	simm.s32 $0x1BF5;
	[smem:$0x3FB1] =	sst s0  }
0x18: {  	s0 =	sld [smem:$0x3F94];
	_ =	swait.ge [sflag:s4], $0x0  }
0x19: {  	s7 =	sld [smem:$0x3F95]  }
0x1a: {  	s8 =	sadd.s32 $0xFFFFE003, lr  }
0x1b: {  	s9 =	sadd.s32 $0xFFFFFEF7, lr;
	s5 =	simm.s32 $0xFFFFFFFF;
	p2 =	slt.u32 s8, $0xFFFFF086  }
0x1c: {  	p1 =	slt.u32 s9, $0xF7A;
	s5 =	simm.s32 @!p2 $0x0  }
0x1d: {  	s5 =	simm.s32 @p1 $0x1;
	p0 =	seq.s32 s7, s2  }
0x1e: {  	s7 =	smul.u32 @!p0 $0xF7A, s2;
	p2 =	seq.s32 @!p0 s5, $0x0  }
0x1f: {  	s9 =	smul.u32 $0xF7A, s1;
	s8 =	simm.s32 @!p0 $0x1BF5;
	p2 =	por !p2, p0  }
0x20: {  	[sflag:s8] =	ssyncset.s32 @!p0 $0xFFFFF086;
	s6 =	sadd.s32 @!p0 s3, s7;
	s7 =	simm.s32 @!p0 $0x108  }
0x21: {  	s3 =	sadd.s32 s3, s9;
	s6 =	sadd.s32 @!p0 $0x88, s6;
	s7 =	simm.s32 @p2 $0x1082  }
0x22: {  	[simem:s7], [sflag:s8] =	dma.local @!p0 [hbm:s6], $0xF7A  }
0x23: {  	s9 =	sor.u32 $0xD0000000, s2;
	s6 =	simm.s32 $0x108;
	_ =	swait.ge @!p0 [sflag:s8], $0x0  }
0x24: {  	s3 =	sadd.s32 $0x88, s3;
	s6 =	simm.s32 @!p1 $0x1082;
	[sflag:s4] =	ssyncset.s32 $0xFFFFF086  }
0x25: {  	[simem:s6], [sflag:s4] =	dma.local [hbm:s3], $0xF7A  }
0x26: {  	[smem:$0x3F95] =	sst s1;
	(tag) =	ssettag s2;
	_ =	strace s9  }
0x27: {  	s1 =	sld [smem:$0x3FA5]  }
0x28: {  	s2 =	sld [smem:$0x3FA6]  }
0x29: {  	s4 =	sld [smem:$0x3FA8]  }
0x2a: {  	p0 =	seq.s32 s5, $0x0;
	s5 =	sld [smem:$0x3FA9]  }
0x2b: {  	s6 =	sld [smem:$0x3FAA]  }
0x2c: {  	s7 =	sld [smem:$0x3FAB]  }
0x2d: {  	s3 =	simm.s32 $0x108;
	s8 =	sld [smem:$0x3FAC]  }
0x2e: {  	s3 =	simm.s32 @!p0 $0x1082;
	s9 =	sld [smem:$0x3FAD]  }
0x2f: {  	lr =	sadd.s32 s0, s3;
	s0 =	sld [smem:$0x3FA4]  }
0x30: {  	s3 =	sld [smem:$0x3FA7]  }
0x31: {  	[smem:$0x3FB0] =	sst s10  }
0x32: {  	s10 =	sld [smem:$0x3FAE];
	_ =	sdelay $0x3  }
0x33: {  	p0 =	seq.s32 s10, $0x1;
	s10 =	sld [smem:$0x3FB0];
	_ =	sdelay $0x3  }
0x34: {  	[smem:$0x3FB0] =	sst s10  }
0x35: {  	s10 =	sld [smem:$0x3FAF];
	_ =	sdelay $0x3  }
0x36: {  	p1 =	seq.s32 s10, $0x1;
	s10 =	sld [smem:$0x3FB0];
	_ =	sdelay $0x3  }
0x37: {  	[smem:$0x3FB0] =	sst s10  }
0x38: {  	s10 =	sld [smem:$0x3FB1]  }
0x39: {  	_ = 	snop;
	(pc) =	sbr.ind lr, $3  }
0x3a: {  	_ = 	snop  }
0x3b: {  	_ = 	snop  }
0x3c: {  	p2 =	seq.s32 s10, $0x1;
	s10 =	sld [smem:$0x3FB0]  }
0x3d: {  	_ =	shalt  }
0x3e: {  	_ =	shalt  }
0x3f: {  	_ =	shalt  }
0x40: {  	_ =	shalt  }
0x41: {  	_ =	shalt  }
0x42: {  	_ =	shalt  }
0x43: {  	_ =	shalt  }
0x44: {  	_ =	shalt  }
0x45: {  	_ =	shalt  }
0x46: {  	_ =	shalt  }
0x47: {  	_ =	shalt  }
0x48: {  	_ =	shalt  }
0x49: {  	_ =	shalt  }
0x4a: {  	_ =	shalt  }
0x4b: {  	_ =	shalt  }
0x4c: {  	_ =	shalt  }
0x4d: {  	_ =	shalt  }
0x4e: {  	_ =	shalt  }
0x4f: {  	_ =	shalt  }
0x50: {  	_ =	shalt  }
0x51: {  	_ =	shalt  }
0x52: {  	_ =	shalt  }
0x53: {  	_ =	shalt  }
0x54: {  	_ =	shalt  }
0x55: {  	_ =	shalt  }
0x56: {  	_ =	shalt  }
0x57: {  	_ =	shalt  }
0x58: {  	_ =	shalt  }
0x59: {  	_ =	shalt  }
0x5a: {  	_ =	shalt  }
0x5b: {  	_ =	shalt  }
0x5c: {  	_ =	shalt  }
0x5d: {  	_ =	shalt  }
0x5e: {  	_ =	shalt  }
0x5f: {  	_ =	shalt  }
0x60: {  	_ =	shalt  }
0x61: {  	_ =	shalt  }
0x62: {  	_ =	shalt  }
0x63: {  	_ =	shalt  }
0x64: {  	_ =	shalt  }
0x65: {  	_ =	shalt  }
0x66: {  	_ =	shalt  }
0x67: {  	_ =	shalt  }
0x68: {  	_ =	shalt  }
0x69: {  	_ =	shalt  }
0x6a: {  	_ =	shalt  }
0x6b: {  	_ =	shalt  }
0x6c: {  	_ =	shalt  }
0x6d: {  	_ =	shalt  }
0x6e: {  	_ =	shalt  }
0x6f: {  	_ =	shalt  }
0x70: {  	_ =	shalt  }
0x71: {  	_ =	shalt  }
0x72: {  	_ =	shalt  }
0x73: {  	_ =	shalt  }
0x74: {  	_ =	shalt  }
0x75: {  	_ =	shalt  }
0x76: {  	_ =	shalt  }
0x77: {  	_ =	shalt  }
0x78: {  	_ =	shalt  }
0x79: {  	_ =	shalt  }
0x7a: {  	_ =	shalt  }
0x7b: {  	_ =	shalt  }
0x7c: {  	_ =	shalt  }
0x7d: {  	_ =	shalt  }
0x7e: {  	_ =	shalt  }
0x7f: {  	_ =	shalt  }
0x80: {  	_ =	shalt  }
0x81: {  	_ =	shalt  }
0x82: {  	_ =	shalt  }
0x83: {  	_ =	shalt  }
0x84: {  	_ =	shalt  }
0x85: {  	_ =	shalt  }
0x86: {  	_ =	shalt  }
0x87: {  	_ =	shalt  }
.Lfunc_end0:
.L_simem_size_0:
called_computation.1_lowered:
.L_overlay_start_0:
0x88: {  	s2 =	sld [smem:$0x3FD9]  }
0x89: {  	s3 =	sld [smem:$0x3FFE];
	_ =	sdelay $0x1  }
0x8a: {  	s1 =	srdreg.scid  }
0x8b: {  	s0 =	sand.u32 $0x1, s1  }
0x8c: {  	s16 =	sshll.u32 s0, $0xA;
	s2 =	sadd.s32 s3, s2  }
0x8d: {  	s2 =	sadd.s32 s2, s16  }
0x8e: {  	[smem:$0x3FBC] =	sst s2  }
0x8f: {  	_ = 	snop  }
0x90: {  	(tm) =	ssettm $0x1  }
0x91: {  	s17 =	sld [smem:$0x3FFB];
	_ =	sdelay $0x3  }
0x92: {  	_ =	strace s17  }
0x93: {  	s2 =	sld [smem:$0x3FFC];
	_ =	sdelay $0x3  }
0x94: {  	_ =	strace s2  }
0x95: {  	s2 =	sld [smem:$0x3FFD];
	_ =	sdelay $0x3  }
0x96: {  	_ =	strace s2  }
0x97: {  	_ =	strace $0x8FFFFFFF  }
0x98: {  	s18 =	sld [smem:$0x3FDB];
	_ =	sdelay $0x1  }
0x99: {  	s19 =	simm.s32 $_scs_section_size  }
0x9a: {  	s4 =	simm.s32 $_size__tile_overlayer_lowered;
	s5 =	simm.s32 $_tile_overlayer_lowered  }
0x9b: {  	s22 =	simm.s32 $0x1BFF;
	s21 =	sshll.u32 s5, $0x1;
	s2 =	sadd.s32 s19, s18  }
0x9c: {  	s6 =	simm.s32 $0x0;
	s20 =	sshll.u32 s4, $0x1;
	s4 =	sadd.s32 s21, s2  }
0x9d: {  	[timem:s6], [sflag:s22] =	dma.local [hbm:s4], s20  }
0x9e: {  	_ =	swait.ge [sflag:s22], s20  }
0x9f: {  	s3 =	ssub.s32 $0x0, s20;
	[sflag:s22] =	ssyncset.done $0x0  }
0xa0: {  	[sflag:s22] =	ssyncadd.s32 s3;
	_ =	sdelay $0x1  }
0xa1: {  	s23 =	simm.s32 $0x1B8B  }
0xa2: {  	_ =	swait.ge [sflag:s23], $0x1  }
0xa3: {  	[sflag:s23] =	ssyncset.done $0x0  }
0xa4: {  	s25 =	simm.s32 $0x1B8E;
	s24 =	sld [smem:$0x3FFE];
	[sflag:s23] =	ssyncadd.s32 $0xFFFFFFFF  }
0xa5: {  	s26 =	simm.s32 $execute0_lowered;
	[smem:$0x3FD2] =	sst s25  }
0xa6: {  	s4 =	sshll.u32 s26, $0x1;
	_ =	strace $0x80000049;
	[dreg:$0x1] =	wrdreg $0xFFFFFFFF  }
0xa7: {  	s28 =	simm.s32 $_size_execute0_lowered;
	s2 =	sadd.s32 s2, s4;
	[dreg:$0x0] =	wrdreg $0x0  }
0xa8: {  	s4 =	sshll.u32 s28, $0x1;
	[dreg:$0x2] =	wrdreg s2  }
0xa9: {  	[dreg:$0x3] =	wrdreg s4  }
0xaa: {  	[dreg:$0x4] =	wrdreg $0xC0  }
0xab: {  	_ =	task [dreg:s6], $0x5FFFF  }
0xac: {  	[dreg:$0x1] =	wrdreg $0xFFFFFFFF  }
0xad: {  	[dreg:$0x0] =	wrdreg $0x60  }
0xae: {  	[dreg:$0x2] =	wrdreg s24  }
0xaf: {  	[dreg:$0x3] =	wrdreg $0xB0000  }
0xb0: {  	[dreg:$0x4] =	wrdreg $0x9  }
0xb1: {  	_ =	task.clear_ibuf [dreg:s6], $0x5FFFF;
	_ =	strace $0x90000049  }
0xb2: {  	s29 =	simm.s32 $0x9;
	_ =	strace $0x8000004B  }
0xb3: {  	_ =	swait.ge [sflag:s29], $0x1  }
0xb4: {  	[sflag:s29] =	ssyncadd.s32 $0xFFFFFFFF  }
0xb5: {  	_ =	strace $0x9000004B  }
0xb6: {  	_ =	sfence  }
0xb7: {  	s30 =	sld [smem:$0x0];
	_ =	sdelay $0x2  }
0xb8: {  	s31 =	sshll.u32 s1, $0xD;
	s1 =	sshrl.u32 s1, $0x2  }
0xb9: {  	s3 =	sand.u32 $0x4000, s31;
	s1 =	sadd.s32 s1, s30  }
0xba: {  	s0 =	sor.u32 s3, s0;
	s1 =	sshll.u32 s1, $0x11  }
0xbb: {  	s0 =	sor.u32 s1, s0  }
0xbc: {  	s0 =	sadd.s32 $0x8F2B, s0  }
0xbd: {  	[sflag:s0] =	ssyncadd.remote.s32 $0x1  }
0xbe: {  	_ =	sfence.sel $0xFFFF  }
0xbf: {  	[dreg:$0x0] =	wrdreg $0xFFFFFFFF;
	(pc) =	sbr.abs _section_cstart, $3  }
0xc0: {  	[dreg:$0x1] =	wrdreg $0xFFFFFFFF  }
0xc1: {  	_ =	task.clear_ibuf [dreg:s6], $0x2FFFF;
	_ =	strace $0x9FFFFFFF  }
0xc2: {  	(tm) =	ssettm $0x7FFFFFFF  }
0xc3: {  	_ =	shalt  }
tec
execute0_lowered:
.L_overlay_start_1:
0x0: {  	(tag) =	ssettag $0x1  }
0x1: {  	s0 =	rddreg [dreg:$0x0]  }
0x2: {  	s1 =	rddreg [dreg:$0x1];
	s2 =	srdreg.scid;
	s3 =	simm.s32 $0x0  }
0x3: {  	s8 =	stileid.u32;
	s16 =	simm.s32 $0x1800;
	s17 =	simm.s32 $0x3000  }
0x4: {  	s18 =	simm.s32 $0x5;
	s19 =	simm.s32 $0x1;
	s20 =	simm.s32 $0x2  }
0x5: {  	s21 =	simm.s32 $0x80;
	s22 =	simm.s32 $0x7000;
	s23 =	simm.s32 $0x3  }
0x6: {  	s29 =	simm.s32 $0x2B80;
	s30 =	simm.s32 $0x0;
	s2 =	sand.u32 $0x1, s2  }
0x7: {  	[smem:$0x7FF] =	sst s3;
	s6 =	smul.u32 $0x14000, s8;
	s4 =	sadd.s32 $0x68E00, s0  }
0x8: {  	s12 =	sadd.s32 $0xDE00, s0;
	s13 =	sadd.s32 $0x2400, s0;
	s25 =	smul.u32 $0x50000, s8  }
0x9: {  	s24 =	sshll.u32 s8, $0x1;
	s5 =	smul.u32 $0x140000, s2;
	_ =	strace $0x8000004A  }
0xa: {  	s7 =	ssub.s32 $0x2, s2;
	s2 =	sor.u32 s2, s24;
	s24 =	simm.s32 $0x4  }
0xb: {  	s26 =	sshrl.u32 s7, $0x1;
	s28 =	smul.u32 $0x580, s2;
	s31 =	sshrl.u32 s25, $0x2  }
0xc: {  	s2 =	smul.u32 $0x2C00, s2;
	s5 =	sadd.s32 s6, s5;
	s15 =	ssub.s32 s7, s26  }
0xd: {  	s7 =	sadd.s32 s31, s1;
	s5 =	sshrl.u32 s5, $0x3;
	s6 =	sadd.s32 s13, s28  }
0xe: {  	s8 =	sadd.s32 $0x4000, s7;
	s9 =	sadd.s32 $0x8000, s7;
	s2 =	sshrl.u32 s2, $0x3  }
0xf: {  	s10 =	sadd.s32 $0xC000, s7;
	s11 =	sadd.s32 $0x10000, s7;
	s15 =	smax.u32 s15, $0x1  }
0x10: {  	s0 =	sadd.s32 s5, s0;
	s5 =	sadd.s32 s12, s28;
	s2 =	sadd.s32 $0x300, s2  }
0x11: {  	v0 =	vimm.f32 $0.0e+00;
	s12 =	sadd.s32 s12, s2;
	s13 =	sadd.s32 s13, s2;
	s14 =	sadd.s32 $0x90000, s0  }
.LBB2_1:
0x12: {  	[tilespmem:s3], [sflag:$0x1] =	stream.linear.gather [hbm4b:s5+s3], $0x1800, $0x38;
	[tilespmem:$0x1F000] =	vst v63  }
0x13: {  	s0 =	simm.s32 $0x0;
	s31 =	simm.s32 $0x200  }
0x14: {  	[tilespmem:s16], [sflag:$0x2] =	stream.linear.gather [hbm4b:s6+s3], $0x1800, $0x38;
	[tilespmem:$0x1F000] =	vst v63  }
.LBB2_2:
0x15: {  	p0 =	sne.s32 s31, $0xFE00;
	[tilespmem:s0+$0x3070] =	vst v0  }
0x16: {  	[tilespmem:s0+$0x3000] =	vst v0  }
0x17: {  	[tilespmem:s0+$0x3010] =	vst v0  }
.Ltmp0:
0x18: {  	[tilespmem:s0+$0x3020] =	vst v0;
	(pc) =	sbr.rel @p0 .LBB2_2-.Ltmp0, $4  }
0x19: {  	[tilespmem:s0+$0x3030] =	vst v0  }
0x1a: {  	[tilespmem:s0+$0x3040] =	vst v0  }
0x1b: {  	[tilespmem:s0+$0x3050] =	vst v0  }
0x1c: {  	[tilespmem:s0+$0x3060] =	vst v0;
	s0 =	sshra.s32 s31, $0x2;
	s31 =	sadd.s32 $0x200, s31  }
0x1d: {  	[tilespmem:s0+$0x3070] =	vst v0  }
0x1e: {  	[tilespmem:s0+$0x3000] =	vst v0  }
0x1f: {  	[tilespmem:s0+$0x3010] =	vst v0  }
0x20: {  	[tilespmem:s0+$0x3020] =	vst v0  }
0x21: {  	[tilespmem:s0+$0x3030] =	vst v0  }
0x22: {  	[tilespmem:s0+$0x3040] =	vst v0  }
0x23: {  	[tilespmem:s0+$0x3050] =	vst v0  }
0x24: {  	[tilespmem:s0+$0x3060] =	vst v0  }
0x25: {  	[spmem:s7] =	stream.linear.scatter [tilespmem:s17], [sflag:$0x5], $0x4000, $0x38;
	[tilespmem:$0x1F000] =	vst v63  }
0x26: {  	_ =	swait.ge [sflag:s18], $0x4000  }
0x27: {  	[sflag:s18] =	ssyncset.done $0x0  }
0x28: {  	[sflag:s18] =	ssyncadd.s32 $0xFFFFC000  }
0x29: {  	[spmem:s8] =	stream.linear.scatter [tilespmem:s17], [sflag:$0x5], $0x4000, $0x38;
	[tilespmem:$0x1F000] =	vst v63  }
0x2a: {  	_ =	swait.ge [sflag:s18], $0x4000  }
0x2b: {  	[sflag:s18] =	ssyncset.done $0x0  }
0x2c: {  	[sflag:s18] =	ssyncadd.s32 $0xFFFFC000  }
0x2d: {  	[spmem:s9] =	stream.linear.scatter [tilespmem:s17], [sflag:$0x5], $0x4000, $0x38;
	[tilespmem:$0x1F000] =	vst v63  }
0x2e: {  	_ =	swait.ge [sflag:s18], $0x4000  }
0x2f: {  	[sflag:s18] =	ssyncset.done $0x0  }
0x30: {  	[sflag:s18] =	ssyncadd.s32 $0xFFFFC000  }
0x31: {  	[spmem:s10] =	stream.linear.scatter [tilespmem:s17], [sflag:$0x5], $0x4000, $0x38;
	[tilespmem:$0x1F000] =	vst v63  }
0x32: {  	_ =	swait.ge [sflag:s18], $0x4000  }
0x33: {  	[sflag:s18] =	ssyncset.done $0x0  }
0x34: {  	[sflag:s18] =	ssyncadd.s32 $0xFFFFC000  }
0x35: {  	[spmem:s11] =	stream.linear.scatter [tilespmem:s17], [sflag:$0x5], $0x4000, $0x38;
	[tilespmem:$0x1F000] =	vst v63  }
0x36: {  	_ =	swait.ge [sflag:s18], $0x4000  }
0x37: {  	[sflag:s18] =	ssyncset.done $0x0  }
0x38: {  	[sflag:s18] =	ssyncadd.s32 $0xFFFFC000  }
0x39: {  	_ =	swait.ge [sflag:s19], $0x1800  }
0x3a: {  	[sflag:s19] =	ssyncset.done $0x0  }
0x3b: {  	[sflag:s19] =	ssyncadd.s32 $0xFFFFE800  }
0x3c: {  	_ =	swait.ge [sflag:s20], $0x1800  }
0x3d: {  	[sflag:s20] =	ssyncset.done $0x0  }
0x3e: {  	[sflag:s20] =	ssyncadd.s32 $0xFFFFE800  }
0x3f: {  	s28 =	simm.s32 $0x0;
	[bflag:$0x0] =	sbarrier.arrive $0xFFFF  }
0x40: {  	[tilespmem:s17], [sflag:$0x1] =	stream.indirect.gather [hbm4b:s4+s21], $0x80, s28, s21, $0xb8;
	[tilespmem:$0x1F000] =	vst v63  }
0x41: {  	s2 =	simm.s32 $0x0;
	s0 =	sand.u32 $0x7000, s28  }
0x42: {  	[tilespmem:s22], [sflag:$0x2] =	stream.indirect.gather [hbm4b:s4+s21], $0x80, s21, s21, $0xb8;
	[tilespmem:$0x1F000] =	vst v63  }
0x43: {  	s2 =	sand.u32 $0x300, s2;
	s0 =	sshrl.u32 s0, $0x2;
	_ =	swait.ge [sflag:s19], $0x4000  }
0x44: {  	s0 =	sor.u32 s2, s0;
	[sflag:s19] =	ssyncset.done $0x0  }
0x45: {  	s2 =	sadd.s32 $0x1800, s0;
	[sflag:s19] =	ssyncadd.s32 $0xFFFFC000  }
0x46: {  	[spmem:s1] =	stream.indirect.scatter.add.f32 [tilespmem:s17], [sflag:$0x3], $0x80, s2, s21, $0xb8;
	[tilespmem:$0x1F000] =	vst v63  }
0x47: {  	_ =	swait.ge [sflag:s20], $0x4000  }
0x48: {  	[sflag:s20] =	ssyncset.done $0x0  }
0x49: {  	s31 =	simm.s32 $0x400;
	s0 =	sadd.s32 $0x1880, s0;
	[sflag:s20] =	ssyncadd.s32 $0xFFFFC000  }
0x4a: {  	[spmem:s1] =	stream.indirect.scatter.add.f32 [tilespmem:s22], [sflag:$0x4], $0x80, s0, s21, $0xb8;
	[tilespmem:$0x1F000] =	vst v63  }
0x4b: {  	s25 =	sand.u32 $0xF000, s31;
	s2 =	simm.s32 $0x100;
	_ =	swait.ge [sflag:s23], $0x4000  }
0x4c: {  	s0 =	sand.u32 $0x300, s2;
	s2 =	sshrl.u32 s25, $0x2;
	[sflag:s23] =	ssyncset.done $0x0  }
0x4d: {  	s26 =	simm.s32 $0x600;
	s0 =	sor.u32 s0, s2;
	[sflag:s23] =	ssyncadd.s32 $0xFFFFC000  }
0x4e: {  	[tilespmem:s17], [sflag:$0x1] =	stream.indirect.gather [hbm4b:s4+s21], $0x80, s0, s21, $0xb8;
	[tilespmem:$0x1F000] =	vst v63  }
0x4f: {  	s28 =	simm.s32 $0x180;
	s2 =	sand.u32 $0xF000, s26;
	_ =	swait.ge [sflag:s24], $0x4000  }
0x50: {  	s25 =	sand.u32 $0x380, s28;
	s2 =	sshrl.u32 s2, $0x2;
	[sflag:s24] =	ssyncset.done $0x0  }
0x51: {  	s2 =	sor.u32 s25, s2;
	s0 =	simm.s32 $0x280;
	[sflag:s24] =	ssyncadd.s32 $0xFFFFC000  }
.LBB2_4:
0x52: {  	[tilespmem:s22], [sflag:$0x2] =	stream.indirect.gather [hbm4b:s4+s21], $0x80, s2, s21, $0xb8;
	[tilespmem:$0x1F000] =	vst v63  }
0x53: {  	s2 =	smov.u32 s0;
	s25 =	smov.u32 s31  }
0x54: {  	s26 =	sadd.s32 $0xFFFFFE80, s0;
	s28 =	sand.u32 $0x7000, s31;
	p0 =	sne.s32 s0, $0x1780  }
0x55: {  	s26 =	sand.u32 $0x300, s26;
	s28 =	sshrl.u32 s28, $0x2;
	_ =	swait.ge [sflag:s19], $0x4000  }
0x56: {  	s0 =	sadd.s32 $0x100, s0;
	s26 =	sor.u32 s26, s28;
	[sflag:s19] =	ssyncset.done $0x0  }
0x57: {  	s28 =	sadd.s32 $0x1800, s26;
	[sflag:s19] =	ssyncadd.s32 $0xFFFFC000  }
0x58: {  	[spmem:s1] =	stream.indirect.scatter.add.f32 [tilespmem:s17], [sflag:$0x3], $0x80, s28, s21, $0xb8;
	[tilespmem:$0x1F000] =	vst v63  }
0x59: {  	_ =	swait.ge [sflag:s20], $0x4000  }
0x5a: {  	s31 =	sadd.s32 $0x400, s31;
	[sflag:s20] =	ssyncset.done $0x0  }
0x5b: {  	s25 =	sadd.s32 $0x600, s25;
	s26 =	sadd.s32 $0x1880, s26;
	[sflag:s20] =	ssyncadd.s32 $0xFFFFC000  }
0x5c: {  	[spmem:s1] =	stream.indirect.scatter.add.f32 [tilespmem:s22], [sflag:$0x4], $0x80, s26, s21, $0xb8;
	[tilespmem:$0x1F000] =	vst v63  }
0x5d: {  	s28 =	sand.u32 $0xF000, s31;
	s26 =	sadd.s32 $0xFFFFFF80, s2;
	_ =	swait.ge [sflag:s23], $0x4000  }
0x5e: {  	s28 =	sshrl.u32 s28, $0x2;
	s26 =	sand.u32 $0x300, s26;
	[sflag:s23] =	ssyncset.done $0x0  }
.Ltmp1:
0x5f: {  	s26 =	sor.u32 s26, s28;
	[sflag:s23] =	ssyncadd.s32 $0xFFFFC000;
	(pc) =	sbr.rel @p0 .LBB2_4-.Ltmp1, $4  }
0x60: {  	[tilespmem:s17], [sflag:$0x1] =	stream.indirect.gather [hbm4b:s4+s21], $0x80, s26, s21, $0xb8;
	[tilespmem:$0x1F000] =	vst v63  }
0x61: {  	s25 =	sand.u32 $0xF000, s25;
	_ =	swait.ge [sflag:s24], $0x4000  }
0x62: {  	s25 =	sshrl.u32 s25, $0x2;
	s2 =	sand.u32 $0x380, s2;
	[sflag:s24] =	ssyncset.done $0x0  }
0x63: {  	s2 =	sor.u32 s2, s25;
	[sflag:s24] =	ssyncadd.s32 $0xFFFFC000  }
0x64: {  	[tilespmem:s22], [sflag:$0x2] =	stream.indirect.gather [hbm4b:s4+s21], $0x80, s2, s21, $0xb8;
	[tilespmem:$0x1F000] =	vst v63  }
0x65: {  	_ =	swait.ge [sflag:s19], $0x4000  }
0x66: {  	[sflag:s19] =	ssyncset.done $0x0  }
0x67: {  	s0 =	simm.s32 $0x2F00;
	[sflag:s19] =	ssyncadd.s32 $0xFFFFC000  }
0x68: {  	[spmem:s1] =	stream.indirect.scatter.add.f32 [tilespmem:s17], [sflag:$0x3], $0x80, s0, s21, $0xb8;
	[tilespmem:$0x1F000] =	vst v63  }
0x69: {  	_ =	swait.ge [sflag:s20], $0x4000  }
0x6a: {  	[sflag:s20] =	ssyncset.done $0x0  }
0x6b: {  	s25 =	simm.s32 $0x2F80;
	[sflag:s20] =	ssyncadd.s32 $0xFFFFC000  }
0x6c: {  	[spmem:s1] =	stream.indirect.scatter.add.f32 [tilespmem:s22], [sflag:$0x4], $0x80, s25, s21, $0xb8;
	[tilespmem:$0x1F000] =	vst v63  }
0x6d: {  	_ =	swait.ge [sflag:s23], $0x4000  }
0x6e: {  	[sflag:s23] =	ssyncset.done $0x0  }
0x6f: {  	[sflag:s23] =	ssyncadd.s32 $0xFFFFC000  }
0x70: {  	_ =	swait.ge [sflag:s24], $0x4000  }
0x71: {  	[sflag:s24] =	ssyncset.done $0x0  }
0x72: {  	s26 =	simm.s32 $0x0;
	[sflag:s24] =	ssyncadd.s32 $0xFFFFC000  }
0x73: {  	[tilespmem:s26], [sflag:$0x5] =	stream.linear.gather [hbm4b:s12+s26], $0x1400, $0x38;
	[tilespmem:$0x1F000] =	vst v63  }
0x74: {  	_ =	swait.ge [sflag:s18], $0x1400  }
0x75: {  	[sflag:s18] =	ssyncset.done $0x0  }
0x76: {  	[sflag:s18] =	ssyncadd.s32 $0xFFFFEC00  }
0x77: {  	[tilespmem:s16], [sflag:$0x5] =	stream.linear.gather [hbm4b:s13+s26], $0x1400, $0x38;
	[tilespmem:$0x1F000] =	vst v63  }
0x78: {  	_ =	swait.ge [sflag:s18], $0x1400  }
0x79: {  	[sflag:s18] =	ssyncset.done $0x0  }
0x7a: {  	[sflag:s18] =	ssyncadd.s32 $0xFFFFEC00  }
0x7b: {  	[tilespmem:s17], [sflag:$0x1] =	stream.indirect.gather [hbm4b:s4+s21], $0x80, s26, s21, $0xb8;
	[tilespmem:$0x1F000] =	vst v63  }
0x7c: {  	s28 =	simm.s32 $0x0;
	s0 =	sand.u32 $0x7000, s26  }
0x7d: {  	[tilespmem:s22], [sflag:$0x2] =	stream.indirect.gather [hbm4b:s4+s21], $0x80, s21, s21, $0xb8;
	[tilespmem:$0x1F000] =	vst v63  }
0x7e: {  	s2 =	sand.u32 $0x300, s28;
	s0 =	sshrl.u32 s0, $0x2;
	_ =	swait.ge [sflag:s19], $0x4000  }
0x7f: {  	s0 =	sor.u32 s2, s0;
	[sflag:s19] =	ssyncset.done $0x0  }
0x80: {  	s2 =	sadd.s32 $0x1800, s0;
	[sflag:s19] =	ssyncadd.s32 $0xFFFFC000  }
0x81: {  	[spmem:s1] =	stream.indirect.scatter.add.f32 [tilespmem:s17], [sflag:$0x3], $0x80, s2, s21, $0xb8;
	[tilespmem:$0x1F000] =	vst v63  }
0x82: {  	_ =	swait.ge [sflag:s20], $0x4000  }
0x83: {  	[sflag:s20] =	ssyncset.done $0x0  }
0x84: {  	s31 =	simm.s32 $0x400;
	s0 =	sadd.s32 $0x1880, s0;
	[sflag:s20] =	ssyncadd.s32 $0xFFFFC000  }
0x85: {  	[spmem:s1] =	stream.indirect.scatter.add.f32 [tilespmem:s22], [sflag:$0x4], $0x80, s0, s21, $0xb8;
	[tilespmem:$0x1F000] =	vst v63  }
0x86: {  	s25 =	sand.u32 $0xF000, s31;
	s2 =	simm.s32 $0x100;
	_ =	swait.ge [sflag:s23], $0x4000  }
0x87: {  	s0 =	sand.u32 $0x300, s2;
	s2 =	sshrl.u32 s25, $0x2;
	[sflag:s23] =	ssyncset.done $0x0  }
0x88: {  	s26 =	simm.s32 $0x600;
	s0 =	sor.u32 s0, s2;
	[sflag:s23] =	ssyncadd.s32 $0xFFFFC000  }
0x89: {  	[tilespmem:s17], [sflag:$0x1] =	stream.indirect.gather [hbm4b:s4+s21], $0x80, s0, s21, $0xb8;
	[tilespmem:$0x1F000] =	vst v63  }
0x8a: {  	s28 =	simm.s32 $0x180;
	s2 =	sand.u32 $0xF000, s26;
	_ =	swait.ge [sflag:s24], $0x4000  }
0x8b: {  	s25 =	sand.u32 $0x380, s28;
	s2 =	sshrl.u32 s2, $0x2;
	[sflag:s24] =	ssyncset.done $0x0  }
0x8c: {  	s2 =	sor.u32 s25, s2;
	s0 =	simm.s32 $0x280;
	[sflag:s24] =	ssyncadd.s32 $0xFFFFC000  }
.LBB2_6:
0x8d: {  	[tilespmem:s22], [sflag:$0x2] =	stream.indirect.gather [hbm4b:s4+s21], $0x80, s2, s21, $0xb8;
	[tilespmem:$0x1F000] =	vst v63  }
0x8e: {  	s2 =	smov.u32 s0;
	s25 =	smov.u32 s31  }
0x8f: {  	s26 =	sadd.s32 $0xFFFFFE80, s0;
	s28 =	sand.u32 $0x7000, s31;
	p0 =	sne.s32 s0, $0x1380  }
0x90: {  	s26 =	sand.u32 $0x300, s26;
	s28 =	sshrl.u32 s28, $0x2;
	_ =	swait.ge [sflag:s19], $0x4000  }
0x91: {  	s0 =	sadd.s32 $0x100, s0;
	s26 =	sor.u32 s26, s28;
	[sflag:s19] =	ssyncset.done $0x0  }
0x92: {  	s28 =	sadd.s32 $0x1800, s26;
	[sflag:s19] =	ssyncadd.s32 $0xFFFFC000  }
0x93: {  	[spmem:s1] =	stream.indirect.scatter.add.f32 [tilespmem:s17], [sflag:$0x3], $0x80, s28, s21, $0xb8;
	[tilespmem:$0x1F000] =	vst v63  }
0x94: {  	_ =	swait.ge [sflag:s20], $0x4000  }
0x95: {  	s31 =	sadd.s32 $0x400, s31;
	[sflag:s20] =	ssyncset.done $0x0  }
0x96: {  	s25 =	sadd.s32 $0x600, s25;
	s26 =	sadd.s32 $0x1880, s26;
	[sflag:s20] =	ssyncadd.s32 $0xFFFFC000  }
0x97: {  	[spmem:s1] =	stream.indirect.scatter.add.f32 [tilespmem:s22], [sflag:$0x4], $0x80, s26, s21, $0xb8;
	[tilespmem:$0x1F000] =	vst v63  }
0x98: {  	s28 =	sand.u32 $0xF000, s31;
	s26 =	sadd.s32 $0xFFFFFF80, s2;
	_ =	swait.ge [sflag:s23], $0x4000  }
0x99: {  	s28 =	sshrl.u32 s28, $0x2;
	s26 =	sand.u32 $0x300, s26;
	[sflag:s23] =	ssyncset.done $0x0  }
.Ltmp2:
0x9a: {  	s26 =	sor.u32 s26, s28;
	[sflag:s23] =	ssyncadd.s32 $0xFFFFC000;
	(pc) =	sbr.rel @p0 .LBB2_6-.Ltmp2, $4  }
0x9b: {  	[tilespmem:s17], [sflag:$0x1] =	stream.indirect.gather [hbm4b:s4+s21], $0x80, s26, s21, $0xb8;
	[tilespmem:$0x1F000] =	vst v63  }
0x9c: {  	s25 =	sand.u32 $0xF000, s25;
	_ =	swait.ge [sflag:s24], $0x4000  }
0x9d: {  	s25 =	sshrl.u32 s25, $0x2;
	s2 =	sand.u32 $0x380, s2;
	[sflag:s24] =	ssyncset.done $0x0  }
0x9e: {  	s2 =	sor.u32 s2, s25;
	[sflag:s24] =	ssyncadd.s32 $0xFFFFC000  }
0x9f: {  	[tilespmem:s22], [sflag:$0x2] =	stream.indirect.gather [hbm4b:s4+s21], $0x80, s2, s21, $0xb8;
	[tilespmem:$0x1F000] =	vst v63  }
0xa0: {  	_ =	swait.ge [sflag:s19], $0x4000  }
0xa1: {  	[sflag:s19] =	ssyncset.done $0x0  }
0xa2: {  	s0 =	simm.s32 $0x2B00;
	[sflag:s19] =	ssyncadd.s32 $0xFFFFC000  }
0xa3: {  	[spmem:s1] =	stream.indirect.scatter.add.f32 [tilespmem:s17], [sflag:$0x3], $0x80, s0, s21, $0xb8;
	[tilespmem:$0x1F000] =	vst v63  }
0xa4: {  	_ =	swait.ge [sflag:s20], $0x4000  }
0xa5: {  	[sflag:s20] =	ssyncset.done $0x0  }
0xa6: {  	[sflag:s20] =	ssyncadd.s32 $0xFFFFC000  }
0xa7: {  	[spmem:s1] =	stream.indirect.scatter.add.f32 [tilespmem:s22], [sflag:$0x4], $0x80, s29, s21, $0xb8;
	[tilespmem:$0x1F000] =	vst v63  }
0xa8: {  	_ =	swait.ge [sflag:s23], $0x4000  }
0xa9: {  	[sflag:s23] =	ssyncset.done $0x0  }
0xaa: {  	[sflag:s23] =	ssyncadd.s32 $0xFFFFC000  }
0xab: {  	s28 =	stileid.u32;
	_ =	swait.ge [sflag:s24], $0x4000  }
0xac: {  	s31 =	sshrl.u32 s7, $0x3;
	s30 =	sadd.s32 $0x1, s30;
	[sflag:s24] =	ssyncset.done $0x0  }
0xad: {  	p0 =	sne.s32 s30, s15;
	s0 =	sshll.u32 s28, $0x6;
	[sflag:s24] =	ssyncadd.s32 $0xFFFFC000  }
.Ltmp3:
0xae: {  	s0 =	sor.u32 $0x1C05, s0;
	[bflag:$0x0] =	sbarrier.arrive $0xFFFF;
	(pc) =	sbr.rel @p0 .LBB2_1-.Ltmp3, $4  }
0xaf: {  	[hbm:s14], [sflag:s0] =	dma.local [spmem:s31], $0x2800  }
0xb0: {  	_ =	swait.ge [sflag:s18], $0x2800  }
0xb1: {  	[sflag:s18] =	ssyncset.done $0x0  }
0xb2: {  	[sflag:s18] =	ssyncadd.s32 $0xFFFFD800  }
0xb3: {  	_ =	sfence.sel $0x180000  }
0xb4: {  	[bflag:$0x0] =	sbarrier.arrive $0xFFFF  }
0xb5: {  	_ =	strace $0x9000004A  }
0xb6: {  	s0 =	stileid.u32;
	[bflag:$0x2] =	sbarrier.arrive $0xFFFF  }
0xb7: {  	p0 =	sne.s32 s0, $0x0;
	s0 =	rddreg [dreg:$0x2]  }
0xb8: {  	s0 =	sadd.s32 @!p0 $0x100000, s0  }
0xb9: {  	[sflag:s0] =	ssyncadd.tile.s32 @!p0 $0x1;
	_ =	shalt  }
.Lfunc_end2:
_tile_overlayer_lowered:
.L_overlay_start_2:
0xba: {  	(tag) =	ssettag $0x2  }
0xbb: {  	s0 =	rddreg [dreg:$0x0];
	s2 =	stileid.u32  }
0xbc: {  	s1 =	rddreg [dreg:$0x1];
	p0 =	sne.s32 s2, $0x0  }
0xbd: {  	s3 =	rddreg [dreg:$0x2];
	[bflag:$0x3] =	sbarrier.arrive $0xFFFF;
	s2 =	simm.s32 @!p0 $0x1C05  }
0xbe: {  	[timem:s3], [sflag:s2] =	dma.local @!p0 [hbm:s0], s1  }
0xbf: {  	s0 =	simm.s32 @!p0 $0x5  }
0xc0: {  	_ =	swait.ge @!p0 [sflag:s0], s1  }
0xc1: {  	s1 =	ssub.s32 @!p0 $0x0, s1;
	[sflag:s0] =	ssyncset.done @!p0 $0x0  }
0xc2: {  	[sflag:s0] =	ssyncadd.s32 @!p0 s1  }
0xc3: {  	[bflag:$0x3] =	sbarrier.arrive $0xFFFF  }
0xc4: {  	_ =	shalt  }

// kernel: kernel.14.cloned.1.call-start
scs
__scs_entry_jumppad:
0x0: {  	(pc) =	sbr.rel $0x88, $3  }
0x1: {  	(tag) =	ssettag $0x0;
	lr =	simm.s32 $0x1  }
0x2: {  	[smem:$0x3F95] =	sst lr;
	_ =	strace $0xD0000000  }
0x3: {  	_ = 	snop  }
0x4: {  	_ = 	snop  }
0x5: {  	_ = 	snop  }
0x6: {  	_ = 	snop  }
0x7: {  	_ = 	snop  }
__scs_overlays_trampoline_lowered:
0x8: {  	[smem:$0x3FA4] =	sst s0  }
0x9: {  	[smem:$0x3FA5] =	sst s1  }
0xa: {  	[smem:$0x3FA6] =	sst s2  }
0xb: {  	[smem:$0x3FA7] =	sst s3  }
0xc: {  	[smem:$0x3FA8] =	sst s4  }
0xd: {  	[smem:$0x3FA9] =	sst s5  }
0xe: {  	[smem:$0x3FAA] =	sst s6  }
0xf: {  	[smem:$0x3FAB] =	sst s7  }
0x10: {  	[smem:$0x3FAC] =	sst s8  }
0x11: {  	[smem:$0x3FAD] =	sst s9;
	s0 =	simm.s32 @!p0 $0x0  }
0x12: {  	s1 =	sld [smem:$0x3F93];
	s0 =	simm.s32 @p0 $0x1  }
0x13: {  	[smem:$0x3FAE] =	sst s0;
	s0 =	simm.s32 @!p1 $0x0  }
0x14: {  	s2 =	sld [smem:$0x3F92];
	s0 =	simm.s32 @p1 $0x1  }
0x15: {  	[smem:$0x3FAF] =	sst s0;
	s0 =	simm.s32 @!p2 $0x0  }
0x16: {  	s3 =	sld [smem:$0x3FDB];
	s0 =	simm.s32 @p2 $0x1  }
0x17: {  	s4 =	simm.s32 $0x1BF5;
	[smem:$0x3FB1] =	sst s0  }
0x18: {  	s0 =	sld [smem:$0x3F94];
	_ =	swait.ge [sflag:s4], $0x0  }
0x19: {  	s7 =	sld [smem:$0x3F95]  }
0x1a: {  	s8 =	sadd.s32 $0xFFFFE003, lr  }
0x1b: {  	s9 =	sadd.s32 $0xFFFFFEF7, lr;
	s5 =	simm.s32 $0xFFFFFFFF;
	p2 =	slt.u32 s8, $0xFFFFF086  }
0x1c: {  	p1 =	slt.u32 s9, $0xF7A;
	s5 =	simm.s32 @!p2 $0x0  }
0x1d: {  	s5 =	simm.s32 @p1 $0x1;
	p0 =	seq.s32 s7, s2  }
0x1e: {  	s7 =	smul.u32 @!p0 $0xF7A, s2;
	p2 =	seq.s32 @!p0 s5, $0x0  }
0x1f: {  	s9 =	smul.u32 $0xF7A, s1;
	s8 =	simm.s32 @!p0 $0x1BF5;
	p2 =	por !p2, p0  }
0x20: {  	[sflag:s8] =	ssyncset.s32 @!p0 $0xFFFFF086;
	s6 =	sadd.s32 @!p0 s3, s7;
	s7 =	simm.s32 @!p0 $0x108  }
0x21: {  	s3 =	sadd.s32 s3, s9;
	s6 =	sadd.s32 @!p0 $0x88, s6;
	s7 =	simm.s32 @p2 $0x1082  }
0x22: {  	[simem:s7], [sflag:s8] =	dma.local @!p0 [hbm:s6], $0xF7A  }
0x23: {  	s9 =	sor.u32 $0xD0000000, s2;
	s6 =	simm.s32 $0x108;
	_ =	swait.ge @!p0 [sflag:s8], $0x0  }
0x24: {  	s3 =	sadd.s32 $0x88, s3;
	s6 =	simm.s32 @!p1 $0x1082;
	[sflag:s4] =	ssyncset.s32 $0xFFFFF086  }
0x25: {  	[simem:s6], [sflag:s4] =	dma.local [hbm:s3], $0xF7A  }
0x26: {  	[smem:$0x3F95] =	sst s1;
	(tag) =	ssettag s2;
	_ =	strace s9  }
0x27: {  	s1 =	sld [smem:$0x3FA5]  }
0x28: {  	s2 =	sld [smem:$0x3FA6]  }
0x29: {  	s4 =	sld [smem:$0x3FA8]  }
0x2a: {  	p0 =	seq.s32 s5, $0x0;
	s5 =	sld [smem:$0x3FA9]  }
0x2b: {  	s6 =	sld [smem:$0x3FAA]  }
0x2c: {  	s7 =	sld [smem:$0x3FAB]  }
0x2d: {  	s3 =	simm.s32 $0x108;
	s8 =	sld [smem:$0x3FAC]  }
0x2e: {  	s3 =	simm.s32 @!p0 $0x1082;
	s9 =	sld [smem:$0x3FAD]  }
0x2f: {  	lr =	sadd.s32 s0, s3;
	s0 =	sld [smem:$0x3FA4]  }
0x30: {  	s3 =	sld [smem:$0x3FA7]  }
0x31: {  	[smem:$0x3FB0] =	sst s10  }
0x32: {  	s10 =	sld [smem:$0x3FAE];
	_ =	sdelay $0x3  }
0x33: {  	p0 =	seq.s32 s10, $0x1;
	s10 =	sld [smem:$0x3FB0];
	_ =	sdelay $0x3  }
0x34: {  	[smem:$0x3FB0] =	sst s10  }
0x35: {  	s10 =	sld [smem:$0x3FAF];
	_ =	sdelay $0x3  }
0x36: {  	p1 =	seq.s32 s10, $0x1;
	s10 =	sld [smem:$0x3FB0];
	_ =	sdelay $0x3  }
0x37: {  	[smem:$0x3FB0] =	sst s10  }
0x38: {  	s10 =	sld [smem:$0x3FB1]  }
0x39: {  	_ = 	snop;
	(pc) =	sbr.ind lr, $3  }
0x3a: {  	_ = 	snop  }
0x3b: {  	_ = 	snop  }
0x3c: {  	p2 =	seq.s32 s10, $0x1;
	s10 =	sld [smem:$0x3FB0]  }
0x3d: {  	_ =	shalt  }
0x3e: {  	_ =	shalt  }
0x3f: {  	_ =	shalt  }
0x40: {  	_ =	shalt  }
0x41: {  	_ =	shalt  }
0x42: {  	_ =	shalt  }
0x43: {  	_ =	shalt  }
0x44: {  	_ =	shalt  }
0x45: {  	_ =	shalt  }
0x46: {  	_ =	shalt  }
0x47: {  	_ =	shalt  }
0x48: {  	_ =	shalt  }
0x49: {  	_ =	shalt  }
0x4a: {  	_ =	shalt  }
0x4b: {  	_ =	shalt  }
0x4c: {  	_ =	shalt  }
0x4d: {  	_ =	shalt  }
0x4e: {  	_ =	shalt  }
0x4f: {  	_ =	shalt  }
0x50: {  	_ =	shalt  }
0x51: {  	_ =	shalt  }
0x52: {  	_ =	shalt  }
0x53: {  	_ =	shalt  }
0x54: {  	_ =	shalt  }
0x55: {  	_ =	shalt  }
0x56: {  	_ =	shalt  }
0x57: {  	_ =	shalt  }
0x58: {  	_ =	shalt  }
0x59: {  	_ =	shalt  }
0x5a: {  	_ =	shalt  }
0x5b: {  	_ =	shalt  }
0x5c: {  	_ =	shalt  }
0x5d: {  	_ =	shalt  }
0x5e: {  	_ =	shalt  }
0x5f: {  	_ =	shalt  }
0x60: {  	_ =	shalt  }
0x61: {  	_ =	shalt  }
0x62: {  	_ =	shalt  }
0x63: {  	_ =	shalt  }
0x64: {  	_ =	shalt  }
0x65: {  	_ =	shalt  }
0x66: {  	_ =	shalt  }
0x67: {  	_ =	shalt  }
0x68: {  	_ =	shalt  }
0x69: {  	_ =	shalt  }
0x6a: {  	_ =	shalt  }
0x6b: {  	_ =	shalt  }
0x6c: {  	_ =	shalt  }
0x6d: {  	_ =	shalt  }
0x6e: {  	_ =	shalt  }
0x6f: {  	_ =	shalt  }
0x70: {  	_ =	shalt  }
0x71: {  	_ =	shalt  }
0x72: {  	_ =	shalt  }
0x73: {  	_ =	shalt  }
0x74: {  	_ =	shalt  }
0x75: {  	_ =	shalt  }
0x76: {  	_ =	shalt  }
0x77: {  	_ =	shalt  }
0x78: {  	_ =	shalt  }
0x79: {  	_ =	shalt  }
0x7a: {  	_ =	shalt  }
0x7b: {  	_ =	shalt  }
0x7c: {  	_ =	shalt  }
0x7d: {  	_ =	shalt  }
0x7e: {  	_ =	shalt  }
0x7f: {  	_ =	shalt  }
0x80: {  	_ =	shalt  }
0x81: {  	_ =	shalt  }
0x82: {  	_ =	shalt  }
0x83: {  	_ =	shalt  }
0x84: {  	_ =	shalt  }
0x85: {  	_ =	shalt  }
0x86: {  	_ =	shalt  }
0x87: {  	_ =	shalt  }
.Lfunc_end0:
.L_simem_size_0:
called_computation.2_lowered:
.L_overlay_start_0:
0x88: {  	s2 =	sld [smem:$0x3FD9]  }
0x89: {  	s3 =	sld [smem:$0x3FFE];
	_ =	sdelay $0x1  }
0x8a: {  	s1 =	srdreg.scid  }
0x8b: {  	s0 =	sand.u32 $0x1, s1  }
0x8c: {  	s16 =	sshll.u32 s0, $0xA;
	s2 =	sadd.s32 s3, s2  }
0x8d: {  	s2 =	sadd.s32 s2, s16  }
0x8e: {  	[smem:$0x3FBC] =	sst s2  }
0x8f: {  	_ = 	snop  }
0x90: {  	(tm) =	ssettm $0x1  }
0x91: {  	s17 =	sld [smem:$0x3FFB];
	_ =	sdelay $0x3  }
0x92: {  	_ =	strace s17  }
0x93: {  	s2 =	sld [smem:$0x3FFC];
	_ =	sdelay $0x3  }
0x94: {  	_ =	strace s2  }
0x95: {  	s2 =	sld [smem:$0x3FFD];
	_ =	sdelay $0x3  }
0x96: {  	_ =	strace s2  }
0x97: {  	_ =	strace $0x8FFFFFFF  }
0x98: {  	s18 =	sld [smem:$0x3FDB];
	_ =	sdelay $0x1  }
0x99: {  	s19 =	simm.s32 $_scs_section_size  }
0x9a: {  	s4 =	simm.s32 $_size__tile_overlayer_lowered;
	s5 =	simm.s32 $_tile_overlayer_lowered  }
0x9b: {  	s22 =	simm.s32 $0x1BFF;
	s21 =	sshll.u32 s5, $0x1;
	s2 =	sadd.s32 s19, s18  }
0x9c: {  	s6 =	simm.s32 $0x0;
	s20 =	sshll.u32 s4, $0x1;
	s4 =	sadd.s32 s21, s2  }
0x9d: {  	[timem:s6], [sflag:s22] =	dma.local [hbm:s4], s20  }
0x9e: {  	_ =	swait.ge [sflag:s22], s20  }
0x9f: {  	s3 =	ssub.s32 $0x0, s20;
	[sflag:s22] =	ssyncset.done $0x0  }
0xa0: {  	[sflag:s22] =	ssyncadd.s32 s3;
	_ =	sdelay $0x1  }
0xa1: {  	s23 =	simm.s32 $0x1B8B  }
0xa2: {  	_ =	swait.ge [sflag:s23], $0x1  }
0xa3: {  	[sflag:s23] =	ssyncset.done $0x0  }
0xa4: {  	s25 =	simm.s32 $0x1B8E;
	s24 =	sld [smem:$0x3FFE];
	[sflag:s23] =	ssyncadd.s32 $0xFFFFFFFF  }
0xa5: {  	s26 =	simm.s32 $execute0_lowered;
	[smem:$0x3FD2] =	sst s25  }
0xa6: {  	s4 =	sshll.u32 s26, $0x1;
	_ =	strace $0x8000004C;
	[dreg:$0x1] =	wrdreg $0xFFFFFFFF  }
0xa7: {  	s28 =	simm.s32 $_size_execute0_lowered;
	s2 =	sadd.s32 s2, s4;
	[dreg:$0x0] =	wrdreg $0x0  }
0xa8: {  	s4 =	sshll.u32 s28, $0x1;
	[dreg:$0x2] =	wrdreg s2  }
0xa9: {  	[dreg:$0x3] =	wrdreg s4  }
0xaa: {  	[dreg:$0x4] =	wrdreg $0xC0  }
0xab: {  	_ =	task [dreg:s6], $0x5FFFF  }
0xac: {  	[dreg:$0x1] =	wrdreg $0xFFFFFFFF  }
0xad: {  	[dreg:$0x0] =	wrdreg $0x60  }
0xae: {  	[dreg:$0x2] =	wrdreg s24  }
0xaf: {  	[dreg:$0x3] =	wrdreg $0xB0000  }
0xb0: {  	[dreg:$0x4] =	wrdreg $0x9  }
0xb1: {  	_ =	task.clear_ibuf [dreg:s6], $0x5FFFF;
	_ =	strace $0x9000004C  }
0xb2: {  	s29 =	simm.s32 $0x9;
	_ =	strace $0x8000004E  }
0xb3: {  	_ =	swait.ge [sflag:s29], $0x1  }
0xb4: {  	[sflag:s29] =	ssyncadd.s32 $0xFFFFFFFF  }
0xb5: {  	_ =	strace $0x9000004E  }
0xb6: {  	_ =	sfence  }
0xb7: {  	s30 =	sld [smem:$0x0];
	_ =	sdelay $0x2  }
0xb8: {  	s31 =	sshll.u32 s1, $0xD;
	s1 =	sshrl.u32 s1, $0x2  }
0xb9: {  	s3 =	sand.u32 $0x4000, s31;
	s1 =	sadd.s32 s1, s30  }
0xba: {  	s0 =	sor.u32 s3, s0;
	s1 =	sshll.u32 s1, $0x11  }
0xbb: {  	s0 =	sor.u32 s1, s0  }
0xbc: {  	s0 =	sadd.s32 $0x8F2B, s0  }
0xbd: {  	[sflag:s0] =	ssyncadd.remote.s32 $0x1  }
0xbe: {  	_ =	sfence.sel $0xFFFF  }
0xbf: {  	[dreg:$0x0] =	wrdreg $0xFFFFFFFF;
	(pc) =	sbr.abs _section_cstart, $3  }
0xc0: {  	[dreg:$0x1] =	wrdreg $0xFFFFFFFF  }
0xc1: {  	_ =	task.clear_ibuf [dreg:s6], $0x2FFFF;
	_ =	strace $0x9FFFFFFF  }
0xc2: {  	(tm) =	ssettm $0x7FFFFFFF  }
0xc3: {  	_ =	shalt  }
tec
execute0_lowered:
.L_overlay_start_1:
0x0: {  	(tag) =	ssettag $0x1  }
0x1: {  	s0 =	rddreg [dreg:$0x0]  }
0x2: {  	s1 =	rddreg [dreg:$0x1];
	s2 =	srdreg.scid;
	s3 =	simm.s32 $0x0  }
0x3: {  	s8 =	stileid.u32;
	s16 =	simm.s32 $0x1800;
	s17 =	simm.s32 $0x3000  }
0x4: {  	s18 =	simm.s32 $0x5;
	s19 =	simm.s32 $0x1;
	s20 =	simm.s32 $0x2  }
0x5: {  	s21 =	simm.s32 $0x80;
	s22 =	simm.s32 $0x7000;
	s23 =	simm.s32 $0x3  }
0x6: {  	s29 =	simm.s32 $0x2B80;
	s30 =	simm.s32 $0x0;
	s2 =	sand.u32 $0x1, s2  }
0x7: {  	[smem:$0x7FF] =	sst s3;
	s6 =	smul.u32 $0x14000, s8;
	s4 =	sadd.s32 $0x68E00, s0  }
0x8: {  	s12 =	sadd.s32 $0xDE00, s0;
	s13 =	sadd.s32 $0x2400, s0;
	s25 =	smul.u32 $0x50000, s8  }
0x9: {  	s24 =	sshll.u32 s8, $0x1;
	s5 =	smul.u32 $0x140000, s2;
	_ =	strace $0x8000004D  }
0xa: {  	s7 =	ssub.s32 $0x2, s2;
	s2 =	sor.u32 s2, s24;
	s24 =	simm.s32 $0x4  }
0xb: {  	s26 =	sshrl.u32 s7, $0x1;
	s28 =	smul.u32 $0x580, s2;
	s31 =	sshrl.u32 s25, $0x2  }
0xc: {  	s2 =	smul.u32 $0x2C00, s2;
	s5 =	sadd.s32 s6, s5;
	s15 =	ssub.s32 s7, s26  }
0xd: {  	s7 =	sadd.s32 s31, s1;
	s5 =	sshrl.u32 s5, $0x3;
	s6 =	sadd.s32 s13, s28  }
0xe: {  	s8 =	sadd.s32 $0x4000, s7;
	s9 =	sadd.s32 $0x8000, s7;
	s2 =	sshrl.u32 s2, $0x3  }
0xf: {  	s10 =	sadd.s32 $0xC000, s7;
	s11 =	sadd.s32 $0x10000, s7;
	s15 =	smax.u32 s15, $0x1  }
0x10: {  	s0 =	sadd.s32 s5, s0;
	s5 =	sadd.s32 s12, s28;
	s2 =	sadd.s32 $0x300, s2  }
0x11: {  	v0 =	vimm.f32 $0.0e+00;
	s12 =	sadd.s32 s12, s2;
	s13 =	sadd.s32 s13, s2;
	s14 =	sadd.s32 $0x90000, s0  }
.LBB2_1:
0x12: {  	[tilespmem:s3], [sflag:$0x1] =	stream.linear.gather [hbm4b:s5+s3], $0x1800, $0x38;
	[tilespmem:$0x1F000] =	vst v63  }
0x13: {  	s0 =	simm.s32 $0x0;
	s31 =	simm.s32 $0x200  }
0x14: {  	[tilespmem:s16], [sflag:$0x2] =	stream.linear.gather [hbm4b:s6+s3], $0x1800, $0x38;
	[tilespmem:$0x1F000] =	vst v63  }
.LBB2_2:
0x15: {  	p0 =	sne.s32 s31, $0xFE00;
	[tilespmem:s0+$0x3070] =	vst v0  }
0x16: {  	[tilespmem:s0+$0x3000] =	vst v0  }
0x17: {  	[tilespmem:s0+$0x3010] =	vst v0  }
.Ltmp0:
0x18: {  	[tilespmem:s0+$0x3020] =	vst v0;
	(pc) =	sbr.rel @p0 .LBB2_2-.Ltmp0, $4  }
0x19: {  	[tilespmem:s0+$0x3030] =	vst v0  }
0x1a: {  	[tilespmem:s0+$0x3040] =	vst v0  }
0x1b: {  	[tilespmem:s0+$0x3050] =	vst v0  }
0x1c: {  	[tilespmem:s0+$0x3060] =	vst v0;
	s0 =	sshra.s32 s31, $0x2;
	s31 =	sadd.s32 $0x200, s31  }
0x1d: {  	[tilespmem:s0+$0x3070] =	vst v0  }
0x1e: {  	[tilespmem:s0+$0x3000] =	vst v0  }
0x1f: {  	[tilespmem:s0+$0x3010] =	vst v0  }
0x20: {  	[tilespmem:s0+$0x3020] =	vst v0  }
0x21: {  	[tilespmem:s0+$0x3030] =	vst v0  }
0x22: {  	[tilespmem:s0+$0x3040] =	vst v0  }
0x23: {  	[tilespmem:s0+$0x3050] =	vst v0  }
0x24: {  	[tilespmem:s0+$0x3060] =	vst v0  }
0x25: {  	[spmem:s7] =	stream.linear.scatter [tilespmem:s17], [sflag:$0x5], $0x4000, $0x38;
	[tilespmem:$0x1F000] =	vst v63  }
0x26: {  	_ =	swait.ge [sflag:s18], $0x4000  }
0x27: {  	[sflag:s18] =	ssyncset.done $0x0  }
0x28: {  	[sflag:s18] =	ssyncadd.s32 $0xFFFFC000  }
0x29: {  	[spmem:s8] =	stream.linear.scatter [tilespmem:s17], [sflag:$0x5], $0x4000, $0x38;
	[tilespmem:$0x1F000] =	vst v63  }
0x2a: {  	_ =	swait.ge [sflag:s18], $0x4000  }
0x2b: {  	[sflag:s18] =	ssyncset.done $0x0  }
0x2c: {  	[sflag:s18] =	ssyncadd.s32 $0xFFFFC000  }
0x2d: {  	[spmem:s9] =	stream.linear.scatter [tilespmem:s17], [sflag:$0x5], $0x4000, $0x38;
	[tilespmem:$0x1F000] =	vst v63  }
0x2e: {  	_ =	swait.ge [sflag:s18], $0x4000  }
0x2f: {  	[sflag:s18] =	ssyncset.done $0x0  }
0x30: {  	[sflag:s18] =	ssyncadd.s32 $0xFFFFC000  }
0x31: {  	[spmem:s10] =	stream.linear.scatter [tilespmem:s17], [sflag:$0x5], $0x4000, $0x38;
	[tilespmem:$0x1F000] =	vst v63  }
0x32: {  	_ =	swait.ge [sflag:s18], $0x4000  }
0x33: {  	[sflag:s18] =	ssyncset.done $0x0  }
0x34: {  	[sflag:s18] =	ssyncadd.s32 $0xFFFFC000  }
0x35: {  	[spmem:s11] =	stream.linear.scatter [tilespmem:s17], [sflag:$0x5], $0x4000, $0x38;
	[tilespmem:$0x1F000] =	vst v63  }
0x36: {  	_ =	swait.ge [sflag:s18], $0x4000  }
0x37: {  	[sflag:s18] =	ssyncset.done $0x0  }
0x38: {  	[sflag:s18] =	ssyncadd.s32 $0xFFFFC000  }
0x39: {  	_ =	swait.ge [sflag:s19], $0x1800  }
0x3a: {  	[sflag:s19] =	ssyncset.done $0x0  }
0x3b: {  	[sflag:s19] =	ssyncadd.s32 $0xFFFFE800  }
0x3c: {  	_ =	swait.ge [sflag:s20], $0x1800  }
0x3d: {  	[sflag:s20] =	ssyncset.done $0x0  }
0x3e: {  	[sflag:s20] =	ssyncadd.s32 $0xFFFFE800  }
0x3f: {  	s28 =	simm.s32 $0x0;
	[bflag:$0x0] =	sbarrier.arrive $0xFFFF  }
0x40: {  	[tilespmem:s17], [sflag:$0x1] =	stream.indirect.gather [hbm4b:s4+s21], $0x80, s28, s21, $0xb8;
	[tilespmem:$0x1F000] =	vst v63  }
0x41: {  	s2 =	simm.s32 $0x0;
	s0 =	sand.u32 $0x7000, s28  }
0x42: {  	[tilespmem:s22], [sflag:$0x2] =	stream.indirect.gather [hbm4b:s4+s21], $0x80, s21, s21, $0xb8;
	[tilespmem:$0x1F000] =	vst v63  }
0x43: {  	s2 =	sand.u32 $0x300, s2;
	s0 =	sshrl.u32 s0, $0x2;
	_ =	swait.ge [sflag:s19], $0x4000  }
0x44: {  	s0 =	sor.u32 s2, s0;
	[sflag:s19] =	ssyncset.done $0x0  }
0x45: {  	s2 =	sadd.s32 $0x1800, s0;
	[sflag:s19] =	ssyncadd.s32 $0xFFFFC000  }
0x46: {  	[spmem:s1] =	stream.indirect.scatter.add.f32 [tilespmem:s17], [sflag:$0x3], $0x80, s2, s21, $0xb8;
	[tilespmem:$0x1F000] =	vst v63  }
0x47: {  	_ =	swait.ge [sflag:s20], $0x4000  }
0x48: {  	[sflag:s20] =	ssyncset.done $0x0  }
0x49: {  	s31 =	simm.s32 $0x400;
	s0 =	sadd.s32 $0x1880, s0;
	[sflag:s20] =	ssyncadd.s32 $0xFFFFC000  }
0x4a: {  	[spmem:s1] =	stream.indirect.scatter.add.f32 [tilespmem:s22], [sflag:$0x4], $0x80, s0, s21, $0xb8;
	[tilespmem:$0x1F000] =	vst v63  }
0x4b: {  	s25 =	sand.u32 $0xF000, s31;
	s2 =	simm.s32 $0x100;
	_ =	swait.ge [sflag:s23], $0x4000  }
0x4c: {  	s0 =	sand.u32 $0x300, s2;
	s2 =	sshrl.u32 s25, $0x2;
	[sflag:s23] =	ssyncset.done $0x0  }
0x4d: {  	s26 =	simm.s32 $0x600;
	s0 =	sor.u32 s0, s2;
	[sflag:s23] =	ssyncadd.s32 $0xFFFFC000  }
0x4e: {  	[tilespmem:s17], [sflag:$0x1] =	stream.indirect.gather [hbm4b:s4+s21], $0x80, s0, s21, $0xb8;
	[tilespmem:$0x1F000] =	vst v63  }
0x4f: {  	s28 =	simm.s32 $0x180;
	s2 =	sand.u32 $0xF000, s26;
	_ =	swait.ge [sflag:s24], $0x4000  }
0x50: {  	s25 =	sand.u32 $0x380, s28;
	s2 =	sshrl.u32 s2, $0x2;
	[sflag:s24] =	ssyncset.done $0x0  }
0x51: {  	s2 =	sor.u32 s25, s2;
	s0 =	simm.s32 $0x280;
	[sflag:s24] =	ssyncadd.s32 $0xFFFFC000  }
.LBB2_4:
0x52: {  	[tilespmem:s22], [sflag:$0x2] =	stream.indirect.gather [hbm4b:s4+s21], $0x80, s2, s21, $0xb8;
	[tilespmem:$0x1F000] =	vst v63  }
0x53: {  	s2 =	smov.u32 s0;
	s25 =	smov.u32 s31  }
0x54: {  	s26 =	sadd.s32 $0xFFFFFE80, s0;
	s28 =	sand.u32 $0x7000, s31;
	p0 =	sne.s32 s0, $0x1780  }
0x55: {  	s26 =	sand.u32 $0x300, s26;
	s28 =	sshrl.u32 s28, $0x2;
	_ =	swait.ge [sflag:s19], $0x4000  }
0x56: {  	s0 =	sadd.s32 $0x100, s0;
	s26 =	sor.u32 s26, s28;
	[sflag:s19] =	ssyncset.done $0x0  }
0x57: {  	s28 =	sadd.s32 $0x1800, s26;
	[sflag:s19] =	ssyncadd.s32 $0xFFFFC000  }
0x58: {  	[spmem:s1] =	stream.indirect.scatter.add.f32 [tilespmem:s17], [sflag:$0x3], $0x80, s28, s21, $0xb8;
	[tilespmem:$0x1F000] =	vst v63  }
0x59: {  	_ =	swait.ge [sflag:s20], $0x4000  }
0x5a: {  	s31 =	sadd.s32 $0x400, s31;
	[sflag:s20] =	ssyncset.done $0x0  }
0x5b: {  	s25 =	sadd.s32 $0x600, s25;
	s26 =	sadd.s32 $0x1880, s26;
	[sflag:s20] =	ssyncadd.s32 $0xFFFFC000  }
0x5c: {  	[spmem:s1] =	stream.indirect.scatter.add.f32 [tilespmem:s22], [sflag:$0x4], $0x80, s26, s21, $0xb8;
	[tilespmem:$0x1F000] =	vst v63  }
0x5d: {  	s28 =	sand.u32 $0xF000, s31;
	s26 =	sadd.s32 $0xFFFFFF80, s2;
	_ =	swait.ge [sflag:s23], $0x4000  }
0x5e: {  	s28 =	sshrl.u32 s28, $0x2;
	s26 =	sand.u32 $0x300, s26;
	[sflag:s23] =	ssyncset.done $0x0  }
.Ltmp1:
0x5f: {  	s26 =	sor.u32 s26, s28;
	[sflag:s23] =	ssyncadd.s32 $0xFFFFC000;
	(pc) =	sbr.rel @p0 .LBB2_4-.Ltmp1, $4  }
0x60: {  	[tilespmem:s17], [sflag:$0x1] =	stream.indirect.gather [hbm4b:s4+s21], $0x80, s26, s21, $0xb8;
	[tilespmem:$0x1F000] =	vst v63  }
0x61: {  	s25 =	sand.u32 $0xF000, s25;
	_ =	swait.ge [sflag:s24], $0x4000  }
0x62: {  	s25 =	sshrl.u32 s25, $0x2;
	s2 =	sand.u32 $0x380, s2;
	[sflag:s24] =	ssyncset.done $0x0  }
0x63: {  	s2 =	sor.u32 s2, s25;
	[sflag:s24] =	ssyncadd.s32 $0xFFFFC000  }
0x64: {  	[tilespmem:s22], [sflag:$0x2] =	stream.indirect.gather [hbm4b:s4+s21], $0x80, s2, s21, $0xb8;
	[tilespmem:$0x1F000] =	vst v63  }
0x65: {  	_ =	swait.ge [sflag:s19], $0x4000  }
0x66: {  	[sflag:s19] =	ssyncset.done $0x0  }
0x67: {  	s0 =	simm.s32 $0x2F00;
	[sflag:s19] =	ssyncadd.s32 $0xFFFFC000  }
0x68: {  	[spmem:s1] =	stream.indirect.scatter.add.f32 [tilespmem:s17], [sflag:$0x3], $0x80, s0, s21, $0xb8;
	[tilespmem:$0x1F000] =	vst v63  }
0x69: {  	_ =	swait.ge [sflag:s20], $0x4000  }
0x6a: {  	[sflag:s20] =	ssyncset.done $0x0  }
0x6b: {  	s25 =	simm.s32 $0x2F80;
	[sflag:s20] =	ssyncadd.s32 $0xFFFFC000  }
0x6c: {  	[spmem:s1] =	stream.indirect.scatter.add.f32 [tilespmem:s22], [sflag:$0x4], $0x80, s25, s21, $0xb8;
	[tilespmem:$0x1F000] =	vst v63  }
0x6d: {  	_ =	swait.ge [sflag:s23], $0x4000  }
0x6e: {  	[sflag:s23] =	ssyncset.done $0x0  }
0x6f: {  	[sflag:s23] =	ssyncadd.s32 $0xFFFFC000  }
0x70: {  	_ =	swait.ge [sflag:s24], $0x4000  }
0x71: {  	[sflag:s24] =	ssyncset.done $0x0  }
0x72: {  	s26 =	simm.s32 $0x0;
	[sflag:s24] =	ssyncadd.s32 $0xFFFFC000  }
0x73: {  	[tilespmem:s26], [sflag:$0x5] =	stream.linear.gather [hbm4b:s12+s26], $0x1400, $0x38;
	[tilespmem:$0x1F000] =	vst v63  }
0x74: {  	_ =	swait.ge [sflag:s18], $0x1400  }
0x75: {  	[sflag:s18] =	ssyncset.done $0x0  }
0x76: {  	[sflag:s18] =	ssyncadd.s32 $0xFFFFEC00  }
0x77: {  	[tilespmem:s16], [sflag:$0x5] =	stream.linear.gather [hbm4b:s13+s26], $0x1400, $0x38;
	[tilespmem:$0x1F000] =	vst v63  }
0x78: {  	_ =	swait.ge [sflag:s18], $0x1400  }
0x79: {  	[sflag:s18] =	ssyncset.done $0x0  }
0x7a: {  	[sflag:s18] =	ssyncadd.s32 $0xFFFFEC00  }
0x7b: {  	[tilespmem:s17], [sflag:$0x1] =	stream.indirect.gather [hbm4b:s4+s21], $0x80, s26, s21, $0xb8;
	[tilespmem:$0x1F000] =	vst v63  }
0x7c: {  	s28 =	simm.s32 $0x0;
	s0 =	sand.u32 $0x7000, s26  }
0x7d: {  	[tilespmem:s22], [sflag:$0x2] =	stream.indirect.gather [hbm4b:s4+s21], $0x80, s21, s21, $0xb8;
	[tilespmem:$0x1F000] =	vst v63  }
0x7e: {  	s2 =	sand.u32 $0x300, s28;
	s0 =	sshrl.u32 s0, $0x2;
	_ =	swait.ge [sflag:s19], $0x4000  }
0x7f: {  	s0 =	sor.u32 s2, s0;
	[sflag:s19] =	ssyncset.done $0x0  }
0x80: {  	s2 =	sadd.s32 $0x1800, s0;
	[sflag:s19] =	ssyncadd.s32 $0xFFFFC000  }
0x81: {  	[spmem:s1] =	stream.indirect.scatter.add.f32 [tilespmem:s17], [sflag:$0x3], $0x80, s2, s21, $0xb8;
	[tilespmem:$0x1F000] =	vst v63  }
0x82: {  	_ =	swait.ge [sflag:s20], $0x4000  }
0x83: {  	[sflag:s20] =	ssyncset.done $0x0  }
0x84: {  	s31 =	simm.s32 $0x400;
	s0 =	sadd.s32 $0x1880, s0;
	[sflag:s20] =	ssyncadd.s32 $0xFFFFC000  }
0x85: {  	[spmem:s1] =	stream.indirect.scatter.add.f32 [tilespmem:s22], [sflag:$0x4], $0x80, s0, s21, $0xb8;
	[tilespmem:$0x1F000] =	vst v63  }
0x86: {  	s25 =	sand.u32 $0xF000, s31;
	s2 =	simm.s32 $0x100;
	_ =	swait.ge [sflag:s23], $0x4000  }
0x87: {  	s0 =	sand.u32 $0x300, s2;
	s2 =	sshrl.u32 s25, $0x2;
	[sflag:s23] =	ssyncset.done $0x0  }
0x88: {  	s26 =	simm.s32 $0x600;
	s0 =	sor.u32 s0, s2;
	[sflag:s23] =	ssyncadd.s32 $0xFFFFC000  }
0x89: {  	[tilespmem:s17], [sflag:$0x1] =	stream.indirect.gather [hbm4b:s4+s21], $0x80, s0, s21, $0xb8;
	[tilespmem:$0x1F000] =	vst v63  }
0x8a: {  	s28 =	simm.s32 $0x180;
	s2 =	sand.u32 $0xF000, s26;
	_ =	swait.ge [sflag:s24], $0x4000  }
0x8b: {  	s25 =	sand.u32 $0x380, s28;
	s2 =	sshrl.u32 s2, $0x2;
	[sflag:s24] =	ssyncset.done $0x0  }
0x8c: {  	s2 =	sor.u32 s25, s2;
	s0 =	simm.s32 $0x280;
	[sflag:s24] =	ssyncadd.s32 $0xFFFFC000  }
.LBB2_6:
0x8d: {  	[tilespmem:s22], [sflag:$0x2] =	stream.indirect.gather [hbm4b:s4+s21], $0x80, s2, s21, $0xb8;
	[tilespmem:$0x1F000] =	vst v63  }
0x8e: {  	s2 =	smov.u32 s0;
	s25 =	smov.u32 s31  }
0x8f: {  	s26 =	sadd.s32 $0xFFFFFE80, s0;
	s28 =	sand.u32 $0x7000, s31;
	p0 =	sne.s32 s0, $0x1380  }
0x90: {  	s26 =	sand.u32 $0x300, s26;
	s28 =	sshrl.u32 s28, $0x2;
	_ =	swait.ge [sflag:s19], $0x4000  }
0x91: {  	s0 =	sadd.s32 $0x100, s0;
	s26 =	sor.u32 s26, s28;
	[sflag:s19] =	ssyncset.done $0x0  }
0x92: {  	s28 =	sadd.s32 $0x1800, s26;
	[sflag:s19] =	ssyncadd.s32 $0xFFFFC000  }
0x93: {  	[spmem:s1] =	stream.indirect.scatter.add.f32 [tilespmem:s17], [sflag:$0x3], $0x80, s28, s21, $0xb8;
	[tilespmem:$0x1F000] =	vst v63  }
0x94: {  	_ =	swait.ge [sflag:s20], $0x4000  }
0x95: {  	s31 =	sadd.s32 $0x400, s31;
	[sflag:s20] =	ssyncset.done $0x0  }
0x96: {  	s25 =	sadd.s32 $0x600, s25;
	s26 =	sadd.s32 $0x1880, s26;
	[sflag:s20] =	ssyncadd.s32 $0xFFFFC000  }
0x97: {  	[spmem:s1] =	stream.indirect.scatter.add.f32 [tilespmem:s22], [sflag:$0x4], $0x80, s26, s21, $0xb8;
	[tilespmem:$0x1F000] =	vst v63  }
0x98: {  	s28 =	sand.u32 $0xF000, s31;
	s26 =	sadd.s32 $0xFFFFFF80, s2;
	_ =	swait.ge [sflag:s23], $0x4000  }
0x99: {  	s28 =	sshrl.u32 s28, $0x2;
	s26 =	sand.u32 $0x300, s26;
	[sflag:s23] =	ssyncset.done $0x0  }
.Ltmp2:
0x9a: {  	s26 =	sor.u32 s26, s28;
	[sflag:s23] =	ssyncadd.s32 $0xFFFFC000;
	(pc) =	sbr.rel @p0 .LBB2_6-.Ltmp2, $4  }
0x9b: {  	[tilespmem:s17], [sflag:$0x1] =	stream.indirect.gather [hbm4b:s4+s21], $0x80, s26, s21, $0xb8;
	[tilespmem:$0x1F000] =	vst v63  }
0x9c: {  	s25 =	sand.u32 $0xF000, s25;
	_ =	swait.ge [sflag:s24], $0x4000  }
0x9d: {  	s25 =	sshrl.u32 s25, $0x2;
	s2 =	sand.u32 $0x380, s2;
	[sflag:s24] =	ssyncset.done $0x0  }
0x9e: {  	s2 =	sor.u32 s2, s25;
	[sflag:s24] =	ssyncadd.s32 $0xFFFFC000  }
0x9f: {  	[tilespmem:s22], [sflag:$0x2] =	stream.indirect.gather [hbm4b:s4+s21], $0x80, s2, s21, $0xb8;
	[tilespmem:$0x1F000] =	vst v63  }
0xa0: {  	_ =	swait.ge [sflag:s19], $0x4000  }
0xa1: {  	[sflag:s19] =	ssyncset.done $0x0  }
0xa2: {  	s0 =	simm.s32 $0x2B00;
	[sflag:s19] =	ssyncadd.s32 $0xFFFFC000  }
0xa3: {  	[spmem:s1] =	stream.indirect.scatter.add.f32 [tilespmem:s17], [sflag:$0x3], $0x80, s0, s21, $0xb8;
	[tilespmem:$0x1F000] =	vst v63  }
0xa4: {  	_ =	swait.ge [sflag:s20], $0x4000  }
0xa5: {  	[sflag:s20] =	ssyncset.done $0x0  }
0xa6: {  	[sflag:s20] =	ssyncadd.s32 $0xFFFFC000  }
0xa7: {  	[spmem:s1] =	stream.indirect.scatter.add.f32 [tilespmem:s22], [sflag:$0x4], $0x80, s29, s21, $0xb8;
	[tilespmem:$0x1F000] =	vst v63  }
0xa8: {  	_ =	swait.ge [sflag:s23], $0x4000  }
0xa9: {  	[sflag:s23] =	ssyncset.done $0x0  }
0xaa: {  	[sflag:s23] =	ssyncadd.s32 $0xFFFFC000  }
0xab: {  	s28 =	stileid.u32;
	_ =	swait.ge [sflag:s24], $0x4000  }
0xac: {  	s31 =	sshrl.u32 s7, $0x3;
	s30 =	sadd.s32 $0x1, s30;
	[sflag:s24] =	ssyncset.done $0x0  }
0xad: {  	p0 =	sne.s32 s30, s15;
	s0 =	sshll.u32 s28, $0x6;
	[sflag:s24] =	ssyncadd.s32 $0xFFFFC000  }
.Ltmp3:
0xae: {  	s0 =	sor.u32 $0x1C05, s0;
	[bflag:$0x0] =	sbarrier.arrive $0xFFFF;
	(pc) =	sbr.rel @p0 .LBB2_1-.Ltmp3, $4  }
0xaf: {  	[hbm:s14], [sflag:s0] =	dma.local [spmem:s31], $0x2800  }
0xb0: {  	_ =	swait.ge [sflag:s18], $0x2800  }
0xb1: {  	[sflag:s18] =	ssyncset.done $0x0  }
0xb2: {  	[sflag:s18] =	ssyncadd.s32 $0xFFFFD800  }
0xb3: {  	_ =	sfence.sel $0x180000  }
0xb4: {  	[bflag:$0x0] =	sbarrier.arrive $0xFFFF  }
0xb5: {  	_ =	strace $0x9000004D  }
0xb6: {  	s0 =	stileid.u32;
	[bflag:$0x2] =	sbarrier.arrive $0xFFFF  }
0xb7: {  	p0 =	sne.s32 s0, $0x0;
	s0 =	rddreg [dreg:$0x2]  }
0xb8: {  	s0 =	sadd.s32 @!p0 $0x100000, s0  }
0xb9: {  	[sflag:s0] =	ssyncadd.tile.s32 @!p0 $0x1;
	_ =	shalt  }
.Lfunc_end2:
_tile_overlayer_lowered:
.L_overlay_start_2:
0xba: {  	(tag) =	ssettag $0x2  }
0xbb: {  	s0 =	rddreg [dreg:$0x0];
	s2 =	stileid.u32  }
0xbc: {  	s1 =	rddreg [dreg:$0x1];
	p0 =	sne.s32 s2, $0x0  }
0xbd: {  	s3 =	rddreg [dreg:$0x2];
	[bflag:$0x3] =	sbarrier.arrive $0xFFFF;
	s2 =	simm.s32 @!p0 $0x1C05  }
0xbe: {  	[timem:s3], [sflag:s2] =	dma.local @!p0 [hbm:s0], s1  }
0xbf: {  	s0 =	simm.s32 @!p0 $0x5  }
0xc0: {  	_ =	swait.ge @!p0 [sflag:s0], s1  }
0xc1: {  	s1 =	ssub.s32 @!p0 $0x0, s1;
	[sflag:s0] =	ssyncset.done @!p0 $0x0  }
0xc2: {  	[sflag:s0] =	ssyncadd.s32 @!p0 s1  }
0xc3: {  	[bflag:$0x3] =	sbarrier.arrive $0xFFFF  }
0xc4: {  	_ =	shalt  }

// kernel: kernel.8.cloned.1.call-start
scs
__scs_entry_jumppad:
0x0: {  	(pc) =	sbr.rel $0x88, $3  }
0x1: {  	(tag) =	ssettag $0x0;
	lr =	simm.s32 $0x1  }
0x2: {  	[smem:$0x3F95] =	sst lr;
	_ =	strace $0xD0000000  }
0x3: {  	_ = 	snop  }
0x4: {  	_ = 	snop  }
0x5: {  	_ = 	snop  }
0x6: {  	_ = 	snop  }
0x7: {  	_ = 	snop  }
__scs_overlays_trampoline_lowered:
0x8: {  	[smem:$0x3FA4] =	sst s0  }
0x9: {  	[smem:$0x3FA5] =	sst s1  }
0xa: {  	[smem:$0x3FA6] =	sst s2  }
0xb: {  	[smem:$0x3FA7] =	sst s3  }
0xc: {  	[smem:$0x3FA8] =	sst s4  }
0xd: {  	[smem:$0x3FA9] =	sst s5  }
0xe: {  	[smem:$0x3FAA] =	sst s6  }
0xf: {  	[smem:$0x3FAB] =	sst s7  }
0x10: {  	[smem:$0x3FAC] =	sst s8  }
0x11: {  	[smem:$0x3FAD] =	sst s9;
	s0 =	simm.s32 @!p0 $0x0  }
0x12: {  	s1 =	sld [smem:$0x3F93];
	s0 =	simm.s32 @p0 $0x1  }
0x13: {  	[smem:$0x3FAE] =	sst s0;
	s0 =	simm.s32 @!p1 $0x0  }
0x14: {  	s2 =	sld [smem:$0x3F92];
	s0 =	simm.s32 @p1 $0x1  }
0x15: {  	[smem:$0x3FAF] =	sst s0;
	s0 =	simm.s32 @!p2 $0x0  }
0x16: {  	s3 =	sld [smem:$0x3FDB];
	s0 =	simm.s32 @p2 $0x1  }
0x17: {  	s4 =	simm.s32 $0x1BF5;
	[smem:$0x3FB1] =	sst s0  }
0x18: {  	s0 =	sld [smem:$0x3F94];
	_ =	swait.ge [sflag:s4], $0x0  }
0x19: {  	s7 =	sld [smem:$0x3F95]  }
0x1a: {  	s8 =	sadd.s32 $0xFFFFE003, lr  }
0x1b: {  	s9 =	sadd.s32 $0xFFFFFEF7, lr;
	s5 =	simm.s32 $0xFFFFFFFF;
	p2 =	slt.u32 s8, $0xFFFFF086  }
0x1c: {  	p1 =	slt.u32 s9, $0xF7A;
	s5 =	simm.s32 @!p2 $0x0  }
0x1d: {  	s5 =	simm.s32 @p1 $0x1;
	p0 =	seq.s32 s7, s2  }
0x1e: {  	s7 =	smul.u32 @!p0 $0xF7A, s2;
	p2 =	seq.s32 @!p0 s5, $0x0  }
0x1f: {  	s9 =	smul.u32 $0xF7A, s1;
	s8 =	simm.s32 @!p0 $0x1BF5;
	p2 =	por !p2, p0  }
0x20: {  	[sflag:s8] =	ssyncset.s32 @!p0 $0xFFFFF086;
	s6 =	sadd.s32 @!p0 s3, s7;
	s7 =	simm.s32 @!p0 $0x108  }
0x21: {  	s3 =	sadd.s32 s3, s9;
	s6 =	sadd.s32 @!p0 $0x88, s6;
	s7 =	simm.s32 @p2 $0x1082  }
0x22: {  	[simem:s7], [sflag:s8] =	dma.local @!p0 [hbm:s6], $0xF7A  }
0x23: {  	s9 =	sor.u32 $0xD0000000, s2;
	s6 =	simm.s32 $0x108;
	_ =	swait.ge @!p0 [sflag:s8], $0x0  }
0x24: {  	s3 =	sadd.s32 $0x88, s3;
	s6 =	simm.s32 @!p1 $0x1082;
	[sflag:s4] =	ssyncset.s32 $0xFFFFF086  }
0x25: {  	[simem:s6], [sflag:s4] =	dma.local [hbm:s3], $0xF7A  }
0x26: {  	[smem:$0x3F95] =	sst s1;
	(tag) =	ssettag s2;
	_ =	strace s9  }
0x27: {  	s1 =	sld [smem:$0x3FA5]  }
0x28: {  	s2 =	sld [smem:$0x3FA6]  }
0x29: {  	s4 =	sld [smem:$0x3FA8]  }
0x2a: {  	p0 =	seq.s32 s5, $0x0;
	s5 =	sld [smem:$0x3FA9]  }
0x2b: {  	s6 =	sld [smem:$0x3FAA]  }
0x2c: {  	s7 =	sld [smem:$0x3FAB]  }
0x2d: {  	s3 =	simm.s32 $0x108;
	s8 =	sld [smem:$0x3FAC]  }
0x2e: {  	s3 =	simm.s32 @!p0 $0x1082;
	s9 =	sld [smem:$0x3FAD]  }
0x2f: {  	lr =	sadd.s32 s0, s3;
	s0 =	sld [smem:$0x3FA4]  }
0x30: {  	s3 =	sld [smem:$0x3FA7]  }
0x31: {  	[smem:$0x3FB0] =	sst s10  }
0x32: {  	s10 =	sld [smem:$0x3FAE];
	_ =	sdelay $0x3  }
0x33: {  	p0 =	seq.s32 s10, $0x1;
	s10 =	sld [smem:$0x3FB0];
	_ =	sdelay $0x3  }
0x34: {  	[smem:$0x3FB0] =	sst s10  }
0x35: {  	s10 =	sld [smem:$0x3FAF];
	_ =	sdelay $0x3  }
0x36: {  	p1 =	seq.s32 s10, $0x1;
	s10 =	sld [smem:$0x3FB0];
	_ =	sdelay $0x3  }
0x37: {  	[smem:$0x3FB0] =	sst s10  }
0x38: {  	s10 =	sld [smem:$0x3FB1]  }
0x39: {  	_ = 	snop;
	(pc) =	sbr.ind lr, $3  }
0x3a: {  	_ = 	snop  }
0x3b: {  	_ = 	snop  }
0x3c: {  	p2 =	seq.s32 s10, $0x1;
	s10 =	sld [smem:$0x3FB0]  }
0x3d: {  	_ =	shalt  }
0x3e: {  	_ =	shalt  }
0x3f: {  	_ =	shalt  }
0x40: {  	_ =	shalt  }
0x41: {  	_ =	shalt  }
0x42: {  	_ =	shalt  }
0x43: {  	_ =	shalt  }
0x44: {  	_ =	shalt  }
0x45: {  	_ =	shalt  }
0x46: {  	_ =	shalt  }
0x47: {  	_ =	shalt  }
0x48: {  	_ =	shalt  }
0x49: {  	_ =	shalt  }
0x4a: {  	_ =	shalt  }
0x4b: {  	_ =	shalt  }
0x4c: {  	_ =	shalt  }
0x4d: {  	_ =	shalt  }
0x4e: {  	_ =	shalt  }
0x4f: {  	_ =	shalt  }
0x50: {  	_ =	shalt  }
0x51: {  	_ =	shalt  }
0x52: {  	_ =	shalt  }
0x53: {  	_ =	shalt  }
0x54: {  	_ =	shalt  }
0x55: {  	_ =	shalt  }
0x56: {  	_ =	shalt  }
0x57: {  	_ =	shalt  }
0x58: {  	_ =	shalt  }
0x59: {  	_ =	shalt  }
0x5a: {  	_ =	shalt  }
0x5b: {  	_ =	shalt  }
0x5c: {  	_ =	shalt  }
0x5d: {  	_ =	shalt  }
0x5e: {  	_ =	shalt  }
0x5f: {  	_ =	shalt  }
0x60: {  	_ =	shalt  }
0x61: {  	_ =	shalt  }
0x62: {  	_ =	shalt  }
0x63: {  	_ =	shalt  }
0x64: {  	_ =	shalt  }
0x65: {  	_ =	shalt  }
0x66: {  	_ =	shalt  }
0x67: {  	_ =	shalt  }
0x68: {  	_ =	shalt  }
0x69: {  	_ =	shalt  }
0x6a: {  	_ =	shalt  }
0x6b: {  	_ =	shalt  }
0x6c: {  	_ =	shalt  }
0x6d: {  	_ =	shalt  }
0x6e: {  	_ =	shalt  }
0x6f: {  	_ =	shalt  }
0x70: {  	_ =	shalt  }
0x71: {  	_ =	shalt  }
0x72: {  	_ =	shalt  }
0x73: {  	_ =	shalt  }
0x74: {  	_ =	shalt  }
0x75: {  	_ =	shalt  }
0x76: {  	_ =	shalt  }
0x77: {  	_ =	shalt  }
0x78: {  	_ =	shalt  }
0x79: {  	_ =	shalt  }
0x7a: {  	_ =	shalt  }
0x7b: {  	_ =	shalt  }
0x7c: {  	_ =	shalt  }
0x7d: {  	_ =	shalt  }
0x7e: {  	_ =	shalt  }
0x7f: {  	_ =	shalt  }
0x80: {  	_ =	shalt  }
0x81: {  	_ =	shalt  }
0x82: {  	_ =	shalt  }
0x83: {  	_ =	shalt  }
0x84: {  	_ =	shalt  }
0x85: {  	_ =	shalt  }
0x86: {  	_ =	shalt  }
0x87: {  	_ =	shalt  }
.Lfunc_end0:
.L_simem_size_0:
called_computation_lowered:
.L_overlay_start_0:
0x88: {  	s2 =	sld [smem:$0x3FD9]  }
0x89: {  	s3 =	sld [smem:$0x3FFE];
	_ =	sdelay $0x1  }
0x8a: {  	s1 =	srdreg.scid  }
0x8b: {  	s0 =	sand.u32 $0x1, s1  }
0x8c: {  	s16 =	sshll.u32 s0, $0xA;
	s2 =	sadd.s32 s3, s2  }
0x8d: {  	s2 =	sadd.s32 s2, s16  }
0x8e: {  	[smem:$0x3FBC] =	sst s2  }
0x8f: {  	_ = 	snop  }
0x90: {  	(tm) =	ssettm $0x1  }
0x91: {  	s17 =	sld [smem:$0x3FFB];
	_ =	sdelay $0x3  }
0x92: {  	_ =	strace s17  }
0x93: {  	s2 =	sld [smem:$0x3FFC];
	_ =	sdelay $0x3  }
0x94: {  	_ =	strace s2  }
0x95: {  	s2 =	sld [smem:$0x3FFD];
	_ =	sdelay $0x3  }
0x96: {  	_ =	strace s2  }
0x97: {  	_ =	strace $0x8FFFFFFF  }
0x98: {  	s18 =	sld [smem:$0x3FDB];
	_ =	sdelay $0x1  }
0x99: {  	s19 =	simm.s32 $_scs_section_size  }
0x9a: {  	s4 =	simm.s32 $_size__tile_overlayer_lowered;
	s5 =	simm.s32 $_tile_overlayer_lowered  }
0x9b: {  	s22 =	simm.s32 $0x1BFF;
	s21 =	sshll.u32 s5, $0x1;
	s2 =	sadd.s32 s19, s18  }
0x9c: {  	s6 =	simm.s32 $0x0;
	s20 =	sshll.u32 s4, $0x1;
	s4 =	sadd.s32 s21, s2  }
0x9d: {  	[timem:s6], [sflag:s22] =	dma.local [hbm:s4], s20  }
0x9e: {  	_ =	swait.ge [sflag:s22], s20  }
0x9f: {  	s3 =	ssub.s32 $0x0, s20;
	[sflag:s22] =	ssyncset.done $0x0  }
0xa0: {  	[sflag:s22] =	ssyncadd.s32 s3;
	_ =	sdelay $0x1  }
0xa1: {  	s23 =	simm.s32 $0x1B8B  }
0xa2: {  	_ =	swait.ge [sflag:s23], $0x1  }
0xa3: {  	[sflag:s23] =	ssyncset.done $0x0  }
0xa4: {  	s25 =	simm.s32 $0x1B8E;
	s24 =	sld [smem:$0x3FFE];
	[sflag:s23] =	ssyncadd.s32 $0xFFFFFFFF  }
0xa5: {  	s26 =	simm.s32 $execute0_lowered;
	[smem:$0x3FD2] =	sst s25  }
0xa6: {  	s4 =	sshll.u32 s26, $0x1;
	_ =	strace $0x80000046;
	[dreg:$0x1] =	wrdreg $0xFFFFFFFF  }
0xa7: {  	s28 =	simm.s32 $_size_execute0_lowered;
	s2 =	sadd.s32 s2, s4;
	[dreg:$0x0] =	wrdreg $0x0  }
0xa8: {  	s4 =	sshll.u32 s28, $0x1;
	[dreg:$0x2] =	wrdreg s2  }
0xa9: {  	[dreg:$0x3] =	wrdreg s4  }
0xaa: {  	[dreg:$0x4] =	wrdreg $0xC0  }
0xab: {  	_ =	task [dreg:s6], $0x5FFFF  }
0xac: {  	[dreg:$0x1] =	wrdreg $0xFFFFFFFF  }
0xad: {  	[dreg:$0x0] =	wrdreg $0x60  }
0xae: {  	[dreg:$0x2] =	wrdreg s24  }
0xaf: {  	[dreg:$0x3] =	wrdreg $0x5B000  }
0xb0: {  	[dreg:$0x4] =	wrdreg $0x9  }
0xb1: {  	_ =	task.clear_ibuf [dreg:s6], $0x5FFFF;
	_ =	strace $0x90000046  }
0xb2: {  	s29 =	simm.s32 $0x9;
	_ =	strace $0x80000048  }
0xb3: {  	_ =	swait.ge [sflag:s29], $0x1  }
0xb4: {  	[sflag:s29] =	ssyncadd.s32 $0xFFFFFFFF  }
0xb5: {  	_ =	strace $0x90000048  }
0xb6: {  	_ =	sfence  }
0xb7: {  	s30 =	sld [smem:$0x0];
	_ =	sdelay $0x2  }
0xb8: {  	s31 =	sshll.u32 s1, $0xD;
	s1 =	sshrl.u32 s1, $0x2  }
0xb9: {  	s3 =	sand.u32 $0x4000, s31;
	s1 =	sadd.s32 s1, s30  }
0xba: {  	s0 =	sor.u32 s3, s0;
	s1 =	sshll.u32 s1, $0x11  }
0xbb: {  	s0 =	sor.u32 s1, s0  }
0xbc: {  	s0 =	sadd.s32 $0x8F2B, s0  }
0xbd: {  	[sflag:s0] =	ssyncadd.remote.s32 $0x1  }
0xbe: {  	_ =	sfence.sel $0xFFFF  }
0xbf: {  	[dreg:$0x0] =	wrdreg $0xFFFFFFFF;
	(pc) =	sbr.abs _section_cstart, $3  }
0xc0: {  	[dreg:$0x1] =	wrdreg $0xFFFFFFFF  }
0xc1: {  	_ =	task.clear_ibuf [dreg:s6], $0x2FFFF;
	_ =	strace $0x9FFFFFFF  }
0xc2: {  	(tm) =	ssettm $0x7FFFFFFF  }
0xc3: {  	_ =	shalt  }
tec
execute0_lowered:
.L_overlay_start_1:
0x0: {  	(tag) =	ssettag $0x1  }
0x1: {  	s4 =	rddreg [dreg:$0x0];
	s0 =	stileid.u32  }
0x2: {  	s1 =	srdreg.scid;
	s2 =	rddreg [dreg:$0x1];
	s3 =	simm.s32 $0x0  }
0x3: {  	s10 =	simm.s32 $0x80;
	s11 =	simm.s32 $0x5800;
	s12 =	simm.s32 $0x1  }
0x4: {  	s13 =	simm.s32 $0x2;
	s14 =	simm.s32 $0x3;
	s15 =	simm.s32 $0x4  }
0x5: {  	s5 =	sand.u32 $0x1, s1;
	s6 =	smul.u32 $0x280, s0;
	s1 =	rddreg [dreg:$0x2]  }
0x6: {  	s18 =	simm.s32 $0x0;
	[smem:$0x7FF] =	sst s3;
	s7 =	smul.u32 $0x2800, s5  }
0x7: {  	s8 =	smul.u32 $0xB00, s0;
	s16 =	sshll.u32 s0, $0x6;
	_ =	strace $0x80000047  }
0x8: {  	s5 =	ssub.s32 $0x2, s5;
	s16 =	sor.u32 $0x1C05, s16;
	s7 =	sadd.s32 s6, s7  }
0x9: {  	s8 =	sadd.s32 s8, s4;
	s9 =	sshrl.u32 s5, $0x1;
	s7 =	sshrl.u32 s7, $0x3  }
0xa: {  	s9 =	ssub.s32 s5, s9;
	s5 =	sadd.s32 $0x2400, s8;
	s7 =	sadd.s32 s7, s4  }
0xb: {  	s8 =	simm.s32 $0x5880;
	s4 =	sadd.s32 s6, s2;
	s6 =	sadd.s32 $0xD400, s7  }
0xc: {  	v0 =	vimm.f32 $0.0e+00;
	v1 =	vimm.f32 $1.000000000e+00;
	s7 =	smax.u32 s9, $0x1;
	s9 =	simm.s32 $0x5;
	s17 =	sshrl.u32 s4, $0x3  }
.LBB2_1:
0xd: {  	[tilespmem:$0x5880] =	vst v0  }
0xe: {  	[tilespmem:$0x5890] =	vst v0  }
0xf: {  	[tilespmem:$0x58A0] =	vst v0  }
0x10: {  	[tilespmem:$0x58B0] =	vst v0  }
0x11: {  	[tilespmem:$0x58C0] =	vst v0  }
0x12: {  	[tilespmem:$0x58D0] =	vst v0  }
0x13: {  	[tilespmem:$0x58E0] =	vst v0  }
0x14: {  	[tilespmem:$0x58F0] =	vst v0  }
0x15: {  	[tilespmem:$0x5900] =	vst v0  }
0x16: {  	[tilespmem:$0x5910] =	vst v0  }
0x17: {  	[tilespmem:$0x5920] =	vst v0  }
0x18: {  	[tilespmem:$0x5930] =	vst v0  }
0x19: {  	[tilespmem:$0x5940] =	vst v0  }
0x1a: {  	[tilespmem:$0x5950] =	vst v0  }
0x1b: {  	[tilespmem:$0x5960] =	vst v0  }
0x1c: {  	[tilespmem:$0x5970] =	vst v0  }
0x1d: {  	[tilespmem:$0x5980] =	vst v0  }
0x1e: {  	[tilespmem:$0x5990] =	vst v0  }
0x1f: {  	[tilespmem:$0x59A0] =	vst v0  }
0x20: {  	[tilespmem:$0x59B0] =	vst v0  }
0x21: {  	[tilespmem:$0x59C0] =	vst v0  }
0x22: {  	[tilespmem:$0x59D0] =	vst v0  }
0x23: {  	[tilespmem:$0x59E0] =	vst v0  }
0x24: {  	[tilespmem:$0x59F0] =	vst v0  }
0x25: {  	[tilespmem:$0x5A00] =	vst v0  }
0x26: {  	[tilespmem:$0x5A10] =	vst v0  }
0x27: {  	[tilespmem:$0x5A20] =	vst v0  }
0x28: {  	[tilespmem:$0x5A30] =	vst v0  }
0x29: {  	[tilespmem:$0x5A40] =	vst v0  }
0x2a: {  	[tilespmem:$0x5A50] =	vst v0  }
0x2b: {  	[tilespmem:$0x5A60] =	vst v0  }
0x2c: {  	[tilespmem:$0x5A70] =	vst v0  }
0x2d: {  	[tilespmem:$0x5A80] =	vst v0  }
0x2e: {  	[tilespmem:$0x5A90] =	vst v0  }
0x2f: {  	[tilespmem:$0x5AA0] =	vst v0  }
0x30: {  	[tilespmem:$0x5AB0] =	vst v0  }
0x31: {  	[tilespmem:$0x5AC0] =	vst v0  }
0x32: {  	[tilespmem:$0x5AD0] =	vst v0  }
0x33: {  	[tilespmem:$0x5AE0] =	vst v0  }
0x34: {  	[tilespmem:$0x5AF0] =	vst v0  }
0x35: {  	[tilespmem:$0x5800] =	vst v1  }
0x36: {  	[tilespmem:$0x5810] =	vst v1  }
0x37: {  	[tilespmem:$0x5820] =	vst v1  }
0x38: {  	[tilespmem:$0x5830] =	vst v1  }
0x39: {  	[tilespmem:$0x5840] =	vst v1  }
0x3a: {  	[tilespmem:$0x5850] =	vst v1  }
0x3b: {  	[tilespmem:$0x5860] =	vst v1  }
0x3c: {  	[tilespmem:$0x5870] =	vst v1  }
0x3d: {  	[spmem:s4] =	stream.linear.scatter [tilespmem:s8], [sflag:$0x5], $0x280, $0x38;
	[tilespmem:$0x5D80] =	vst v63  }
0x3e: {  	_ =	swait.ge [sflag:s9], $0x280  }
0x3f: {  	[sflag:s9] =	ssyncset.done $0x0  }
0x40: {  	[sflag:s9] =	ssyncadd.s32 $0xFFFFFD80  }
0x41: {  	[bflag:$0x0] =	sbarrier.arrive $0xFFFF  }
0x42: {  	[tilespmem:s3], [sflag:$0x5] =	stream.linear.gather [hbm4b:s5+s3], $0x5800, $0x38;
	[tilespmem:$0x5D80] =	vst v63  }
0x43: {  	_ =	swait.ge [sflag:s9], $0x5800  }
0x44: {  	[sflag:s9] =	ssyncset.done $0x0  }
0x45: {  	s19 =	simm.s32 $0x0;
	[sflag:s9] =	ssyncadd.s32 $0xFFFFA800  }
0x46: {  	[spmem:s2] =	stream.indirect.scatter.add.f32 [tilespmem:s11], [sflag:$0x1], $0x1, s19, s10, $0xb8;
	[tilespmem:$0x5D80] =	vst v63  }
0x47: {  	s29 =	simm.s32 $0x80  }
0x48: {  	[spmem:s2] =	stream.indirect.scatter.add.f32 [tilespmem:s11], [sflag:$0x2], $0x1, s29, s10, $0xb8;
	[tilespmem:$0x5D80] =	vst v63  }
0x49: {  	s30 =	simm.s32 $0x100  }
0x4a: {  	[spmem:s2] =	stream.indirect.scatter.add.f32 [tilespmem:s11], [sflag:$0x3], $0x1, s30, s10, $0xb8;
	[tilespmem:$0x5D80] =	vst v63  }
0x4b: {  	s31 =	simm.s32 $0x180  }
0x4c: {  	[spmem:s2] =	stream.indirect.scatter.add.f32 [tilespmem:s11], [sflag:$0x4], $0x1, s31, s10, $0xb8;
	[tilespmem:$0x5D80] =	vst v63  }
0x4d: {  	_ =	swait.ge [sflag:s12], $0x80  }
0x4e: {  	[sflag:s12] =	ssyncset.done $0x0  }
0x4f: {  	[sflag:s12] =	ssyncadd.s32 $0xFFFFFF80  }
0x50: {  	_ =	swait.ge [sflag:s13], $0x80  }
0x51: {  	[sflag:s13] =	ssyncset.done $0x0  }
0x52: {  	[sflag:s13] =	ssyncadd.s32 $0xFFFFFF80  }
0x53: {  	_ =	swait.ge [sflag:s14], $0x80  }
0x54: {  	[sflag:s14] =	ssyncset.done $0x0  }
0x55: {  	[sflag:s14] =	ssyncadd.s32 $0xFFFFFF80  }
0x56: {  	_ =	swait.ge [sflag:s15], $0x80  }
0x57: {  	s20 =	simm.s32 $0x1000;
	s19 =	simm.s32 $0x800;
	[sflag:s15] =	ssyncset.done $0x0  }
.LBB2_2:
0x58: {  	s21 =	sshra.s32 s19, $0x2  }
0x59: {  	[sflag:s15] =	ssyncadd.s32 $0xFFFFFF80;
	s19 =	smov.u32 s20;
	s22 =	sadd.s32 $0x800, s20  }
0x5a: {  	[spmem:s2] =	stream.indirect.scatter.add.f32 [tilespmem:s11], [sflag:$0x1], $0x1, s21, s10, $0xb8;
	[tilespmem:$0x5D80] =	vst v63  }
0x5b: {  	p0 =	sne.s32 s20, $0x15800;
	s20 =	sadd.s32 $0x80, s21  }
0x5c: {  	[spmem:s2] =	stream.indirect.scatter.add.f32 [tilespmem:s11], [sflag:$0x2], $0x1, s20, s10, $0xb8;
	[tilespmem:$0x5D80] =	vst v63  }
0x5d: {  	s20 =	sadd.s32 $0x100, s21  }
0x5e: {  	[spmem:s2] =	stream.indirect.scatter.add.f32 [tilespmem:s11], [sflag:$0x3], $0x1, s20, s10, $0xb8;
	[tilespmem:$0x5D80] =	vst v63  }
0x5f: {  	s20 =	sadd.s32 $0x180, s21  }
0x60: {  	[spmem:s2] =	stream.indirect.scatter.add.f32 [tilespmem:s11], [sflag:$0x4], $0x1, s20, s10, $0xb8;
	[tilespmem:$0x5D80] =	vst v63  }
0x61: {  	_ =	swait.ge [sflag:s12], $0x80  }
0x62: {  	[sflag:s12] =	ssyncset.done $0x0  }
0x63: {  	[sflag:s12] =	ssyncadd.s32 $0xFFFFFF80  }
0x64: {  	_ =	swait.ge [sflag:s13], $0x80  }
0x65: {  	[sflag:s13] =	ssyncset.done $0x0  }
0x66: {  	[sflag:s13] =	ssyncadd.s32 $0xFFFFFF80  }
.Ltmp0:
0x67: {  	_ =	swait.ge [sflag:s14], $0x80;
	(pc) =	sbr.rel @p0 .LBB2_2-.Ltmp0, $4  }
0x68: {  	[sflag:s14] =	ssyncset.done $0x0  }
0x69: {  	[sflag:s14] =	ssyncadd.s32 $0xFFFFFF80  }
0x6a: {  	_ =	swait.ge [sflag:s15], $0x80  }
0x6b: {  	s20 =	smov.u32 s22;
	[sflag:s15] =	ssyncset.done $0x0  }
0x6c: {  	s19 =	sshra.s32 s19, $0x2;
	[sflag:s15] =	ssyncadd.s32 $0xFFFFFF80  }
0x6d: {  	[spmem:s2] =	stream.indirect.scatter.add.f32 [tilespmem:s11], [sflag:$0x1], $0x1, s19, s10, $0xb8;
	[tilespmem:$0x5D80] =	vst v63  }
0x6e: {  	s20 =	sadd.s32 $0x80, s19  }
0x6f: {  	[spmem:s2] =	stream.indirect.scatter.add.f32 [tilespmem:s11], [sflag:$0x2], $0x1, s20, s10, $0xb8;
	[tilespmem:$0x5D80] =	vst v63  }
0x70: {  	s31 =	sadd.s32 $0x100, s19  }
0x71: {  	[spmem:s2] =	stream.indirect.scatter.add.f32 [tilespmem:s11], [sflag:$0x3], $0x1, s31, s10, $0xb8;
	[tilespmem:$0x5D80] =	vst v63  }
0x72: {  	s19 =	sadd.s32 $0x180, s19  }
0x73: {  	[spmem:s2] =	stream.indirect.scatter.add.f32 [tilespmem:s11], [sflag:$0x4], $0x1, s19, s10, $0xb8;
	[tilespmem:$0x5D80] =	vst v63  }
0x74: {  	_ =	swait.ge [sflag:s12], $0x80  }
0x75: {  	[sflag:s12] =	ssyncset.done $0x0  }
0x76: {  	[sflag:s12] =	ssyncadd.s32 $0xFFFFFF80  }
0x77: {  	_ =	swait.ge [sflag:s13], $0x80  }
0x78: {  	[sflag:s13] =	ssyncset.done $0x0  }
0x79: {  	[sflag:s13] =	ssyncadd.s32 $0xFFFFFF80  }
0x7a: {  	_ =	swait.ge [sflag:s14], $0x80  }
0x7b: {  	[sflag:s14] =	ssyncset.done $0x0  }
0x7c: {  	[sflag:s14] =	ssyncadd.s32 $0xFFFFFF80  }
0x7d: {  	_ =	swait.ge [sflag:s15], $0x80  }
0x7e: {  	s18 =	sadd.s32 $0x1, s18;
	[sflag:s15] =	ssyncset.done $0x0  }
0x7f: {  	p0 =	sne.s32 s18, s7;
	[sflag:s15] =	ssyncadd.s32 $0xFFFFFF80  }
.Ltmp1:
0x80: {  	[bflag:$0x0] =	sbarrier.arrive $0xFFFF;
	(pc) =	sbr.rel @p0 .LBB2_1-.Ltmp1, $4  }
0x81: {  	[hbm:s6], [sflag:s16] =	dma.local [spmem:s17], $0x50  }
0x82: {  	_ =	swait.ge [sflag:s9], $0x50  }
0x83: {  	[sflag:s9] =	ssyncset.done $0x0  }
0x84: {  	[sflag:s9] =	ssyncadd.s32 $0xFFFFFFB0  }
0x85: {  	_ =	sfence.sel $0x180000  }
0x86: {  	[bflag:$0x0] =	sbarrier.arrive $0xFFFF  }
0x87: {  	p0 =	sne.s32 s0, $0x0;
	_ =	strace $0x90000047  }
0x88: {  	s0 =	sadd.s32 @!p0 $0x100000, s1;
	[bflag:$0x2] =	sbarrier.arrive $0xFFFF  }
0x89: {  	[sflag:s0] =	ssyncadd.tile.s32 @!p0 $0x1;
	_ =	shalt  }
.Lfunc_end2:
_tile_overlayer_lowered:
.L_overlay_start_2:
0x8a: {  	(tag) =	ssettag $0x2  }
0x8b: {  	s0 =	rddreg [dreg:$0x0];
	s2 =	stileid.u32  }
0x8c: {  	s1 =	rddreg [dreg:$0x1];
	p0 =	sne.s32 s2, $0x0  }
0x8d: {  	s3 =	rddreg [dreg:$0x2];
	[bflag:$0x3] =	sbarrier.arrive $0xFFFF;
	s2 =	simm.s32 @!p0 $0x1C05  }
0x8e: {  	[timem:s3], [sflag:s2] =	dma.local @!p0 [hbm:s0], s1  }
0x8f: {  	s0 =	simm.s32 @!p0 $0x5  }
0x90: {  	_ =	swait.ge @!p0 [sflag:s0], s1  }
0x91: {  	s1 =	ssub.s32 @!p0 $0x0, s1;
	[sflag:s0] =	ssyncset.done @!p0 $0x0  }
0x92: {  	[sflag:s0] =	ssyncadd.s32 @!p0 s1  }
0x93: {  	[bflag:$0x3] =	sbarrier.arrive $0xFFFF  }
0x94: {  	_ =	shalt  }

</sc_bundles>
